<compile_context>
chip_gen: v7x
topology: tpu7x:2x2x1
jax: 0.10.2.dev20260603
libtpu: 0.0.44.dev20260713+nightly
codegen_flags: <defaults>
</compile_context>

<pallas_src>
import functools

import jax
import jax.numpy as jnp
from jax import lax
from jax.experimental import pallas as pl
from jax.experimental.pallas import tpu as pltpu, tpu_sc as plsc

N_EDGES = 320000
DIM_EMB = 128
DIM_DICT_ROWS = 400

_CHUNK = 80
_NCHUNK = N_EDGES // _CHUNK
_NB = 10
_LA = 5
_TS = 40


def _make_kernel(n_workers: int):
    cpw = _NCHUNK // n_workers
    ids_pw = cpw * _CHUNK
    mesh = plsc.VectorSubcoreMesh(core_axis_name="c", subcore_axis_name="s")

    @functools.partial(
        pl.kernel,
        mesh=mesh,
        out_type=jax.ShapeDtypeStruct((_NCHUNK, _CHUNK, DIM_EMB), jnp.float32),
        scratch_types=[
            pltpu.VMEM((ids_pw,), jnp.int32),
            pltpu.VMEM_SHARED((DIM_DICT_ROWS, DIM_EMB), jnp.float32),
            pltpu.VMEM((_NB, _CHUNK, DIM_EMB), jnp.float32),
            pltpu.SemaphoreType.DMA,
            *([pltpu.SemaphoreType.DMA] * _NB),
            *([pltpu.SemaphoreType.DMA] * _NB),
        ],
    )
    def k(et_hbm, table_hbm, out_hbm, idx_all, table_sh, rows, ssem, *sems):
        gsems, wsems = sems[:_NB], sems[_NB:]
        sid = lax.axis_index("s")
        wid = sid * 2 + lax.axis_index("c")
        base = wid * cpw

        ids_cp = pltpu.async_copy(
            et_hbm.at[pl.ds(pl.multiple_of(wid * ids_pw, 8), ids_pw)],
            idx_all, ssem)

        @pl.when(sid < DIM_DICT_ROWS // _TS)
        def _stage_table():
            pltpu.async_copy(
                table_hbm.at[pl.ds(pl.multiple_of(sid * _TS, 8), _TS)],
                table_sh.at[pl.ds(pl.multiple_of(sid * _TS, 8), _TS)],
                ssem).wait()

        ids_cp.wait()
        plsc.subcore_barrier()

        def idx_at(c):
            return idx_all.at[pl.ds(pl.multiple_of(c * _CHUNK, 8), _CHUNK)]

        def gather(c, b):
            pltpu.async_copy(table_sh.at[idx_at(c)], rows.at[b], gsems[b])

        def wait_gather(c, b):
            pltpu.make_async_copy(
                table_sh.at[idx_at(c)], rows.at[b], gsems[b]).wait()

        def write(c, b):
            pltpu.async_copy(rows.at[b], out_hbm.at[base + c], wsems[b])

        def wait_write(c, b):
            pltpu.make_async_copy(
                rows.at[b], out_hbm.at[base + c], wsems[b]).wait()

        for c in range(_LA):
            gather(c, c % _NB)
        for c in range(_LA):
            wait_gather(c, c % _NB)
            write(c, c % _NB)
            gather(c + _LA, (c + _LA) % _NB)

        def step(c, k_):
            b = (_LA + k_) % _NB
            wait_gather(c, b)
            write(c, b)
            wait_write(c - _LA, (b + _LA) % _NB)
            gather(c + _LA, (b + _LA) % _NB)

        @pl.loop(0, (cpw - 2 * _LA) // _NB)
        def grp(g):
            for k_ in range(_NB):
                step(_LA + g * _NB + k_, k_)

        main_end = _LA + ((cpw - 2 * _LA) // _NB) * _NB
        for c in range(main_end, cpw - _LA):
            step(c, c - _LA)
        for c in range(cpw - _LA, cpw):
            b = c % _NB
            wait_gather(c, b)
            write(c, b)
            wait_write(c - _LA, (b + _LA) % _NB)
        for c in range(cpw - _LA, cpw):
            wait_write(c, c % _NB)

    return k


def kernel(edge_type, embedding):
    et = edge_type.astype(jnp.int32)
    out = _make_kernel(32)(et, embedding)
    return out.reshape(N_EDGES, DIM_EMB)

# --- scband reference (transcript-rebuilt; emitter-appended) ---
"""Pipeline reference for scband-edge-embedding-29274497089900 (READ-ONLY COPY).

The authoritative reference and input builder live on the scoring server;
editing this copy changes nothing except your own understanding.
"""

import jax, jax.numpy as jnp
import numpy as np

N_EDGES = 320000
DIM_DICT = 400
DIM_EMB = 128

def setup_inputs(seed: int = 0) -> dict:
    key = jax.random.key(seed)
    k1, k2 = jax.random.split(key)
    edge_type = jax.random.randint(k1, (N_EDGES,), 0, DIM_DICT, dtype=jnp.int64) if jax.config.jax_enable_x64 else jax.random.randint(k1, (N_EDGES,), 0, DIM_DICT, dtype=jnp.int32)
    embedding = jax.random.normal(k2, (DIM_DICT, DIM_EMB), dtype=jnp.float32)
    # nn.Embedding with padding_idx=0: row 0 is initialized to zeros
    embedding = embedding.at[0].set(0.0)
    return {"edge_type": edge_type, "embedding": embedding}

def reference(edge_type, embedding):
    # EdgeEmbedding.forward: g.edata['feat'] = self.embedding(g.edata['type'])
    # i.e. a plain embedding-table gather over edge type ids.
    feat = jnp.take(embedding, edge_type, axis=0)
    return feat

if __name__ == "__main__":
    import jax
    _d = setup_inputs()
    print(jax.jit(kernel)(*tuple(_d.values())))

</pallas_src>

<mosaic_0001>
#map = affine_map<(d0, d1) -> (0)>
#map1 = affine_map<(d0, d1) -> (0, 0)>
#map2 = affine_map<(d0, d1) -> (0, 0, 0)>
module attributes {stable_mosaic.version = 14 : i64} {
  func.func @k(%arg0: i32, %arg1: i32, %arg2: memref<320000xi32, #tpu.memory_space<hbm>>, %arg3: memref<400x128xf32, #tpu.memory_space<hbm>>, %arg4: memref<4000x80x128xf32, #tpu.memory_space<hbm>>, %arg5: memref<10000xi32, #tpu.memory_space<vmem>>, %arg6: memref<400x128xf32, #tpu.memory_space<vmem_shared>>, %arg7: memref<10x80x128xf32, #tpu.memory_space<vmem>>, %arg8: memref<!tpu.dma_semaphore, #tpu.memory_space<semaphore_mem>>, %arg9: memref<!tpu.dma_semaphore, #tpu.memory_space<semaphore_mem>>, %arg10: memref<!tpu.dma_semaphore, #tpu.memory_space<semaphore_mem>>, %arg11: memref<!tpu.dma_semaphore, #tpu.memory_space<semaphore_mem>>, %arg12: memref<!tpu.dma_semaphore, #tpu.memory_space<semaphore_mem>>, %arg13: memref<!tpu.dma_semaphore, #tpu.memory_space<semaphore_mem>>, %arg14: memref<!tpu.dma_semaphore, #tpu.memory_space<semaphore_mem>>, %arg15: memref<!tpu.dma_semaphore, #tpu.memory_space<semaphore_mem>>, %arg16: memref<!tpu.dma_semaphore, #tpu.memory_space<semaphore_mem>>, %arg17: memref<!tpu.dma_semaphore, #tpu.memory_space<semaphore_mem>>, %arg18: memref<!tpu.dma_semaphore, #tpu.memory_space<semaphore_mem>>, %arg19: memref<!tpu.dma_semaphore, #tpu.memory_space<semaphore_mem>>, %arg20: memref<!tpu.dma_semaphore, #tpu.memory_space<semaphore_mem>>, %arg21: memref<!tpu.dma_semaphore, #tpu.memory_space<semaphore_mem>>, %arg22: memref<!tpu.dma_semaphore, #tpu.memory_space<semaphore_mem>>, %arg23: memref<!tpu.dma_semaphore, #tpu.memory_space<semaphore_mem>>, %arg24: memref<!tpu.dma_semaphore, #tpu.memory_space<semaphore_mem>>, %arg25: memref<!tpu.dma_semaphore, #tpu.memory_space<semaphore_mem>>, %arg26: memref<!tpu.dma_semaphore, #tpu.memory_space<semaphore_mem>>, %arg27: memref<!tpu.dma_semaphore, #tpu.memory_space<semaphore_mem>>, %arg28: memref<!tpu.dma_semaphore, #tpu.memory_space<semaphore_mem>>) attributes {dimension_semantics = [#tpu.dimension_semantics<core_parallel>, #tpu.dimension_semantics<subcore_parallel>], iteration_bounds = array<i64: 2, 16>, scalar_prefetch = 0 : i64, scratch_operands = 24 : i64, tpu.core_type = #tpu.core_type<sc_vector_subcore>, window_params = [{transform_indices = #map}, {transform_indices = #map1}, {transform_indices = #map2}]} {
    %mul3A = arith.constant 2 : i32
    %mul3A_0 = arith.muli %arg1, %mul3A : i32
    %add3A = arith.addi %mul3A_0, %arg0 : i32
    %mul3A_1 = arith.constant 125 : i32
    %mul3A_2 = arith.muli %add3A, %mul3A_1 : i32
    %mul3A_3 = arith.constant 10000 : i32
    %mul3A_4 = arith.muli %add3A, %mul3A_3 : i32
    %multiple_of3A = tpu.assume_multiple %mul3A_4, 8 : i32
    %dma_start3A = tpu.memref_slice %arg2[%multiple_of3A] : memref<320000xi32, #tpu.memory_space<hbm>> -> memref<10000xi32, #tpu.memory_space<hbm>>
    %dma_start3A_5 = tpu.memref_slice %arg2[%multiple_of3A] : memref<320000xi32, #tpu.memory_space<hbm>> -> memref<10000xi32, #tpu.memory_space<hbm>>
    tpu.enqueue_dma source(%dma_start3A_5 : memref<10000xi32, #tpu.memory_space<hbm>>) target(%arg5 : memref<10000xi32, #tpu.memory_space<vmem>>) target_semaphore(%arg8 : memref<!tpu.dma_semaphore, #tpu.memory_space<semaphore_mem>>)
    %lt3A = arith.constant 10 : i32
    %lt3A_6 = arith.cmpi slt, %arg1, %lt3A : i32
    %convert_element_type3A = arith.extui %lt3A_6 : i1 to i32
    %cond3A = arith.constant 0 : i32
    %cond3A_7 = arith.cmpi ne, %convert_element_type3A, %cond3A : i32
    scf.if %cond3A_7 {
      %mul3A_913 = arith.constant 40 : i32
      %mul3A_914 = arith.muli %arg1, %mul3A_913 : i32
      %multiple_of3A_915 = tpu.assume_multiple %mul3A_914, 8 : i32
      %mul3A_916 = arith.constant 40 : i32
      %mul3A_917 = arith.muli %arg1, %mul3A_916 : i32
      %multiple_of3A_918 = tpu.assume_multiple %mul3A_917, 8 : i32
      %dma_start3A_919 = arith.constant 0 : i32
      %dma_start3A_920 = tpu.memref_slice %arg6[%multiple_of3A_918, %dma_start3A_919] : memref<400x128xf32, #tpu.memory_space<vmem_shared>> -> memref<40x128xf32, #tpu.memory_space<vmem_shared>>
      %dma_start3A_921 = arith.constant 0 : i32
      %dma_start3A_922 = tpu.memref_slice %arg3[%multiple_of3A_915, %dma_start3A_921] : memref<400x128xf32, #tpu.memory_space<hbm>> -> memref<40x128xf32, #tpu.memory_space<hbm>>
      tpu.enqueue_dma source(%dma_start3A_922 : memref<40x128xf32, #tpu.memory_space<hbm>>) target(%dma_start3A_920 : memref<40x128xf32, #tpu.memory_space<vmem_shared>>) target_semaphore(%arg8 : memref<!tpu.dma_semaphore, #tpu.memory_space<semaphore_mem>>)
      %dma_wait3A_923 = arith.constant 0 : i32
      %dma_wait3A_924 = tpu.memref_slice %arg6[%multiple_of3A_918, %dma_wait3A_923] : memref<400x128xf32, #tpu.memory_space<vmem_shared>> -> memref<40x128xf32, #tpu.memory_space<vmem_shared>>
      %dma_wait3A_925 = arith.constant 0 : i32
      %dma_wait3A_926 = tpu.memref_slice %arg3[%multiple_of3A_915, %dma_wait3A_925] : memref<400x128xf32, #tpu.memory_space<hbm>> -> memref<40x128xf32, #tpu.memory_space<hbm>>
      tpu.wait_dma2 semaphore(%arg8 : memref<!tpu.dma_semaphore, #tpu.memory_space<semaphore_mem>>) src(%dma_wait3A_926 : memref<40x128xf32, #tpu.memory_space<hbm>>) dst(%dma_wait3A_924 : memref<40x128xf32, #tpu.memory_space<vmem_shared>>)
    } else {
    }
    %dma_wait3A = tpu.memref_slice %arg2[%multiple_of3A] : memref<320000xi32, #tpu.memory_space<hbm>> -> memref<10000xi32, #tpu.memory_space<hbm>>
    %dma_wait3A_8 = tpu.memref_slice %arg2[%multiple_of3A] : memref<320000xi32, #tpu.memory_space<hbm>> -> memref<10000xi32, #tpu.memory_space<hbm>>
    tpu.wait_dma2 semaphore(%arg8 : memref<!tpu.dma_semaphore, #tpu.memory_space<semaphore_mem>>) src(%dma_wait3A_8 : memref<10000xi32, #tpu.memory_space<hbm>>) dst(%arg5 : memref<10000xi32, #tpu.memory_space<vmem>>)
    %barrier3A = arith.constant 0 : index
    tpu.barrier barrier_id(%barrier3A)
    %multiple_of3A_9 = arith.constant 0 : i32
    %multiple_of3A_10 = tpu.assume_multiple %multiple_of3A_9, 8 : i32
    %dma_start3A_11 = arith.constant 0 : i32
    %dma_start3A_12 = arith.constant 0 : i32
    %dma_start3A_13 = arith.constant 0 : i32
    %dma_start3A_14 = tpu.memref_slice %arg7[%dma_start3A_11, %dma_start3A_12, %dma_start3A_13] : memref<10x80x128xf32, #tpu.memory_space<vmem>> -> memref<1x80x128xf32, #tpu.memory_space<vmem>>
    %dma_start3A_15 = tpu.memref_squeeze %dma_start3A_14 : memref<1x80x128xf32, #tpu.memory_space<vmem>> -> memref<80x128xf32, #tpu.memory_space<vmem>>
    %dma_start3A_16 = tpu.memref_slice %arg5[%multiple_of3A_10] : memref<10000xi32, #tpu.memory_space<vmem>> -> memref<80xi32, #tpu.memory_space<vmem>>
    %dma_start3A_17 = arith.constant 0 : i32
    %dma_start3A_18 = arith.constant 0 : i32
    %dma_start3A_19 = tpu.memref_slice %arg6[%dma_start3A_17, %dma_start3A_18] : memref<400x128xf32, #tpu.memory_space<vmem_shared>> -> memref<400x128xf32, #tpu.memory_space<vmem_shared>>
    tpu.enqueue_indirect_dma source(%dma_start3A_19 : memref<400x128xf32, #tpu.memory_space<vmem_shared>>) target(%dma_start3A_15 : memref<80x128xf32, #tpu.memory_space<vmem>>) offsets(%dma_start3A_16 : memref<80xi32, #tpu.memory_space<vmem>>) semaphore(%arg9 : memref<!tpu.dma_semaphore, #tpu.memory_space<semaphore_mem>>)
    %multiple_of3A_20 = arith.constant 80 : i32
    %multiple_of3A_21 = tpu.assume_multiple %multiple_of3A_20, 8 : i32
    %dma_start3A_22 = arith.constant 1 : i32
    %dma_start3A_23 = arith.constant 0 : i32
    %dma_start3A_24 = arith.constant 0 : i32
    %dma_start3A_25 = tpu.memref_slice %arg7[%dma_start3A_22, %dma_start3A_23, %dma_start3A_24] : memref<10x80x128xf32, #tpu.memory_space<vmem>> -> memref<1x80x128xf32, #tpu.memory_space<vmem>>
    %dma_start3A_26 = tpu.memref_squeeze %dma_start3A_25 : memref<1x80x128xf32, #tpu.memory_space<vmem>> -> memref<80x128xf32, #tpu.memory_space<vmem>>
    %dma_start3A_27 = tpu.memref_slice %arg5[%multiple_of3A_21] : memref<10000xi32, #tpu.memory_space<vmem>> -> memref<80xi32, #tpu.memory_space<vmem>>
    %dma_start3A_28 = arith.constant 0 : i32
    %dma_start3A_29 = arith.constant 0 : i32
    %dma_start3A_30 = tpu.memref_slice %arg6[%dma_start3A_28, %dma_start3A_29] : memref<400x128xf32, #tpu.memory_space<vmem_shared>> -> memref<400x128xf32, #tpu.memory_space<vmem_shared>>
    tpu.enqueue_indirect_dma source(%dma_start3A_30 : memref<400x128xf32, #tpu.memory_space<vmem_shared>>) target(%dma_start3A_26 : memref<80x128xf32, #tpu.memory_space<vmem>>) offsets(%dma_start3A_27 : memref<80xi32, #tpu.memory_space<vmem>>) semaphore(%arg10 : memref<!tpu.dma_semaphore, #tpu.memory_space<semaphore_mem>>)
    %multiple_of3A_31 = arith.constant 160 : i32
    %multiple_of3A_32 = tpu.assume_multiple %multiple_of3A_31, 8 : i32
    %dma_start3A_33 = arith.constant 2 : i32
    %dma_start3A_34 = arith.constant 0 : i32
    %dma_start3A_35 = arith.constant 0 : i32
    %dma_start3A_36 = tpu.memref_slice %arg7[%dma_start3A_33, %dma_start3A_34, %dma_start3A_35] : memref<10x80x128xf32, #tpu.memory_space<vmem>> -> memref<1x80x128xf32, #tpu.memory_space<vmem>>
    %dma_start3A_37 = tpu.memref_squeeze %dma_start3A_36 : memref<1x80x128xf32, #tpu.memory_space<vmem>> -> memref<80x128xf32, #tpu.memory_space<vmem>>
    %dma_start3A_38 = tpu.memref_slice %arg5[%multiple_of3A_32] : memref<10000xi32, #tpu.memory_space<vmem>> -> memref<80xi32, #tpu.memory_space<vmem>>
    %dma_start3A_39 = arith.constant 0 : i32
    %dma_start3A_40 = arith.constant 0 : i32
    %dma_start3A_41 = tpu.memref_slice %arg6[%dma_start3A_39, %dma_start3A_40] : memref<400x128xf32, #tpu.memory_space<vmem_shared>> -> memref<400x128xf32, #tpu.memory_space<vmem_shared>>
    tpu.enqueue_indirect_dma source(%dma_start3A_41 : memref<400x128xf32, #tpu.memory_space<vmem_shared>>) target(%dma_start3A_37 : memref<80x128xf32, #tpu.memory_space<vmem>>) offsets(%dma_start3A_38 : memref<80xi32, #tpu.memory_space<vmem>>) semaphore(%arg11 : memref<!tpu.dma_semaphore, #tpu.memory_space<semaphore_mem>>)
    %multiple_of3A_42 = arith.constant 240 : i32
    %multiple_of3A_43 = tpu.assume_multiple %multiple_of3A_42, 8 : i32
    %dma_start3A_44 = arith.constant 3 : i32
    %dma_start3A_45 = arith.constant 0 : i32
    %dma_start3A_46 = arith.constant 0 : i32
    %dma_start3A_47 = tpu.memref_slice %arg7[%dma_start3A_44, %dma_start3A_45, %dma_start3A_46] : memref<10x80x128xf32, #tpu.memory_space<vmem>> -> memref<1x80x128xf32, #tpu.memory_space<vmem>>
    %dma_start3A_48 = tpu.memref_squeeze %dma_start3A_47 : memref<1x80x128xf32, #tpu.memory_space<vmem>> -> memref<80x128xf32, #tpu.memory_space<vmem>>
    %dma_start3A_49 = tpu.memref_slice %arg5[%multiple_of3A_43] : memref<10000xi32, #tpu.memory_space<vmem>> -> memref<80xi32, #tpu.memory_space<vmem>>
    %dma_start3A_50 = arith.constant 0 : i32
    %dma_start3A_51 = arith.constant 0 : i32
    %dma_start3A_52 = tpu.memref_slice %arg6[%dma_start3A_50, %dma_start3A_51] : memref<400x128xf32, #tpu.memory_space<vmem_shared>> -> memref<400x128xf32, #tpu.memory_space<vmem_shared>>
    tpu.enqueue_indirect_dma source(%dma_start3A_52 : memref<400x128xf32, #tpu.memory_space<vmem_shared>>) target(%dma_start3A_48 : memref<80x128xf32, #tpu.memory_space<vmem>>) offsets(%dma_start3A_49 : memref<80xi32, #tpu.memory_space<vmem>>) semaphore(%arg12 : memref<!tpu.dma_semaphore, #tpu.memory_space<semaphore_mem>>)
    %multiple_of3A_53 = arith.constant 320 : i32
    %multiple_of3A_54 = tpu.assume_multiple %multiple_of3A_53, 8 : i32
    %dma_start3A_55 = arith.constant 4 : i32
    %dma_start3A_56 = arith.constant 0 : i32
    %dma_start3A_57 = arith.constant 0 : i32
    %dma_start3A_58 = tpu.memref_slice %arg7[%dma_start3A_55, %dma_start3A_56, %dma_start3A_57] : memref<10x80x128xf32, #tpu.memory_space<vmem>> -> memref<1x80x128xf32, #tpu.memory_space<vmem>>
    %dma_start3A_59 = tpu.memref_squeeze %dma_start3A_58 : memref<1x80x128xf32, #tpu.memory_space<vmem>> -> memref<80x128xf32, #tpu.memory_space<vmem>>
    %dma_start3A_60 = tpu.memref_slice %arg5[%multiple_of3A_54] : memref<10000xi32, #tpu.memory_space<vmem>> -> memref<80xi32, #tpu.memory_space<vmem>>
    %dma_start3A_61 = arith.constant 0 : i32
    %dma_start3A_62 = arith.constant 0 : i32
    %dma_start3A_63 = tpu.memref_slice %arg6[%dma_start3A_61, %dma_start3A_62] : memref<400x128xf32, #tpu.memory_space<vmem_shared>> -> memref<400x128xf32, #tpu.memory_space<vmem_shared>>
    tpu.enqueue_indirect_dma source(%dma_start3A_63 : memref<400x128xf32, #tpu.memory_space<vmem_shared>>) target(%dma_start3A_59 : memref<80x128xf32, #tpu.memory_space<vmem>>) offsets(%dma_start3A_60 : memref<80xi32, #tpu.memory_space<vmem>>) semaphore(%arg13 : memref<!tpu.dma_semaphore, #tpu.memory_space<semaphore_mem>>)
    %multiple_of3A_64 = arith.constant 0 : i32
    %multiple_of3A_65 = tpu.assume_multiple %multiple_of3A_64, 8 : i32
    %dma_wait3A_66 = arith.constant 0 : i32
    %dma_wait3A_67 = arith.constant 0 : i32
    %dma_wait3A_68 = arith.constant 0 : i32
    %dma_wait3A_69 = tpu.memref_slice %arg7[%dma_wait3A_66, %dma_wait3A_67, %dma_wait3A_68] : memref<10x80x128xf32, #tpu.memory_space<vmem>> -> memref<1x80x128xf32, #tpu.memory_space<vmem>>
    %dma_wait3A_70 = tpu.memref_squeeze %dma_wait3A_69 : memref<1x80x128xf32, #tpu.memory_space<vmem>> -> memref<80x128xf32, #tpu.memory_space<vmem>>
    %dma_wait3A_71 = tpu.memref_slice %arg5[%multiple_of3A_65] : memref<10000xi32, #tpu.memory_space<vmem>> -> memref<80xi32, #tpu.memory_space<vmem>>
    %dma_wait3A_72 = arith.constant 0 : i32
    %dma_wait3A_73 = arith.constant 0 : i32
    %dma_wait3A_74 = tpu.memref_slice %arg6[%dma_wait3A_72, %dma_wait3A_73] : memref<400x128xf32, #tpu.memory_space<vmem_shared>> -> memref<400x128xf32, #tpu.memory_space<vmem_shared>>
    tpu.wait_indirect_dma semaphore(%arg9 : memref<!tpu.dma_semaphore, #tpu.memory_space<semaphore_mem>>) src(%dma_wait3A_74 : memref<400x128xf32, #tpu.memory_space<vmem_shared>>) dst(%dma_wait3A_70 : memref<80x128xf32, #tpu.memory_space<vmem>>)
    %add3A_75 = arith.constant 0 : i32
    %add3A_76 = arith.addi %mul3A_2, %add3A_75 : i32
    %dma_start3A_77 = arith.constant 0 : i32
    %dma_start3A_78 = arith.constant 0 : i32
    %dma_start3A_79 = arith.constant 0 : i32
    %dma_start3A_80 = tpu.memref_slice %arg7[%dma_start3A_77, %dma_start3A_78, %dma_start3A_79] : memref<10x80x128xf32, #tpu.memory_space<vmem>> -> memref<1x80x128xf32, #tpu.memory_space<vmem>>
    %dma_start3A_81 = tpu.memref_squeeze %dma_start3A_80 : memref<1x80x128xf32, #tpu.memory_space<vmem>> -> memref<80x128xf32, #tpu.memory_space<vmem>>
    %dma_start3A_82 = arith.constant 0 : i32
    %dma_start3A_83 = arith.constant 0 : i32
    %dma_start3A_84 = tpu.memref_slice %arg4[%add3A_76, %dma_start3A_82, %dma_start3A_83] : memref<4000x80x128xf32, #tpu.memory_space<hbm>> -> memref<1x80x128xf32, #tpu.memory_space<hbm>>
    %dma_start3A_85 = tpu.memref_squeeze %dma_start3A_84 : memref<1x80x128xf32, #tpu.memory_space<hbm>> -> memref<80x128xf32, #tpu.memory_space<hbm>>
    %dma_start3A_86 = arith.constant 0 : i32
    %dma_start3A_87 = arith.constant 0 : i32
    %dma_start3A_88 = tpu.memref_slice %arg4[%add3A_76, %dma_start3A_86, %dma_start3A_87] : memref<4000x80x128xf32, #tpu.memory_space<hbm>> -> memref<1x80x128xf32, #tpu.memory_space<hbm>>
    %dma_start3A_89 = tpu.memref_squeeze %dma_start3A_88 : memref<1x80x128xf32, #tpu.memory_space<hbm>> -> memref<80x128xf32, #tpu.memory_space<hbm>>
    %dma_start3A_90 = arith.constant 0 : i32
    %dma_start3A_91 = arith.constant 0 : i32
    %dma_start3A_92 = tpu.memref_slice %arg7[%dma_start3A_77, %dma_start3A_90, %dma_start3A_91] : memref<10x80x128xf32, #tpu.memory_space<vmem>> -> memref<1x80x128xf32, #tpu.memory_space<vmem>>
    %dma_start3A_93 = tpu.memref_squeeze %dma_start3A_92 : memref<1x80x128xf32, #tpu.memory_space<vmem>> -> memref<80x128xf32, #tpu.memory_space<vmem>>
    tpu.enqueue_dma source(%dma_start3A_93 : memref<80x128xf32, #tpu.memory_space<vmem>>) target(%dma_start3A_89 : memref<80x128xf32, #tpu.memory_space<hbm>>) target_semaphore(%arg19 : memref<!tpu.dma_semaphore, #tpu.memory_space<semaphore_mem>>)
    %multiple_of3A_94 = arith.constant 400 : i32
    %multiple_of3A_95 = tpu.assume_multiple %multiple_of3A_94, 8 : i32
    %dma_start3A_96 = arith.constant 5 : i32
    %dma_start3A_97 = arith.constant 0 : i32
    %dma_start3A_98 = arith.constant 0 : i32
    %dma_start3A_99 = tpu.memref_slice %arg7[%dma_start3A_96, %dma_start3A_97, %dma_start3A_98] : memref<10x80x128xf32, #tpu.memory_space<vmem>> -> memref<1x80x128xf32, #tpu.memory_space<vmem>>
    %dma_start3A_100 = tpu.memref_squeeze %dma_start3A_99 : memref<1x80x128xf32, #tpu.memory_space<vmem>> -> memref<80x128xf32, #tpu.memory_space<vmem>>
    %dma_start3A_101 = tpu.memref_slice %arg5[%multiple_of3A_95] : memref<10000xi32, #tpu.memory_space<vmem>> -> memref<80xi32, #tpu.memory_space<vmem>>
    %dma_start3A_102 = arith.constant 0 : i32
    %dma_start3A_103 = arith.constant 0 : i32
    %dma_start3A_104 = tpu.memref_slice %arg6[%dma_start3A_102, %dma_start3A_103] : memref<400x128xf32, #tpu.memory_space<vmem_shared>> -> memref<400x128xf32, #tpu.memory_space<vmem_shared>>
    tpu.enqueue_indirect_dma source(%dma_start3A_104 : memref<400x128xf32, #tpu.memory_space<vmem_shared>>) target(%dma_start3A_100 : memref<80x128xf32, #tpu.memory_space<vmem>>) offsets(%dma_start3A_101 : memref<80xi32, #tpu.memory_space<vmem>>) semaphore(%arg14 : memref<!tpu.dma_semaphore, #tpu.memory_space<semaphore_mem>>)
    %multiple_of3A_105 = arith.constant 80 : i32
    %multiple_of3A_106 = tpu.assume_multiple %multiple_of3A_105, 8 : i32
    %dma_wait3A_107 = arith.constant 1 : i32
    %dma_wait3A_108 = arith.constant 0 : i32
    %dma_wait3A_109 = arith.constant 0 : i32
    %dma_wait3A_110 = tpu.memref_slice %arg7[%dma_wait3A_107, %dma_wait3A_108, %dma_wait3A_109] : memref<10x80x128xf32, #tpu.memory_space<vmem>> -> memref<1x80x128xf32, #tpu.memory_space<vmem>>
    %dma_wait3A_111 = tpu.memref_squeeze %dma_wait3A_110 : memref<1x80x128xf32, #tpu.memory_space<vmem>> -> memref<80x128xf32, #tpu.memory_space<vmem>>
    %dma_wait3A_112 = tpu.memref_slice %arg5[%multiple_of3A_106] : memref<10000xi32, #tpu.memory_space<vmem>> -> memref<80xi32, #tpu.memory_space<vmem>>
    %dma_wait3A_113 = arith.constant 0 : i32
    %dma_wait3A_114 = arith.constant 0 : i32
    %dma_wait3A_115 = tpu.memref_slice %arg6[%dma_wait3A_113, %dma_wait3A_114] : memref<400x128xf32, #tpu.memory_space<vmem_shared>> -> memref<400x128xf32, #tpu.memory_space<vmem_shared>>
    tpu.wait_indirect_dma semaphore(%arg10 : memref<!tpu.dma_semaphore, #tpu.memory_space<semaphore_mem>>) src(%dma_wait3A_115 : memref<400x128xf32, #tpu.memory_space<vmem_shared>>) dst(%dma_wait3A_111 : memref<80x128xf32, #tpu.memory_space<vmem>>)
    %add3A_116 = arith.constant 1 : i32
    %add3A_117 = arith.addi %mul3A_2, %add3A_116 : i32
    %dma_start3A_118 = arith.constant 1 : i32
    %dma_start3A_119 = arith.constant 0 : i32
    %dma_start3A_120 = arith.constant 0 : i32
    %dma_start3A_121 = tpu.memref_slice %arg7[%dma_start3A_118, %dma_start3A_119, %dma_start3A_120] : memref<10x80x128xf32, #tpu.memory_space<vmem>> -> memref<1x80x128xf32, #tpu.memory_space<vmem>>
    %dma_start3A_122 = tpu.memref_squeeze %dma_start3A_121 : memref<1x80x128xf32, #tpu.memory_space<vmem>> -> memref<80x128xf32, #tpu.memory_space<vmem>>
    %dma_start3A_123 = arith.constant 0 : i32
    %dma_start3A_124 = arith.constant 0 : i32
    %dma_start3A_125 = tpu.memref_slice %arg4[%add3A_117, %dma_start3A_123, %dma_start3A_124] : memref<4000x80x128xf32, #tpu.memory_space<hbm>> -> memref<1x80x128xf32, #tpu.memory_space<hbm>>
    %dma_start3A_126 = tpu.memref_squeeze %dma_start3A_125 : memref<1x80x128xf32, #tpu.memory_space<hbm>> -> memref<80x128xf32, #tpu.memory_space<hbm>>
    %dma_start3A_127 = arith.constant 0 : i32
    %dma_start3A_128 = arith.constant 0 : i32
    %dma_start3A_129 = tpu.memref_slice %arg4[%add3A_117, %dma_start3A_127, %dma_start3A_128] : memref<4000x80x128xf32, #tpu.memory_space<hbm>> -> memref<1x80x128xf32, #tpu.memory_space<hbm>>
    %dma_start3A_130 = tpu.memref_squeeze %dma_start3A_129 : memref<1x80x128xf32, #tpu.memory_space<hbm>> -> memref<80x128xf32, #tpu.memory_space<hbm>>
    %dma_start3A_131 = arith.constant 0 : i32
    %dma_start3A_132 = arith.constant 0 : i32
    %dma_start3A_133 = tpu.memref_slice %arg7[%dma_start3A_118, %dma_start3A_131, %dma_start3A_132] : memref<10x80x128xf32, #tpu.memory_space<vmem>> -> memref<1x80x128xf32, #tpu.memory_space<vmem>>
    %dma_start3A_134 = tpu.memref_squeeze %dma_start3A_133 : memref<1x80x128xf32, #tpu.memory_space<vmem>> -> memref<80x128xf32, #tpu.memory_space<vmem>>
    tpu.enqueue_dma source(%dma_start3A_134 : memref<80x128xf32, #tpu.memory_space<vmem>>) target(%dma_start3A_130 : memref<80x128xf32, #tpu.memory_space<hbm>>) target_semaphore(%arg20 : memref<!tpu.dma_semaphore, #tpu.memory_space<semaphore_mem>>)
    %multiple_of3A_135 = arith.constant 480 : i32
    %multiple_of3A_136 = tpu.assume_multiple %multiple_of3A_135, 8 : i32
    %dma_start3A_137 = arith.constant 6 : i32
    %dma_start3A_138 = arith.constant 0 : i32
    %dma_start3A_139 = arith.constant 0 : i32
    %dma_start3A_140 = tpu.memref_slice %arg7[%dma_start3A_137, %dma_start3A_138, %dma_start3A_139] : memref<10x80x128xf32, #tpu.memory_space<vmem>> -> memref<1x80x128xf32, #tpu.memory_space<vmem>>
    %dma_start3A_141 = tpu.memref_squeeze %dma_start3A_140 : memref<1x80x128xf32, #tpu.memory_space<vmem>> -> memref<80x128xf32, #tpu.memory_space<vmem>>
    %dma_start3A_142 = tpu.memref_slice %arg5[%multiple_of3A_136] : memref<10000xi32, #tpu.memory_space<vmem>> -> memref<80xi32, #tpu.memory_space<vmem>>
    %dma_start3A_143 = arith.constant 0 : i32
    %dma_start3A_144 = arith.constant 0 : i32
    %dma_start3A_145 = tpu.memref_slice %arg6[%dma_start3A_143, %dma_start3A_144] : memref<400x128xf32, #tpu.memory_space<vmem_shared>> -> memref<400x128xf32, #tpu.memory_space<vmem_shared>>
    tpu.enqueue_indirect_dma source(%dma_start3A_145 : memref<400x128xf32, #tpu.memory_space<vmem_shared>>) target(%dma_start3A_141 : memref<80x128xf32, #tpu.memory_space<vmem>>) offsets(%dma_start3A_142 : memref<80xi32, #tpu.memory_space<vmem>>) semaphore(%arg15 : memref<!tpu.dma_semaphore, #tpu.memory_space<semaphore_mem>>)
    %multiple_of3A_146 = arith.constant 160 : i32
    %multiple_of3A_147 = tpu.assume_multiple %multiple_of3A_146, 8 : i32
    %dma_wait3A_148 = arith.constant 2 : i32
    %dma_wait3A_149 = arith.constant 0 : i32
    %dma_wait3A_150 = arith.constant 0 : i32
    %dma_wait3A_151 = tpu.memref_slice %arg7[%dma_wait3A_148, %dma_wait3A_149, %dma_wait3A_150] : memref<10x80x128xf32, #tpu.memory_space<vmem>> -> memref<1x80x128xf32, #tpu.memory_space<vmem>>
    %dma_wait3A_152 = tpu.memref_squeeze %dma_wait3A_151 : memref<1x80x128xf32, #tpu.memory_space<vmem>> -> memref<80x128xf32, #tpu.memory_space<vmem>>
    %dma_wait3A_153 = tpu.memref_slice %arg5[%multiple_of3A_147] : memref<10000xi32, #tpu.memory_space<vmem>> -> memref<80xi32, #tpu.memory_space<vmem>>
    %dma_wait3A_154 = arith.constant 0 : i32
    %dma_wait3A_155 = arith.constant 0 : i32
    %dma_wait3A_156 = tpu.memref_slice %arg6[%dma_wait3A_154, %dma_wait3A_155] : memref<400x128xf32, #tpu.memory_space<vmem_shared>> -> memref<400x128xf32, #tpu.memory_space<vmem_shared>>
    tpu.wait_indirect_dma semaphore(%arg11 : memref<!tpu.dma_semaphore, #tpu.memory_space<semaphore_mem>>) src(%dma_wait3A_156 : memref<400x128xf32, #tpu.memory_space<vmem_shared>>) dst(%dma_wait3A_152 : memref<80x128xf32, #tpu.memory_space<vmem>>)
    %add3A_157 = arith.constant 2 : i32
    %add3A_158 = arith.addi %mul3A_2, %add3A_157 : i32
    %dma_start3A_159 = arith.constant 2 : i32
    %dma_start3A_160 = arith.constant 0 : i32
    %dma_start3A_161 = arith.constant 0 : i32
    %dma_start3A_162 = tpu.memref_slice %arg7[%dma_start3A_159, %dma_start3A_160, %dma_start3A_161] : memref<10x80x128xf32, #tpu.memory_space<vmem>> -> memref<1x80x128xf32, #tpu.memory_space<vmem>>
    %dma_start3A_163 = tpu.memref_squeeze %dma_start3A_162 : memref<1x80x128xf32, #tpu.memory_space<vmem>> -> memref<80x128xf32, #tpu.memory_space<vmem>>
    %dma_start3A_164 = arith.constant 0 : i32
    %dma_start3A_165 = arith.constant 0 : i32
    %dma_start3A_166 = tpu.memref_slice %arg4[%add3A_158, %dma_start3A_164, %dma_start3A_165] : memref<4000x80x128xf32, #tpu.memory_space<hbm>> -> memref<1x80x128xf32, #tpu.memory_space<hbm>>
    %dma_start3A_167 = tpu.memref_squeeze %dma_start3A_166 : memref<1x80x128xf32, #tpu.memory_space<hbm>> -> memref<80x128xf32, #tpu.memory_space<hbm>>
    %dma_start3A_168 = arith.constant 0 : i32
    %dma_start3A_169 = arith.constant 0 : i32
    %dma_start3A_170 = tpu.memref_slice %arg4[%add3A_158, %dma_start3A_168, %dma_start3A_169] : memref<4000x80x128xf32, #tpu.memory_space<hbm>> -> memref<1x80x128xf32, #tpu.memory_space<hbm>>
    %dma_start3A_171 = tpu.memref_squeeze %dma_start3A_170 : memref<1x80x128xf32, #tpu.memory_space<hbm>> -> memref<80x128xf32, #tpu.memory_space<hbm>>
    %dma_start3A_172 = arith.constant 0 : i32
    %dma_start3A_173 = arith.constant 0 : i32
    %dma_start3A_174 = tpu.memref_slice %arg7[%dma_start3A_159, %dma_start3A_172, %dma_start3A_173] : memref<10x80x128xf32, #tpu.memory_space<vmem>> -> memref<1x80x128xf32, #tpu.memory_space<vmem>>
    %dma_start3A_175 = tpu.memref_squeeze %dma_start3A_174 : memref<1x80x128xf32, #tpu.memory_space<vmem>> -> memref<80x128xf32, #tpu.memory_space<vmem>>
    tpu.enqueue_dma source(%dma_start3A_175 : memref<80x128xf32, #tpu.memory_space<vmem>>) target(%dma_start3A_171 : memref<80x128xf32, #tpu.memory_space<hbm>>) target_semaphore(%arg21 : memref<!tpu.dma_semaphore, #tpu.memory_space<semaphore_mem>>)
    %multiple_of3A_176 = arith.constant 560 : i32
    %multiple_of3A_177 = tpu.assume_multiple %multiple_of3A_176, 8 : i32
    %dma_start3A_178 = arith.constant 7 : i32
    %dma_start3A_179 = arith.constant 0 : i32
    %dma_start3A_180 = arith.constant 0 : i32
    %dma_start3A_181 = tpu.memref_slice %arg7[%dma_start3A_178, %dma_start3A_179, %dma_start3A_180] : memref<10x80x128xf32, #tpu.memory_space<vmem>> -> memref<1x80x128xf32, #tpu.memory_space<vmem>>
    %dma_start3A_182 = tpu.memref_squeeze %dma_start3A_181 : memref<1x80x128xf32, #tpu.memory_space<vmem>> -> memref<80x128xf32, #tpu.memory_space<vmem>>
    %dma_start3A_183 = tpu.memref_slice %arg5[%multiple_of3A_177] : memref<10000xi32, #tpu.memory_space<vmem>> -> memref<80xi32, #tpu.memory_space<vmem>>
    %dma_start3A_184 = arith.constant 0 : i32
    %dma_start3A_185 = arith.constant 0 : i32
    %dma_start3A_186 = tpu.memref_slice %arg6[%dma_start3A_184, %dma_start3A_185] : memref<400x128xf32, #tpu.memory_space<vmem_shared>> -> memref<400x128xf32, #tpu.memory_space<vmem_shared>>
    tpu.enqueue_indirect_dma source(%dma_start3A_186 : memref<400x128xf32, #tpu.memory_space<vmem_shared>>) target(%dma_start3A_182 : memref<80x128xf32, #tpu.memory_space<vmem>>) offsets(%dma_start3A_183 : memref<80xi32, #tpu.memory_space<vmem>>) semaphore(%arg16 : memref<!tpu.dma_semaphore, #tpu.memory_space<semaphore_mem>>)
    %multiple_of3A_187 = arith.constant 240 : i32
    %multiple_of3A_188 = tpu.assume_multiple %multiple_of3A_187, 8 : i32
    %dma_wait3A_189 = arith.constant 3 : i32
    %dma_wait3A_190 = arith.constant 0 : i32
    %dma_wait3A_191 = arith.constant 0 : i32
    %dma_wait3A_192 = tpu.memref_slice %arg7[%dma_wait3A_189, %dma_wait3A_190, %dma_wait3A_191] : memref<10x80x128xf32, #tpu.memory_space<vmem>> -> memref<1x80x128xf32, #tpu.memory_space<vmem>>
    %dma_wait3A_193 = tpu.memref_squeeze %dma_wait3A_192 : memref<1x80x128xf32, #tpu.memory_space<vmem>> -> memref<80x128xf32, #tpu.memory_space<vmem>>
    %dma_wait3A_194 = tpu.memref_slice %arg5[%multiple_of3A_188] : memref<10000xi32, #tpu.memory_space<vmem>> -> memref<80xi32, #tpu.memory_space<vmem>>
    %dma_wait3A_195 = arith.constant 0 : i32
    %dma_wait3A_196 = arith.constant 0 : i32
    %dma_wait3A_197 = tpu.memref_slice %arg6[%dma_wait3A_195, %dma_wait3A_196] : memref<400x128xf32, #tpu.memory_space<vmem_shared>> -> memref<400x128xf32, #tpu.memory_space<vmem_shared>>
    tpu.wait_indirect_dma semaphore(%arg12 : memref<!tpu.dma_semaphore, #tpu.memory_space<semaphore_mem>>) src(%dma_wait3A_197 : memref<400x128xf32, #tpu.memory_space<vmem_shared>>) dst(%dma_wait3A_193 : memref<80x128xf32, #tpu.memory_space<vmem>>)
    %add3A_198 = arith.constant 3 : i32
    %add3A_199 = arith.addi %mul3A_2, %add3A_198 : i32
    %dma_start3A_200 = arith.constant 3 : i32
    %dma_start3A_201 = arith.constant 0 : i32
    %dma_start3A_202 = arith.constant 0 : i32
    %dma_start3A_203 = tpu.memref_slice %arg7[%dma_start3A_200, %dma_start3A_201, %dma_start3A_202] : memref<10x80x128xf32, #tpu.memory_space<vmem>> -> memref<1x80x128xf32, #tpu.memory_space<vmem>>
    %dma_start3A_204 = tpu.memref_squeeze %dma_start3A_203 : memref<1x80x128xf32, #tpu.memory_space<vmem>> -> memref<80x128xf32, #tpu.memory_space<vmem>>
    %dma_start3A_205 = arith.constant 0 : i32
    %dma_start3A_206 = arith.constant 0 : i32
    %dma_start3A_207 = tpu.memref_slice %arg4[%add3A_199, %dma_start3A_205, %dma_start3A_206] : memref<4000x80x128xf32, #tpu.memory_space<hbm>> -> memref<1x80x128xf32, #tpu.memory_space<hbm>>
    %dma_start3A_208 = tpu.memref_squeeze %dma_start3A_207 : memref<1x80x128xf32, #tpu.memory_space<hbm>> -> memref<80x128xf32, #tpu.memory_space<hbm>>
    %dma_start3A_209 = arith.constant 0 : i32
    %dma_start3A_210 = arith.constant 0 : i32
    %dma_start3A_211 = tpu.memref_slice %arg4[%add3A_199, %dma_start3A_209, %dma_start3A_210] : memref<4000x80x128xf32, #tpu.memory_space<hbm>> -> memref<1x80x128xf32, #tpu.memory_space<hbm>>
    %dma_start3A_212 = tpu.memref_squeeze %dma_start3A_211 : memref<1x80x128xf32, #tpu.memory_space<hbm>> -> memref<80x128xf32, #tpu.memory_space<hbm>>
    %dma_start3A_213 = arith.constant 0 : i32
    %dma_start3A_214 = arith.constant 0 : i32
    %dma_start3A_215 = tpu.memref_slice %arg7[%dma_start3A_200, %dma_start3A_213, %dma_start3A_214] : memref<10x80x128xf32, #tpu.memory_space<vmem>> -> memref<1x80x128xf32, #tpu.memory_space<vmem>>
    %dma_start3A_216 = tpu.memref_squeeze %dma_start3A_215 : memref<1x80x128xf32, #tpu.memory_space<vmem>> -> memref<80x128xf32, #tpu.memory_space<vmem>>
    tpu.enqueue_dma source(%dma_start3A_216 : memref<80x128xf32, #tpu.memory_space<vmem>>) target(%dma_start3A_212 : memref<80x128xf32, #tpu.memory_space<hbm>>) target_semaphore(%arg22 : memref<!tpu.dma_semaphore, #tpu.memory_space<semaphore_mem>>)
    %multiple_of3A_217 = arith.constant 640 : i32
    %multiple_of3A_218 = tpu.assume_multiple %multiple_of3A_217, 8 : i32
    %dma_start3A_219 = arith.constant 8 : i32
    %dma_start3A_220 = arith.constant 0 : i32
    %dma_start3A_221 = arith.constant 0 : i32
    %dma_start3A_222 = tpu.memref_slice %arg7[%dma_start3A_219, %dma_start3A_220, %dma_start3A_221] : memref<10x80x128xf32, #tpu.memory_space<vmem>> -> memref<1x80x128xf32, #tpu.memory_space<vmem>>
    %dma_start3A_223 = tpu.memref_squeeze %dma_start3A_222 : memref<1x80x128xf32, #tpu.memory_space<vmem>> -> memref<80x128xf32, #tpu.memory_space<vmem>>
    %dma_start3A_224 = tpu.memref_slice %arg5[%multiple_of3A_218] : memref<10000xi32, #tpu.memory_space<vmem>> -> memref<80xi32, #tpu.memory_space<vmem>>
    %dma_start3A_225 = arith.constant 0 : i32
    %dma_start3A_226 = arith.constant 0 : i32
    %dma_start3A_227 = tpu.memref_slice %arg6[%dma_start3A_225, %dma_start3A_226] : memref<400x128xf32, #tpu.memory_space<vmem_shared>> -> memref<400x128xf32, #tpu.memory_space<vmem_shared>>
    tpu.enqueue_indirect_dma source(%dma_start3A_227 : memref<400x128xf32, #tpu.memory_space<vmem_shared>>) target(%dma_start3A_223 : memref<80x128xf32, #tpu.memory_space<vmem>>) offsets(%dma_start3A_224 : memref<80xi32, #tpu.memory_space<vmem>>) semaphore(%arg17 : memref<!tpu.dma_semaphore, #tpu.memory_space<semaphore_mem>>)
    %multiple_of3A_228 = arith.constant 320 : i32
    %multiple_of3A_229 = tpu.assume_multiple %multiple_of3A_228, 8 : i32
    %dma_wait3A_230 = arith.constant 4 : i32
    %dma_wait3A_231 = arith.constant 0 : i32
    %dma_wait3A_232 = arith.constant 0 : i32
    %dma_wait3A_233 = tpu.memref_slice %arg7[%dma_wait3A_230, %dma_wait3A_231, %dma_wait3A_232] : memref<10x80x128xf32, #tpu.memory_space<vmem>> -> memref<1x80x128xf32, #tpu.memory_space<vmem>>
    %dma_wait3A_234 = tpu.memref_squeeze %dma_wait3A_233 : memref<1x80x128xf32, #tpu.memory_space<vmem>> -> memref<80x128xf32, #tpu.memory_space<vmem>>
    %dma_wait3A_235 = tpu.memref_slice %arg5[%multiple_of3A_229] : memref<10000xi32, #tpu.memory_space<vmem>> -> memref<80xi32, #tpu.memory_space<vmem>>
    %dma_wait3A_236 = arith.constant 0 : i32
    %dma_wait3A_237 = arith.constant 0 : i32
    %dma_wait3A_238 = tpu.memref_slice %arg6[%dma_wait3A_236, %dma_wait3A_237] : memref<400x128xf32, #tpu.memory_space<vmem_shared>> -> memref<400x128xf32, #tpu.memory_space<vmem_shared>>
    tpu.wait_indirect_dma semaphore(%arg13 : memref<!tpu.dma_semaphore, #tpu.memory_space<semaphore_mem>>) src(%dma_wait3A_238 : memref<400x128xf32, #tpu.memory_space<vmem_shared>>) dst(%dma_wait3A_234 : memref<80x128xf32, #tpu.memory_space<vmem>>)
    %add3A_239 = arith.constant 4 : i32
    %add3A_240 = arith.addi %mul3A_2, %add3A_239 : i32
    %dma_start3A_241 = arith.constant 4 : i32
    %dma_start3A_242 = arith.constant 0 : i32
    %dma_start3A_243 = arith.constant 0 : i32
    %dma_start3A_244 = tpu.memref_slice %arg7[%dma_start3A_241, %dma_start3A_242, %dma_start3A_243] : memref<10x80x128xf32, #tpu.memory_space<vmem>> -> memref<1x80x128xf32, #tpu.memory_space<vmem>>
    %dma_start3A_245 = tpu.memref_squeeze %dma_start3A_244 : memref<1x80x128xf32, #tpu.memory_space<vmem>> -> memref<80x128xf32, #tpu.memory_space<vmem>>
    %dma_start3A_246 = arith.constant 0 : i32
    %dma_start3A_247 = arith.constant 0 : i32
    %dma_start3A_248 = tpu.memref_slice %arg4[%add3A_240, %dma_start3A_246, %dma_start3A_247] : memref<4000x80x128xf32, #tpu.memory_space<hbm>> -> memref<1x80x128xf32, #tpu.memory_space<hbm>>
    %dma_start3A_249 = tpu.memref_squeeze %dma_start3A_248 : memref<1x80x128xf32, #tpu.memory_space<hbm>> -> memref<80x128xf32, #tpu.memory_space<hbm>>
    %dma_start3A_250 = arith.constant 0 : i32
    %dma_start3A_251 = arith.constant 0 : i32
    %dma_start3A_252 = tpu.memref_slice %arg4[%add3A_240, %dma_start3A_250, %dma_start3A_251] : memref<4000x80x128xf32, #tpu.memory_space<hbm>> -> memref<1x80x128xf32, #tpu.memory_space<hbm>>
    %dma_start3A_253 = tpu.memref_squeeze %dma_start3A_252 : memref<1x80x128xf32, #tpu.memory_space<hbm>> -> memref<80x128xf32, #tpu.memory_space<hbm>>
    %dma_start3A_254 = arith.constant 0 : i32
    %dma_start3A_255 = arith.constant 0 : i32
    %dma_start3A_256 = tpu.memref_slice %arg7[%dma_start3A_241, %dma_start3A_254, %dma_start3A_255] : memref<10x80x128xf32, #tpu.memory_space<vmem>> -> memref<1x80x128xf32, #tpu.memory_space<vmem>>
    %dma_start3A_257 = tpu.memref_squeeze %dma_start3A_256 : memref<1x80x128xf32, #tpu.memory_space<vmem>> -> memref<80x128xf32, #tpu.memory_space<vmem>>
    tpu.enqueue_dma source(%dma_start3A_257 : memref<80x128xf32, #tpu.memory_space<vmem>>) target(%dma_start3A_253 : memref<80x128xf32, #tpu.memory_space<hbm>>) target_semaphore(%arg23 : memref<!tpu.dma_semaphore, #tpu.memory_space<semaphore_mem>>)
    %multiple_of3A_258 = arith.constant 720 : i32
    %multiple_of3A_259 = tpu.assume_multiple %multiple_of3A_258, 8 : i32
    %dma_start3A_260 = arith.constant 9 : i32
    %dma_start3A_261 = arith.constant 0 : i32
    %dma_start3A_262 = arith.constant 0 : i32
    %dma_start3A_263 = tpu.memref_slice %arg7[%dma_start3A_260, %dma_start3A_261, %dma_start3A_262] : memref<10x80x128xf32, #tpu.memory_space<vmem>> -> memref<1x80x128xf32, #tpu.memory_space<vmem>>
    %dma_start3A_264 = tpu.memref_squeeze %dma_start3A_263 : memref<1x80x128xf32, #tpu.memory_space<vmem>> -> memref<80x128xf32, #tpu.memory_space<vmem>>
    %dma_start3A_265 = tpu.memref_slice %arg5[%multiple_of3A_259] : memref<10000xi32, #tpu.memory_space<vmem>> -> memref<80xi32, #tpu.memory_space<vmem>>
    %dma_start3A_266 = arith.constant 0 : i32
    %dma_start3A_267 = arith.constant 0 : i32
    %dma_start3A_268 = tpu.memref_slice %arg6[%dma_start3A_266, %dma_start3A_267] : memref<400x128xf32, #tpu.memory_space<vmem_shared>> -> memref<400x128xf32, #tpu.memory_space<vmem_shared>>
    tpu.enqueue_indirect_dma source(%dma_start3A_268 : memref<400x128xf32, #tpu.memory_space<vmem_shared>>) target(%dma_start3A_264 : memref<80x128xf32, #tpu.memory_space<vmem>>) offsets(%dma_start3A_265 : memref<80xi32, #tpu.memory_space<vmem>>) semaphore(%arg18 : memref<!tpu.dma_semaphore, #tpu.memory_space<semaphore_mem>>)
    %scan3A = arith.constant 0 : i32
    %scan3A_269 = arith.constant 11 : i32
    %scan3A_270 = arith.addi %scan3A, %scan3A_269 : i32
    %scan3A_271 = arith.constant 1 : i32
    scf.for %scan3A_913 = %scan3A to %scan3A_270 step %scan3A_271  : i32 {
      %mul3A_914 = arith.constant 1 : i32
      %mul3A_915 = arith.muli %scan3A_913, %mul3A_914 : i32
      %add3A_916 = arith.constant 0 : i32
      %add3A_917 = arith.addi %add3A_916, %mul3A_915 : i32
      %mul3A_918 = arith.constant 10 : i32
      %mul3A_919 = arith.muli %add3A_917, %mul3A_918 : i32
      %add3A_920 = arith.constant 5 : i32
      %add3A_921 = arith.addi %add3A_920, %mul3A_919 : i32
      %add3A_922 = arith.constant 0 : i32
      %add3A_923 = arith.addi %add3A_921, %add3A_922 : i32
      %mul3A_924 = arith.constant 80 : i32
      %mul3A_925 = arith.muli %add3A_923, %mul3A_924 : i32
      %multiple_of3A_926 = tpu.assume_multiple %mul3A_925, 8 : i32
      %dma_wait3A_927 = arith.constant 5 : i32
      %dma_wait3A_928 = arith.constant 0 : i32
      %dma_wait3A_929 = arith.constant 0 : i32
      %dma_wait3A_930 = tpu.memref_slice %arg7[%dma_wait3A_927, %dma_wait3A_928, %dma_wait3A_929] : memref<10x80x128xf32, #tpu.memory_space<vmem>> -> memref<1x80x128xf32, #tpu.memory_space<vmem>>
      %dma_wait3A_931 = tpu.memref_squeeze %dma_wait3A_930 : memref<1x80x128xf32, #tpu.memory_space<vmem>> -> memref<80x128xf32, #tpu.memory_space<vmem>>
      %dma_wait3A_932 = tpu.memref_slice %arg5[%multiple_of3A_926] : memref<10000xi32, #tpu.memory_space<vmem>> -> memref<80xi32, #tpu.memory_space<vmem>>
      %dma_wait3A_933 = arith.constant 0 : i32
      %dma_wait3A_934 = arith.constant 0 : i32
      %dma_wait3A_935 = tpu.memref_slice %arg6[%dma_wait3A_933, %dma_wait3A_934] : memref<400x128xf32, #tpu.memory_space<vmem_shared>> -> memref<400x128xf32, #tpu.memory_space<vmem_shared>>
      tpu.wait_indirect_dma semaphore(%arg14 : memref<!tpu.dma_semaphore, #tpu.memory_space<semaphore_mem>>) src(%dma_wait3A_935 : memref<400x128xf32, #tpu.memory_space<vmem_shared>>) dst(%dma_wait3A_931 : memref<80x128xf32, #tpu.memory_space<vmem>>)
      %add3A_936 = arith.addi %mul3A_2, %add3A_923 : i32
      %dma_start3A_937 = arith.constant 5 : i32
      %dma_start3A_938 = arith.constant 0 : i32
      %dma_start3A_939 = arith.constant 0 : i32
      %dma_start3A_940 = tpu.memref_slice %arg7[%dma_start3A_937, %dma_start3A_938, %dma_start3A_939] : memref<10x80x128xf32, #tpu.memory_space<vmem>> -> memref<1x80x128xf32, #tpu.memory_space<vmem>>
      %dma_start3A_941 = tpu.memref_squeeze %dma_start3A_940 : memref<1x80x128xf32, #tpu.memory_space<vmem>> -> memref<80x128xf32, #tpu.memory_space<vmem>>
      %dma_start3A_942 = arith.constant 0 : i32
      %dma_start3A_943 = arith.constant 0 : i32
      %dma_start3A_944 = tpu.memref_slice %arg4[%add3A_936, %dma_start3A_942, %dma_start3A_943] : memref<4000x80x128xf32, #tpu.memory_space<hbm>> -> memref<1x80x128xf32, #tpu.memory_space<hbm>>
      %dma_start3A_945 = tpu.memref_squeeze %dma_start3A_944 : memref<1x80x128xf32, #tpu.memory_space<hbm>> -> memref<80x128xf32, #tpu.memory_space<hbm>>
      %dma_start3A_946 = arith.constant 0 : i32
      %dma_start3A_947 = arith.constant 0 : i32
      %dma_start3A_948 = tpu.memref_slice %arg4[%add3A_936, %dma_start3A_946, %dma_start3A_947] : memref<4000x80x128xf32, #tpu.memory_space<hbm>> -> memref<1x80x128xf32, #tpu.memory_space<hbm>>
      %dma_start3A_949 = tpu.memref_squeeze %dma_start3A_948 : memref<1x80x128xf32, #tpu.memory_space<hbm>> -> memref<80x128xf32, #tpu.memory_space<hbm>>
      %dma_start3A_950 = arith.constant 0 : i32
      %dma_start3A_951 = arith.constant 0 : i32
      %dma_start3A_952 = tpu.memref_slice %arg7[%dma_start3A_937, %dma_start3A_950, %dma_start3A_951] : memref<10x80x128xf32, #tpu.memory_space<vmem>> -> memref<1x80x128xf32, #tpu.memory_space<vmem>>
      %dma_start3A_953 = tpu.memref_squeeze %dma_start3A_952 : memref<1x80x128xf32, #tpu.memory_space<vmem>> -> memref<80x128xf32, #tpu.memory_space<vmem>>
      tpu.enqueue_dma source(%dma_start3A_953 : memref<80x128xf32, #tpu.memory_space<vmem>>) target(%dma_start3A_949 : memref<80x128xf32, #tpu.memory_space<hbm>>) target_semaphore(%arg24 : memref<!tpu.dma_semaphore, #tpu.memory_space<semaphore_mem>>)
      %sub3A = arith.constant 5 : i32
      %sub3A_954 = arith.subi %add3A_923, %sub3A : i32
      %add3A_955 = arith.addi %mul3A_2, %sub3A_954 : i32
      %dma_wait3A_956 = arith.constant 0 : i32
      %dma_wait3A_957 = arith.constant 0 : i32
      %dma_wait3A_958 = arith.constant 0 : i32
      %dma_wait3A_959 = tpu.memref_slice %arg7[%dma_wait3A_956, %dma_wait3A_957, %dma_wait3A_958] : memref<10x80x128xf32, #tpu.memory_space<vmem>> -> memref<1x80x128xf32, #tpu.memory_space<vmem>>
      %dma_wait3A_960 = tpu.memref_squeeze %dma_wait3A_959 : memref<1x80x128xf32, #tpu.memory_space<vmem>> -> memref<80x128xf32, #tpu.memory_space<vmem>>
      %dma_wait3A_961 = arith.constant 0 : i32
      %dma_wait3A_962 = arith.constant 0 : i32
      %dma_wait3A_963 = tpu.memref_slice %arg4[%add3A_955, %dma_wait3A_961, %dma_wait3A_962] : memref<4000x80x128xf32, #tpu.memory_space<hbm>> -> memref<1x80x128xf32, #tpu.memory_space<hbm>>
      %dma_wait3A_964 = tpu.memref_squeeze %dma_wait3A_963 : memref<1x80x128xf32, #tpu.memory_space<hbm>> -> memref<80x128xf32, #tpu.memory_space<hbm>>
      %dma_wait3A_965 = arith.constant 0 : i32
      %dma_wait3A_966 = arith.constant 0 : i32
      %dma_wait3A_967 = tpu.memref_slice %arg4[%add3A_955, %dma_wait3A_965, %dma_wait3A_966] : memref<4000x80x128xf32, #tpu.memory_space<hbm>> -> memref<1x80x128xf32, #tpu.memory_space<hbm>>
      %dma_wait3A_968 = tpu.memref_squeeze %dma_wait3A_967 : memref<1x80x128xf32, #tpu.memory_space<hbm>> -> memref<80x128xf32, #tpu.memory_space<hbm>>
      %dma_wait3A_969 = arith.constant 0 : i32
      %dma_wait3A_970 = arith.constant 0 : i32
      %dma_wait3A_971 = tpu.memref_slice %arg7[%dma_wait3A_956, %dma_wait3A_969, %dma_wait3A_970] : memref<10x80x128xf32, #tpu.memory_space<vmem>> -> memref<1x80x128xf32, #tpu.memory_space<vmem>>
      %dma_wait3A_972 = tpu.memref_squeeze %dma_wait3A_971 : memref<1x80x128xf32, #tpu.memory_space<vmem>> -> memref<80x128xf32, #tpu.memory_space<vmem>>
      tpu.wait_dma2 semaphore(%arg19 : memref<!tpu.dma_semaphore, #tpu.memory_space<semaphore_mem>>) src(%dma_wait3A_972 : memref<80x128xf32, #tpu.memory_space<vmem>>) dst(%dma_wait3A_968 : memref<80x128xf32, #tpu.memory_space<hbm>>)
      %add3A_973 = arith.constant 5 : i32
      %add3A_974 = arith.addi %add3A_923, %add3A_973 : i32
      %mul3A_975 = arith.constant 80 : i32
      %mul3A_976 = arith.muli %add3A_974, %mul3A_975 : i32
      %multiple_of3A_977 = tpu.assume_multiple %mul3A_976, 8 : i32
      %dma_start3A_978 = arith.constant 0 : i32
      %dma_start3A_979 = arith.constant 0 : i32
      %dma_start3A_980 = arith.constant 0 : i32
      %dma_start3A_981 = tpu.memref_slice %arg7[%dma_start3A_978, %dma_start3A_979, %dma_start3A_980] : memref<10x80x128xf32, #tpu.memory_space<vmem>> -> memref<1x80x128xf32, #tpu.memory_space<vmem>>
      %dma_start3A_982 = tpu.memref_squeeze %dma_start3A_981 : memref<1x80x128xf32, #tpu.memory_space<vmem>> -> memref<80x128xf32, #tpu.memory_space<vmem>>
      %dma_start3A_983 = tpu.memref_slice %arg5[%multiple_of3A_977] : memref<10000xi32, #tpu.memory_space<vmem>> -> memref<80xi32, #tpu.memory_space<vmem>>
      %dma_start3A_984 = arith.constant 0 : i32
      %dma_start3A_985 = arith.constant 0 : i32
      %dma_start3A_986 = tpu.memref_slice %arg6[%dma_start3A_984, %dma_start3A_985] : memref<400x128xf32, #tpu.memory_space<vmem_shared>> -> memref<400x128xf32, #tpu.memory_space<vmem_shared>>
      tpu.enqueue_indirect_dma source(%dma_start3A_986 : memref<400x128xf32, #tpu.memory_space<vmem_shared>>) target(%dma_start3A_982 : memref<80x128xf32, #tpu.memory_space<vmem>>) offsets(%dma_start3A_983 : memref<80xi32, #tpu.memory_space<vmem>>) semaphore(%arg9 : memref<!tpu.dma_semaphore, #tpu.memory_space<semaphore_mem>>)
      %mul3A_987 = arith.constant 10 : i32
      %mul3A_988 = arith.muli %add3A_917, %mul3A_987 : i32
      %add3A_989 = arith.constant 5 : i32
      %add3A_990 = arith.addi %add3A_989, %mul3A_988 : i32
      %add3A_991 = arith.constant 1 : i32
      %add3A_992 = arith.addi %add3A_990, %add3A_991 : i32
      %mul3A_993 = arith.constant 80 : i32
      %mul3A_994 = arith.muli %add3A_992, %mul3A_993 : i32
      %multiple_of3A_995 = tpu.assume_multiple %mul3A_994, 8 : i32
      %dma_wait3A_996 = arith.constant 6 : i32
      %dma_wait3A_997 = arith.constant 0 : i32
      %dma_wait3A_998 = arith.constant 0 : i32
      %dma_wait3A_999 = tpu.memref_slice %arg7[%dma_wait3A_996, %dma_wait3A_997, %dma_wait3A_998] : memref<10x80x128xf32, #tpu.memory_space<vmem>> -> memref<1x80x128xf32, #tpu.memory_space<vmem>>
      %dma_wait3A_1000 = tpu.memref_squeeze %dma_wait3A_999 : memref<1x80x128xf32, #tpu.memory_space<vmem>> -> memref<80x128xf32, #tpu.memory_space<vmem>>
      %dma_wait3A_1001 = tpu.memref_slice %arg5[%multiple_of3A_995] : memref<10000xi32, #tpu.memory_space<vmem>> -> memref<80xi32, #tpu.memory_space<vmem>>
      %dma_wait3A_1002 = arith.constant 0 : i32
      %dma_wait3A_1003 = arith.constant 0 : i32
      %dma_wait3A_1004 = tpu.memref_slice %arg6[%dma_wait3A_1002, %dma_wait3A_1003] : memref<400x128xf32, #tpu.memory_space<vmem_shared>> -> memref<400x128xf32, #tpu.memory_space<vmem_shared>>
      tpu.wait_indirect_dma semaphore(%arg15 : memref<!tpu.dma_semaphore, #tpu.memory_space<semaphore_mem>>) src(%dma_wait3A_1004 : memref<400x128xf32, #tpu.memory_space<vmem_shared>>) dst(%dma_wait3A_1000 : memref<80x128xf32, #tpu.memory_space<vmem>>)
      %add3A_1005 = arith.addi %mul3A_2, %add3A_992 : i32
      %dma_start3A_1006 = arith.constant 6 : i32
      %dma_start3A_1007 = arith.constant 0 : i32
      %dma_start3A_1008 = arith.constant 0 : i32
      %dma_start3A_1009 = tpu.memref_slice %arg7[%dma_start3A_1006, %dma_start3A_1007, %dma_start3A_1008] : memref<10x80x128xf32, #tpu.memory_space<vmem>> -> memref<1x80x128xf32, #tpu.memory_space<vmem>>
      %dma_start3A_1010 = tpu.memref_squeeze %dma_start3A_1009 : memref<1x80x128xf32, #tpu.memory_space<vmem>> -> memref<80x128xf32, #tpu.memory_space<vmem>>
      %dma_start3A_1011 = arith.constant 0 : i32
      %dma_start3A_1012 = arith.constant 0 : i32
      %dma_start3A_1013 = tpu.memref_slice %arg4[%add3A_1005, %dma_start3A_1011, %dma_start3A_1012] : memref<4000x80x128xf32, #tpu.memory_space<hbm>> -> memref<1x80x128xf32, #tpu.memory_space<hbm>>
      %dma_start3A_1014 = tpu.memref_squeeze %dma_start3A_1013 : memref<1x80x128xf32, #tpu.memory_space<hbm>> -> memref<80x128xf32, #tpu.memory_space<hbm>>
      %dma_start3A_1015 = arith.constant 0 : i32
      %dma_start3A_1016 = arith.constant 0 : i32
      %dma_start3A_1017 = tpu.memref_slice %arg4[%add3A_1005, %dma_start3A_1015, %dma_start3A_1016] : memref<4000x80x128xf32, #tpu.memory_space<hbm>> -> memref<1x80x128xf32, #tpu.memory_space<hbm>>
      %dma_start3A_1018 = tpu.memref_squeeze %dma_start3A_1017 : memref<1x80x128xf32, #tpu.memory_space<hbm>> -> memref<80x128xf32, #tpu.memory_space<hbm>>
      %dma_start3A_1019 = arith.constant 0 : i32
      %dma_start3A_1020 = arith.constant 0 : i32
      %dma_start3A_1021 = tpu.memref_slice %arg7[%dma_start3A_1006, %dma_start3A_1019, %dma_start3A_1020] : memref<10x80x128xf32, #tpu.memory_space<vmem>> -> memref<1x80x128xf32, #tpu.memory_space<vmem>>
      %dma_start3A_1022 = tpu.memref_squeeze %dma_start3A_1021 : memref<1x80x128xf32, #tpu.memory_space<vmem>> -> memref<80x128xf32, #tpu.memory_space<vmem>>
      tpu.enqueue_dma source(%dma_start3A_1022 : memref<80x128xf32, #tpu.memory_space<vmem>>) target(%dma_start3A_1018 : memref<80x128xf32, #tpu.memory_space<hbm>>) target_semaphore(%arg25 : memref<!tpu.dma_semaphore, #tpu.memory_space<semaphore_mem>>)
      %sub3A_1023 = arith.constant 5 : i32
      %sub3A_1024 = arith.subi %add3A_992, %sub3A_1023 : i32
      %add3A_1025 = arith.addi %mul3A_2, %sub3A_1024 : i32
      %dma_wait3A_1026 = arith.constant 1 : i32
      %dma_wait3A_1027 = arith.constant 0 : i32
      %dma_wait3A_1028 = arith.constant 0 : i32
      %dma_wait3A_1029 = tpu.memref_slice %arg7[%dma_wait3A_1026, %dma_wait3A_1027, %dma_wait3A_1028] : memref<10x80x128xf32, #tpu.memory_space<vmem>> -> memref<1x80x128xf32, #tpu.memory_space<vmem>>
      %dma_wait3A_1030 = tpu.memref_squeeze %dma_wait3A_1029 : memref<1x80x128xf32, #tpu.memory_space<vmem>> -> memref<80x128xf32, #tpu.memory_space<vmem>>
      %dma_wait3A_1031 = arith.constant 0 : i32
      %dma_wait3A_1032 = arith.constant 0 : i32
      %dma_wait3A_1033 = tpu.memref_slice %arg4[%add3A_1025, %dma_wait3A_1031, %dma_wait3A_1032] : memref<4000x80x128xf32, #tpu.memory_space<hbm>> -> memref<1x80x128xf32, #tpu.memory_space<hbm>>
      %dma_wait3A_1034 = tpu.memref_squeeze %dma_wait3A_1033 : memref<1x80x128xf32, #tpu.memory_space<hbm>> -> memref<80x128xf32, #tpu.memory_space<hbm>>
      %dma_wait3A_1035 = arith.constant 0 : i32
      %dma_wait3A_1036 = arith.constant 0 : i32
      %dma_wait3A_1037 = tpu.memref_slice %arg4[%add3A_1025, %dma_wait3A_1035, %dma_wait3A_1036] : memref<4000x80x128xf32, #tpu.memory_space<hbm>> -> memref<1x80x128xf32, #tpu.memory_space<hbm>>
      %dma_wait3A_1038 = tpu.memref_squeeze %dma_wait3A_1037 : memref<1x80x128xf32, #tpu.memory_space<hbm>> -> memref<80x128xf32, #tpu.memory_space<hbm>>
      %dma_wait3A_1039 = arith.constant 0 : i32
      %dma_wait3A_1040 = arith.constant 0 : i32
      %dma_wait3A_1041 = tpu.memref_slice %arg7[%dma_wait3A_1026, %dma_wait3A_1039, %dma_wait3A_1040] : memref<10x80x128xf32, #tpu.memory_space<vmem>> -> memref<1x80x128xf32, #tpu.memory_space<vmem>>
      %dma_wait3A_1042 = tpu.memref_squeeze %dma_wait3A_1041 : memref<1x80x128xf32, #tpu.memory_space<vmem>> -> memref<80x128xf32, #tpu.memory_space<vmem>>
      tpu.wait_dma2 semaphore(%arg20 : memref<!tpu.dma_semaphore, #tpu.memory_space<semaphore_mem>>) src(%dma_wait3A_1042 : memref<80x128xf32, #tpu.memory_space<vmem>>) dst(%dma_wait3A_1038 : memref<80x128xf32, #tpu.memory_space<hbm>>)
      %add3A_1043 = arith.constant 5 : i32
      %add3A_1044 = arith.addi %add3A_992, %add3A_1043 : i32
      %mul3A_1045 = arith.constant 80 : i32
      %mul3A_1046 = arith.muli %add3A_1044, %mul3A_1045 : i32
      %multiple_of3A_1047 = tpu.assume_multiple %mul3A_1046, 8 : i32
      %dma_start3A_1048 = arith.constant 1 : i32
      %dma_start3A_1049 = arith.constant 0 : i32
      %dma_start3A_1050 = arith.constant 0 : i32
      %dma_start3A_1051 = tpu.memref_slice %arg7[%dma_start3A_1048, %dma_start3A_1049, %dma_start3A_1050] : memref<10x80x128xf32, #tpu.memory_space<vmem>> -> memref<1x80x128xf32, #tpu.memory_space<vmem>>
      %dma_start3A_1052 = tpu.memref_squeeze %dma_start3A_1051 : memref<1x80x128xf32, #tpu.memory_space<vmem>> -> memref<80x128xf32, #tpu.memory_space<vmem>>
      %dma_start3A_1053 = tpu.memref_slice %arg5[%multiple_of3A_1047] : memref<10000xi32, #tpu.memory_space<vmem>> -> memref<80xi32, #tpu.memory_space<vmem>>
      %dma_start3A_1054 = arith.constant 0 : i32
      %dma_start3A_1055 = arith.constant 0 : i32
      %dma_start3A_1056 = tpu.memref_slice %arg6[%dma_start3A_1054, %dma_start3A_1055] : memref<400x128xf32, #tpu.memory_space<vmem_shared>> -> memref<400x128xf32, #tpu.memory_space<vmem_shared>>
      tpu.enqueue_indirect_dma source(%dma_start3A_1056 : memref<400x128xf32, #tpu.memory_space<vmem_shared>>) target(%dma_start3A_1052 : memref<80x128xf32, #tpu.memory_space<vmem>>) offsets(%dma_start3A_1053 : memref<80xi32, #tpu.memory_space<vmem>>) semaphore(%arg10 : memref<!tpu.dma_semaphore, #tpu.memory_space<semaphore_mem>>)
      %mul3A_1057 = arith.constant 10 : i32
      %mul3A_1058 = arith.muli %add3A_917, %mul3A_1057 : i32
      %add3A_1059 = arith.constant 5 : i32
      %add3A_1060 = arith.addi %add3A_1059, %mul3A_1058 : i32
      %add3A_1061 = arith.constant 2 : i32
      %add3A_1062 = arith.addi %add3A_1060, %add3A_1061 : i32
      %mul3A_1063 = arith.constant 80 : i32
      %mul3A_1064 = arith.muli %add3A_1062, %mul3A_1063 : i32
      %multiple_of3A_1065 = tpu.assume_multiple %mul3A_1064, 8 : i32
      %dma_wait3A_1066 = arith.constant 7 : i32
      %dma_wait3A_1067 = arith.constant 0 : i32
      %dma_wait3A_1068 = arith.constant 0 : i32
      %dma_wait3A_1069 = tpu.memref_slice %arg7[%dma_wait3A_1066, %dma_wait3A_1067, %dma_wait3A_1068] : memref<10x80x128xf32, #tpu.memory_space<vmem>> -> memref<1x80x128xf32, #tpu.memory_space<vmem>>
      %dma_wait3A_1070 = tpu.memref_squeeze %dma_wait3A_1069 : memref<1x80x128xf32, #tpu.memory_space<vmem>> -> memref<80x128xf32, #tpu.memory_space<vmem>>
      %dma_wait3A_1071 = tpu.memref_slice %arg5[%multiple_of3A_1065] : memref<10000xi32, #tpu.memory_space<vmem>> -> memref<80xi32, #tpu.memory_space<vmem>>
      %dma_wait3A_1072 = arith.constant 0 : i32
      %dma_wait3A_1073 = arith.constant 0 : i32
      %dma_wait3A_1074 = tpu.memref_slice %arg6[%dma_wait3A_1072, %dma_wait3A_1073] : memref<400x128xf32, #tpu.memory_space<vmem_shared>> -> memref<400x128xf32, #tpu.memory_space<vmem_shared>>
      tpu.wait_indirect_dma semaphore(%arg16 : memref<!tpu.dma_semaphore, #tpu.memory_space<semaphore_mem>>) src(%dma_wait3A_1074 : memref<400x128xf32, #tpu.memory_space<vmem_shared>>) dst(%dma_wait3A_1070 : memref<80x128xf32, #tpu.memory_space<vmem>>)
      %add3A_1075 = arith.addi %mul3A_2, %add3A_1062 : i32
      %dma_start3A_1076 = arith.constant 7 : i32
      %dma_start3A_1077 = arith.constant 0 : i32
      %dma_start3A_1078 = arith.constant 0 : i32
      %dma_start3A_1079 = tpu.memref_slice %arg7[%dma_start3A_1076, %dma_start3A_1077, %dma_start3A_1078] : memref<10x80x128xf32, #tpu.memory_space<vmem>> -> memref<1x80x128xf32, #tpu.memory_space<vmem>>
      %dma_start3A_1080 = tpu.memref_squeeze %dma_start3A_1079 : memref<1x80x128xf32, #tpu.memory_space<vmem>> -> memref<80x128xf32, #tpu.memory_space<vmem>>
      %dma_start3A_1081 = arith.constant 0 : i32
      %dma_start3A_1082 = arith.constant 0 : i32
      %dma_start3A_1083 = tpu.memref_slice %arg4[%add3A_1075, %dma_start3A_1081, %dma_start3A_1082] : memref<4000x80x128xf32, #tpu.memory_space<hbm>> -> memref<1x80x128xf32, #tpu.memory_space<hbm>>
      %dma_start3A_1084 = tpu.memref_squeeze %dma_start3A_1083 : memref<1x80x128xf32, #tpu.memory_space<hbm>> -> memref<80x128xf32, #tpu.memory_space<hbm>>
      %dma_start3A_1085 = arith.constant 0 : i32
      %dma_start3A_1086 = arith.constant 0 : i32
      %dma_start3A_1087 = tpu.memref_slice %arg4[%add3A_1075, %dma_start3A_1085, %dma_start3A_1086] : memref<4000x80x128xf32, #tpu.memory_space<hbm>> -> memref<1x80x128xf32, #tpu.memory_space<hbm>>
      %dma_start3A_1088 = tpu.memref_squeeze %dma_start3A_1087 : memref<1x80x128xf32, #tpu.memory_space<hbm>> -> memref<80x128xf32, #tpu.memory_space<hbm>>
      %dma_start3A_1089 = arith.constant 0 : i32
      %dma_start3A_1090 = arith.constant 0 : i32
      %dma_start3A_1091 = tpu.memref_slice %arg7[%dma_start3A_1076, %dma_start3A_1089, %dma_start3A_1090] : memref<10x80x128xf32, #tpu.memory_space<vmem>> -> memref<1x80x128xf32, #tpu.memory_space<vmem>>
      %dma_start3A_1092 = tpu.memref_squeeze %dma_start3A_1091 : memref<1x80x128xf32, #tpu.memory_space<vmem>> -> memref<80x128xf32, #tpu.memory_space<vmem>>
      tpu.enqueue_dma source(%dma_start3A_1092 : memref<80x128xf32, #tpu.memory_space<vmem>>) target(%dma_start3A_1088 : memref<80x128xf32, #tpu.memory_space<hbm>>) target_semaphore(%arg26 : memref<!tpu.dma_semaphore, #tpu.memory_space<semaphore_mem>>)
      %sub3A_1093 = arith.constant 5 : i32
      %sub3A_1094 = arith.subi %add3A_1062, %sub3A_1093 : i32
      %add3A_1095 = arith.addi %mul3A_2, %sub3A_1094 : i32
      %dma_wait3A_1096 = arith.constant 2 : i32
      %dma_wait3A_1097 = arith.constant 0 : i32
      %dma_wait3A_1098 = arith.constant 0 : i32
      %dma_wait3A_1099 = tpu.memref_slice %arg7[%dma_wait3A_1096, %dma_wait3A_1097, %dma_wait3A_1098] : memref<10x80x128xf32, #tpu.memory_space<vmem>> -> memref<1x80x128xf32, #tpu.memory_space<vmem>>
      %dma_wait3A_1100 = tpu.memref_squeeze %dma_wait3A_1099 : memref<1x80x128xf32, #tpu.memory_space<vmem>> -> memref<80x128xf32, #tpu.memory_space<vmem>>
      %dma_wait3A_1101 = arith.constant 0 : i32
      %dma_wait3A_1102 = arith.constant 0 : i32
      %dma_wait3A_1103 = tpu.memref_slice %arg4[%add3A_1095, %dma_wait3A_1101, %dma_wait3A_1102] : memref<4000x80x128xf32, #tpu.memory_space<hbm>> -> memref<1x80x128xf32, #tpu.memory_space<hbm>>
      %dma_wait3A_1104 = tpu.memref_squeeze %dma_wait3A_1103 : memref<1x80x128xf32, #tpu.memory_space<hbm>> -> memref<80x128xf32, #tpu.memory_space<hbm>>
      %dma_wait3A_1105 = arith.constant 0 : i32
      %dma_wait3A_1106 = arith.constant 0 : i32
      %dma_wait3A_1107 = tpu.memref_slice %arg4[%add3A_1095, %dma_wait3A_1105, %dma_wait3A_1106] : memref<4000x80x128xf32, #tpu.memory_space<hbm>> -> memref<1x80x128xf32, #tpu.memory_space<hbm>>
      %dma_wait3A_1108 = tpu.memref_squeeze %dma_wait3A_1107 : memref<1x80x128xf32, #tpu.memory_space<hbm>> -> memref<80x128xf32, #tpu.memory_space<hbm>>
      %dma_wait3A_1109 = arith.constant 0 : i32
      %dma_wait3A_1110 = arith.constant 0 : i32
      %dma_wait3A_1111 = tpu.memref_slice %arg7[%dma_wait3A_1096, %dma_wait3A_1109, %dma_wait3A_1110] : memref<10x80x128xf32, #tpu.memory_space<vmem>> -> memref<1x80x128xf32, #tpu.memory_space<vmem>>
      %dma_wait3A_1112 = tpu.memref_squeeze %dma_wait3A_1111 : memref<1x80x128xf32, #tpu.memory_space<vmem>> -> memref<80x128xf32, #tpu.memory_space<vmem>>
      tpu.wait_dma2 semaphore(%arg21 : memref<!tpu.dma_semaphore, #tpu.memory_space<semaphore_mem>>) src(%dma_wait3A_1112 : memref<80x128xf32, #tpu.memory_space<vmem>>) dst(%dma_wait3A_1108 : memref<80x128xf32, #tpu.memory_space<hbm>>)
      %add3A_1113 = arith.constant 5 : i32
      %add3A_1114 = arith.addi %add3A_1062, %add3A_1113 : i32
      %mul3A_1115 = arith.constant 80 : i32
      %mul3A_1116 = arith.muli %add3A_1114, %mul3A_1115 : i32
      %multiple_of3A_1117 = tpu.assume_multiple %mul3A_1116, 8 : i32
      %dma_start3A_1118 = arith.constant 2 : i32
      %dma_start3A_1119 = arith.constant 0 : i32
      %dma_start3A_1120 = arith.constant 0 : i32
      %dma_start3A_1121 = tpu.memref_slice %arg7[%dma_start3A_1118, %dma_start3A_1119, %dma_start3A_1120] : memref<10x80x128xf32, #tpu.memory_space<vmem>> -> memref<1x80x128xf32, #tpu.memory_space<vmem>>
      %dma_start3A_1122 = tpu.memref_squeeze %dma_start3A_1121 : memref<1x80x128xf32, #tpu.memory_space<vmem>> -> memref<80x128xf32, #tpu.memory_space<vmem>>
      %dma_start3A_1123 = tpu.memref_slice %arg5[%multiple_of3A_1117] : memref<10000xi32, #tpu.memory_space<vmem>> -> memref<80xi32, #tpu.memory_space<vmem>>
      %dma_start3A_1124 = arith.constant 0 : i32
      %dma_start3A_1125 = arith.constant 0 : i32
      %dma_start3A_1126 = tpu.memref_slice %arg6[%dma_start3A_1124, %dma_start3A_1125] : memref<400x128xf32, #tpu.memory_space<vmem_shared>> -> memref<400x128xf32, #tpu.memory_space<vmem_shared>>
      tpu.enqueue_indirect_dma source(%dma_start3A_1126 : memref<400x128xf32, #tpu.memory_space<vmem_shared>>) target(%dma_start3A_1122 : memref<80x128xf32, #tpu.memory_space<vmem>>) offsets(%dma_start3A_1123 : memref<80xi32, #tpu.memory_space<vmem>>) semaphore(%arg11 : memref<!tpu.dma_semaphore, #tpu.memory_space<semaphore_mem>>)
      %mul3A_1127 = arith.constant 10 : i32
      %mul3A_1128 = arith.muli %add3A_917, %mul3A_1127 : i32
      %add3A_1129 = arith.constant 5 : i32
      %add3A_1130 = arith.addi %add3A_1129, %mul3A_1128 : i32
      %add3A_1131 = arith.constant 3 : i32
      %add3A_1132 = arith.addi %add3A_1130, %add3A_1131 : i32
      %mul3A_1133 = arith.constant 80 : i32
      %mul3A_1134 = arith.muli %add3A_1132, %mul3A_1133 : i32
      %multiple_of3A_1135 = tpu.assume_multiple %mul3A_1134, 8 : i32
      %dma_wait3A_1136 = arith.constant 8 : i32
      %dma_wait3A_1137 = arith.constant 0 : i32
      %dma_wait3A_1138 = arith.constant 0 : i32
      %dma_wait3A_1139 = tpu.memref_slice %arg7[%dma_wait3A_1136, %dma_wait3A_1137, %dma_wait3A_1138] : memref<10x80x128xf32, #tpu.memory_space<vmem>> -> memref<1x80x128xf32, #tpu.memory_space<vmem>>
      %dma_wait3A_1140 = tpu.memref_squeeze %dma_wait3A_1139 : memref<1x80x128xf32, #tpu.memory_space<vmem>> -> memref<80x128xf32, #tpu.memory_space<vmem>>
      %dma_wait3A_1141 = tpu.memref_slice %arg5[%multiple_of3A_1135] : memref<10000xi32, #tpu.memory_space<vmem>> -> memref<80xi32, #tpu.memory_space<vmem>>
      %dma_wait3A_1142 = arith.constant 0 : i32
      %dma_wait3A_1143 = arith.constant 0 : i32
      %dma_wait3A_1144 = tpu.memref_slice %arg6[%dma_wait3A_1142, %dma_wait3A_1143] : memref<400x128xf32, #tpu.memory_space<vmem_shared>> -> memref<400x128xf32, #tpu.memory_space<vmem_shared>>
      tpu.wait_indirect_dma semaphore(%arg17 : memref<!tpu.dma_semaphore, #tpu.memory_space<semaphore_mem>>) src(%dma_wait3A_1144 : memref<400x128xf32, #tpu.memory_space<vmem_shared>>) dst(%dma_wait3A_1140 : memref<80x128xf32, #tpu.memory_space<vmem>>)
      %add3A_1145 = arith.addi %mul3A_2, %add3A_1132 : i32
      %dma_start3A_1146 = arith.constant 8 : i32
      %dma_start3A_1147 = arith.constant 0 : i32
      %dma_start3A_1148 = arith.constant 0 : i32
      %dma_start3A_1149 = tpu.memref_slice %arg7[%dma_start3A_1146, %dma_start3A_1147, %dma_start3A_1148] : memref<10x80x128xf32, #tpu.memory_space<vmem>> -> memref<1x80x128xf32, #tpu.memory_space<vmem>>
      %dma_start3A_1150 = tpu.memref_squeeze %dma_start3A_1149 : memref<1x80x128xf32, #tpu.memory_space<vmem>> -> memref<80x128xf32, #tpu.memory_space<vmem>>
      %dma_start3A_1151 = arith.constant 0 : i32
      %dma_start3A_1152 = arith.constant 0 : i32
      %dma_start3A_1153 = tpu.memref_slice %arg4[%add3A_1145, %dma_start3A_1151, %dma_start3A_1152] : memref<4000x80x128xf32, #tpu.memory_space<hbm>> -> memref<1x80x128xf32, #tpu.memory_space<hbm>>
      %dma_start3A_1154 = tpu.memref_squeeze %dma_start3A_1153 : memref<1x80x128xf32, #tpu.memory_space<hbm>> -> memref<80x128xf32, #tpu.memory_space<hbm>>
      %dma_start3A_1155 = arith.constant 0 : i32
      %dma_start3A_1156 = arith.constant 0 : i32
      %dma_start3A_1157 = tpu.memref_slice %arg4[%add3A_1145, %dma_start3A_1155, %dma_start3A_1156] : memref<4000x80x128xf32, #tpu.memory_space<hbm>> -> memref<1x80x128xf32, #tpu.memory_space<hbm>>
      %dma_start3A_1158 = tpu.memref_squeeze %dma_start3A_1157 : memref<1x80x128xf32, #tpu.memory_space<hbm>> -> memref<80x128xf32, #tpu.memory_space<hbm>>
      %dma_start3A_1159 = arith.constant 0 : i32
      %dma_start3A_1160 = arith.constant 0 : i32
      %dma_start3A_1161 = tpu.memref_slice %arg7[%dma_start3A_1146, %dma_start3A_1159, %dma_start3A_1160] : memref<10x80x128xf32, #tpu.memory_space<vmem>> -> memref<1x80x128xf32, #tpu.memory_space<vmem>>
      %dma_start3A_1162 = tpu.memref_squeeze %dma_start3A_1161 : memref<1x80x128xf32, #tpu.memory_space<vmem>> -> memref<80x128xf32, #tpu.memory_space<vmem>>
      tpu.enqueue_dma source(%dma_start3A_1162 : memref<80x128xf32, #tpu.memory_space<vmem>>) target(%dma_start3A_1158 : memref<80x128xf32, #tpu.memory_space<hbm>>) target_semaphore(%arg27 : memref<!tpu.dma_semaphore, #tpu.memory_space<semaphore_mem>>)
      %sub3A_1163 = arith.constant 5 : i32
      %sub3A_1164 = arith.subi %add3A_1132, %sub3A_1163 : i32
      %add3A_1165 = arith.addi %mul3A_2, %sub3A_1164 : i32
      %dma_wait3A_1166 = arith.constant 3 : i32
      %dma_wait3A_1167 = arith.constant 0 : i32
      %dma_wait3A_1168 = arith.constant 0 : i32
      %dma_wait3A_1169 = tpu.memref_slice %arg7[%dma_wait3A_1166, %dma_wait3A_1167, %dma_wait3A_1168] : memref<10x80x128xf32, #tpu.memory_space<vmem>> -> memref<1x80x128xf32, #tpu.memory_space<vmem>>
      %dma_wait3A_1170 = tpu.memref_squeeze %dma_wait3A_1169 : memref<1x80x128xf32, #tpu.memory_space<vmem>> -> memref<80x128xf32, #tpu.memory_space<vmem>>
      %dma_wait3A_1171 = arith.constant 0 : i32
      %dma_wait3A_1172 = arith.constant 0 : i32
      %dma_wait3A_1173 = tpu.memref_slice %arg4[%add3A_1165, %dma_wait3A_1171, %dma_wait3A_1172] : memref<4000x80x128xf32, #tpu.memory_space<hbm>> -> memref<1x80x128xf32, #tpu.memory_space<hbm>>
      %dma_wait3A_1174 = tpu.memref_squeeze %dma_wait3A_1173 : memref<1x80x128xf32, #tpu.memory_space<hbm>> -> memref<80x128xf32, #tpu.memory_space<hbm>>
      %dma_wait3A_1175 = arith.constant 0 : i32
      %dma_wait3A_1176 = arith.constant 0 : i32
      %dma_wait3A_1177 = tpu.memref_slice %arg4[%add3A_1165, %dma_wait3A_1175, %dma_wait3A_1176] : memref<4000x80x128xf32, #tpu.memory_space<hbm>> -> memref<1x80x128xf32, #tpu.memory_space<hbm>>
      %dma_wait3A_1178 = tpu.memref_squeeze %dma_wait3A_1177 : memref<1x80x128xf32, #tpu.memory_space<hbm>> -> memref<80x128xf32, #tpu.memory_space<hbm>>
      %dma_wait3A_1179 = arith.constant 0 : i32
      %dma_wait3A_1180 = arith.constant 0 : i32
      %dma_wait3A_1181 = tpu.memref_slice %arg7[%dma_wait3A_1166, %dma_wait3A_1179, %dma_wait3A_1180] : memref<10x80x128xf32, #tpu.memory_space<vmem>> -> memref<1x80x128xf32, #tpu.memory_space<vmem>>
      %dma_wait3A_1182 = tpu.memref_squeeze %dma_wait3A_1181 : memref<1x80x128xf32, #tpu.memory_space<vmem>> -> memref<80x128xf32, #tpu.memory_space<vmem>>
      tpu.wait_dma2 semaphore(%arg22 : memref<!tpu.dma_semaphore, #tpu.memory_space<semaphore_mem>>) src(%dma_wait3A_1182 : memref<80x128xf32, #tpu.memory_space<vmem>>) dst(%dma_wait3A_1178 : memref<80x128xf32, #tpu.memory_space<hbm>>)
      %add3A_1183 = arith.constant 5 : i32
      %add3A_1184 = arith.addi %add3A_1132, %add3A_1183 : i32
      %mul3A_1185 = arith.constant 80 : i32
      %mul3A_1186 = arith.muli %add3A_1184, %mul3A_1185 : i32
      %multiple_of3A_1187 = tpu.assume_multiple %mul3A_1186, 8 : i32
      %dma_start3A_1188 = arith.constant 3 : i32
      %dma_start3A_1189 = arith.constant 0 : i32
      %dma_start3A_1190 = arith.constant 0 : i32
      %dma_start3A_1191 = tpu.memref_slice %arg7[%dma_start3A_1188, %dma_start3A_1189, %dma_start3A_1190] : memref<10x80x128xf32, #tpu.memory_space<vmem>> -> memref<1x80x128xf32, #tpu.memory_space<vmem>>
      %dma_start3A_1192 = tpu.memref_squeeze %dma_start3A_1191 : memref<1x80x128xf32, #tpu.memory_space<vmem>> -> memref<80x128xf32, #tpu.memory_space<vmem>>
      %dma_start3A_1193 = tpu.memref_slice %arg5[%multiple_of3A_1187] : memref<10000xi32, #tpu.memory_space<vmem>> -> memref<80xi32, #tpu.memory_space<vmem>>
      %dma_start3A_1194 = arith.constant 0 : i32
      %dma_start3A_1195 = arith.constant 0 : i32
      %dma_start3A_1196 = tpu.memref_slice %arg6[%dma_start3A_1194, %dma_start3A_1195] : memref<400x128xf32, #tpu.memory_space<vmem_shared>> -> memref<400x128xf32, #tpu.memory_space<vmem_shared>>
      tpu.enqueue_indirect_dma source(%dma_start3A_1196 : memref<400x128xf32, #tpu.memory_space<vmem_shared>>) target(%dma_start3A_1192 : memref<80x128xf32, #tpu.memory_space<vmem>>) offsets(%dma_start3A_1193 : memref<80xi32, #tpu.memory_space<vmem>>) semaphore(%arg12 : memref<!tpu.dma_semaphore, #tpu.memory_space<semaphore_mem>>)
      %mul3A_1197 = arith.constant 10 : i32
      %mul3A_1198 = arith.muli %add3A_917, %mul3A_1197 : i32
      %add3A_1199 = arith.constant 5 : i32
      %add3A_1200 = arith.addi %add3A_1199, %mul3A_1198 : i32
      %add3A_1201 = arith.constant 4 : i32
      %add3A_1202 = arith.addi %add3A_1200, %add3A_1201 : i32
      %mul3A_1203 = arith.constant 80 : i32
      %mul3A_1204 = arith.muli %add3A_1202, %mul3A_1203 : i32
      %multiple_of3A_1205 = tpu.assume_multiple %mul3A_1204, 8 : i32
      %dma_wait3A_1206 = arith.constant 9 : i32
      %dma_wait3A_1207 = arith.constant 0 : i32
      %dma_wait3A_1208 = arith.constant 0 : i32
      %dma_wait3A_1209 = tpu.memref_slice %arg7[%dma_wait3A_1206, %dma_wait3A_1207, %dma_wait3A_1208] : memref<10x80x128xf32, #tpu.memory_space<vmem>> -> memref<1x80x128xf32, #tpu.memory_space<vmem>>
      %dma_wait3A_1210 = tpu.memref_squeeze %dma_wait3A_1209 : memref<1x80x128xf32, #tpu.memory_space<vmem>> -> memref<80x128xf32, #tpu.memory_space<vmem>>
      %dma_wait3A_1211 = tpu.memref_slice %arg5[%multiple_of3A_1205] : memref<10000xi32, #tpu.memory_space<vmem>> -> memref<80xi32, #tpu.memory_space<vmem>>
      %dma_wait3A_1212 = arith.constant 0 : i32
      %dma_wait3A_1213 = arith.constant 0 : i32
      %dma_wait3A_1214 = tpu.memref_slice %arg6[%dma_wait3A_1212, %dma_wait3A_1213] : memref<400x128xf32, #tpu.memory_space<vmem_shared>> -> memref<400x128xf32, #tpu.memory_space<vmem_shared>>
      tpu.wait_indirect_dma semaphore(%arg18 : memref<!tpu.dma_semaphore, #tpu.memory_space<semaphore_mem>>) src(%dma_wait3A_1214 : memref<400x128xf32, #tpu.memory_space<vmem_shared>>) dst(%dma_wait3A_1210 : memref<80x128xf32, #tpu.memory_space<vmem>>)
      %add3A_1215 = arith.addi %mul3A_2, %add3A_1202 : i32
      %dma_start3A_1216 = arith.constant 9 : i32
      %dma_start3A_1217 = arith.constant 0 : i32
      %dma_start3A_1218 = arith.constant 0 : i32
      %dma_start3A_1219 = tpu.memref_slice %arg7[%dma_start3A_1216, %dma_start3A_1217, %dma_start3A_1218] : memref<10x80x128xf32, #tpu.memory_space<vmem>> -> memref<1x80x128xf32, #tpu.memory_space<vmem>>
      %dma_start3A_1220 = tpu.memref_squeeze %dma_start3A_1219 : memref<1x80x128xf32, #tpu.memory_space<vmem>> -> memref<80x128xf32, #tpu.memory_space<vmem>>
      %dma_start3A_1221 = arith.constant 0 : i32
      %dma_start3A_1222 = arith.constant 0 : i32
      %dma_start3A_1223 = tpu.memref_slice %arg4[%add3A_1215, %dma_start3A_1221, %dma_start3A_1222] : memref<4000x80x128xf32, #tpu.memory_space<hbm>> -> memref<1x80x128xf32, #tpu.memory_space<hbm>>
      %dma_start3A_1224 = tpu.memref_squeeze %dma_start3A_1223 : memref<1x80x128xf32, #tpu.memory_space<hbm>> -> memref<80x128xf32, #tpu.memory_space<hbm>>
      %dma_start3A_1225 = arith.constant 0 : i32
      %dma_start3A_1226 = arith.constant 0 : i32
      %dma_start3A_1227 = tpu.memref_slice %arg4[%add3A_1215, %dma_start3A_1225, %dma_start3A_1226] : memref<4000x80x128xf32, #tpu.memory_space<hbm>> -> memref<1x80x128xf32, #tpu.memory_space<hbm>>
      %dma_start3A_1228 = tpu.memref_squeeze %dma_start3A_1227 : memref<1x80x128xf32, #tpu.memory_space<hbm>> -> memref<80x128xf32, #tpu.memory_space<hbm>>
      %dma_start3A_1229 = arith.constant 0 : i32
      %dma_start3A_1230 = arith.constant 0 : i32
      %dma_start3A_1231 = tpu.memref_slice %arg7[%dma_start3A_1216, %dma_start3A_1229, %dma_start3A_1230] : memref<10x80x128xf32, #tpu.memory_space<vmem>> -> memref<1x80x128xf32, #tpu.memory_space<vmem>>
      %dma_start3A_1232 = tpu.memref_squeeze %dma_start3A_1231 : memref<1x80x128xf32, #tpu.memory_space<vmem>> -> memref<80x128xf32, #tpu.memory_space<vmem>>
      tpu.enqueue_dma source(%dma_start3A_1232 : memref<80x128xf32, #tpu.memory_space<vmem>>) target(%dma_start3A_1228 : memref<80x128xf32, #tpu.memory_space<hbm>>) target_semaphore(%arg28 : memref<!tpu.dma_semaphore, #tpu.memory_space<semaphore_mem>>)
      %sub3A_1233 = arith.constant 5 : i32
      %sub3A_1234 = arith.subi %add3A_1202, %sub3A_1233 : i32
      %add3A_1235 = arith.addi %mul3A_2, %sub3A_1234 : i32
      %dma_wait3A_1236 = arith.constant 4 : i32
      %dma_wait3A_1237 = arith.constant 0 : i32
      %dma_wait3A_1238 = arith.constant 0 : i32
      %dma_wait3A_1239 = tpu.memref_slice %arg7[%dma_wait3A_1236, %dma_wait3A_1237, %dma_wait3A_1238] : memref<10x80x128xf32, #tpu.memory_space<vmem>> -> memref<1x80x128xf32, #tpu.memory_space<vmem>>
      %dma_wait3A_1240 = tpu.memref_squeeze %dma_wait3A_1239 : memref<1x80x128xf32, #tpu.memory_space<vmem>> -> memref<80x128xf32, #tpu.memory_space<vmem>>
      %dma_wait3A_1241 = arith.constant 0 : i32
      %dma_wait3A_1242 = arith.constant 0 : i32
      %dma_wait3A_1243 = tpu.memref_slice %arg4[%add3A_1235, %dma_wait3A_1241, %dma_wait3A_1242] : memref<4000x80x128xf32, #tpu.memory_space<hbm>> -> memref<1x80x128xf32, #tpu.memory_space<hbm>>
      %dma_wait3A_1244 = tpu.memref_squeeze %dma_wait3A_1243 : memref<1x80x128xf32, #tpu.memory_space<hbm>> -> memref<80x128xf32, #tpu.memory_space<hbm>>
      %dma_wait3A_1245 = arith.constant 0 : i32
      %dma_wait3A_1246 = arith.constant 0 : i32
      %dma_wait3A_1247 = tpu.memref_slice %arg4[%add3A_1235, %dma_wait3A_1245, %dma_wait3A_1246] : memref<4000x80x128xf32, #tpu.memory_space<hbm>> -> memref<1x80x128xf32, #tpu.memory_space<hbm>>
      %dma_wait3A_1248 = tpu.memref_squeeze %dma_wait3A_1247 : memref<1x80x128xf32, #tpu.memory_space<hbm>> -> memref<80x128xf32, #tpu.memory_space<hbm>>
      %dma_wait3A_1249 = arith.constant 0 : i32
      %dma_wait3A_1250 = arith.constant 0 : i32
      %dma_wait3A_1251 = tpu.memref_slice %arg7[%dma_wait3A_1236, %dma_wait3A_1249, %dma_wait3A_1250] : memref<10x80x128xf32, #tpu.memory_space<vmem>> -> memref<1x80x128xf32, #tpu.memory_space<vmem>>
      %dma_wait3A_1252 = tpu.memref_squeeze %dma_wait3A_1251 : memref<1x80x128xf32, #tpu.memory_space<vmem>> -> memref<80x128xf32, #tpu.memory_space<vmem>>
      tpu.wait_dma2 semaphore(%arg23 : memref<!tpu.dma_semaphore, #tpu.memory_space<semaphore_mem>>) src(%dma_wait3A_1252 : memref<80x128xf32, #tpu.memory_space<vmem>>) dst(%dma_wait3A_1248 : memref<80x128xf32, #tpu.memory_space<hbm>>)
      %add3A_1253 = arith.constant 5 : i32
      %add3A_1254 = arith.addi %add3A_1202, %add3A_1253 : i32
      %mul3A_1255 = arith.constant 80 : i32
      %mul3A_1256 = arith.muli %add3A_1254, %mul3A_1255 : i32
      %multiple_of3A_1257 = tpu.assume_multiple %mul3A_1256, 8 : i32
      %dma_start3A_1258 = arith.constant 4 : i32
      %dma_start3A_1259 = arith.constant 0 : i32
      %dma_start3A_1260 = arith.constant 0 : i32
      %dma_start3A_1261 = tpu.memref_slice %arg7[%dma_start3A_1258, %dma_start3A_1259, %dma_start3A_1260] : memref<10x80x128xf32, #tpu.memory_space<vmem>> -> memref<1x80x128xf32, #tpu.memory_space<vmem>>
      %dma_start3A_1262 = tpu.memref_squeeze %dma_start3A_1261 : memref<1x80x128xf32, #tpu.memory_space<vmem>> -> memref<80x128xf32, #tpu.memory_space<vmem>>
      %dma_start3A_1263 = tpu.memref_slice %arg5[%multiple_of3A_1257] : memref<10000xi32, #tpu.memory_space<vmem>> -> memref<80xi32, #tpu.memory_space<vmem>>
      %dma_start3A_1264 = arith.constant 0 : i32
      %dma_start3A_1265 = arith.constant 0 : i32
      %dma_start3A_1266 = tpu.memref_slice %arg6[%dma_start3A_1264, %dma_start3A_1265] : memref<400x128xf32, #tpu.memory_space<vmem_shared>> -> memref<400x128xf32, #tpu.memory_space<vmem_shared>>
      tpu.enqueue_indirect_dma source(%dma_start3A_1266 : memref<400x128xf32, #tpu.memory_space<vmem_shared>>) target(%dma_start3A_1262 : memref<80x128xf32, #tpu.memory_space<vmem>>) offsets(%dma_start3A_1263 : memref<80xi32, #tpu.memory_space<vmem>>) semaphore(%arg13 : memref<!tpu.dma_semaphore, #tpu.memory_space<semaphore_mem>>)
      %mul3A_1267 = arith.constant 10 : i32
      %mul3A_1268 = arith.muli %add3A_917, %mul3A_1267 : i32
      %add3A_1269 = arith.constant 5 : i32
      %add3A_1270 = arith.addi %add3A_1269, %mul3A_1268 : i32
      %add3A_1271 = arith.constant 5 : i32
      %add3A_1272 = arith.addi %add3A_1270, %add3A_1271 : i32
      %mul3A_1273 = arith.constant 80 : i32
      %mul3A_1274 = arith.muli %add3A_1272, %mul3A_1273 : i32
      %multiple_of3A_1275 = tpu.assume_multiple %mul3A_1274, 8 : i32
      %dma_wait3A_1276 = arith.constant 0 : i32
      %dma_wait3A_1277 = arith.constant 0 : i32
      %dma_wait3A_1278 = arith.constant 0 : i32
      %dma_wait3A_1279 = tpu.memref_slice %arg7[%dma_wait3A_1276, %dma_wait3A_1277, %dma_wait3A_1278] : memref<10x80x128xf32, #tpu.memory_space<vmem>> -> memref<1x80x128xf32, #tpu.memory_space<vmem>>
      %dma_wait3A_1280 = tpu.memref_squeeze %dma_wait3A_1279 : memref<1x80x128xf32, #tpu.memory_space<vmem>> -> memref<80x128xf32, #tpu.memory_space<vmem>>
      %dma_wait3A_1281 = tpu.memref_slice %arg5[%multiple_of3A_1275] : memref<10000xi32, #tpu.memory_space<vmem>> -> memref<80xi32, #tpu.memory_space<vmem>>
      %dma_wait3A_1282 = arith.constant 0 : i32
      %dma_wait3A_1283 = arith.constant 0 : i32
      %dma_wait3A_1284 = tpu.memref_slice %arg6[%dma_wait3A_1282, %dma_wait3A_1283] : memref<400x128xf32, #tpu.memory_space<vmem_shared>> -> memref<400x128xf32, #tpu.memory_space<vmem_shared>>
      tpu.wait_indirect_dma semaphore(%arg9 : memref<!tpu.dma_semaphore, #tpu.memory_space<semaphore_mem>>) src(%dma_wait3A_1284 : memref<400x128xf32, #tpu.memory_space<vmem_shared>>) dst(%dma_wait3A_1280 : memref<80x128xf32, #tpu.memory_space<vmem>>)
      %add3A_1285 = arith.addi %mul3A_2, %add3A_1272 : i32
      %dma_start3A_1286 = arith.constant 0 : i32
      %dma_start3A_1287 = arith.constant 0 : i32
      %dma_start3A_1288 = arith.constant 0 : i32
      %dma_start3A_1289 = tpu.memref_slice %arg7[%dma_start3A_1286, %dma_start3A_1287, %dma_start3A_1288] : memref<10x80x128xf32, #tpu.memory_space<vmem>> -> memref<1x80x128xf32, #tpu.memory_space<vmem>>
      %dma_start3A_1290 = tpu.memref_squeeze %dma_start3A_1289 : memref<1x80x128xf32, #tpu.memory_space<vmem>> -> memref<80x128xf32, #tpu.memory_space<vmem>>
      %dma_start3A_1291 = arith.constant 0 : i32
      %dma_start3A_1292 = arith.constant 0 : i32
      %dma_start3A_1293 = tpu.memref_slice %arg4[%add3A_1285, %dma_start3A_1291, %dma_start3A_1292] : memref<4000x80x128xf32, #tpu.memory_space<hbm>> -> memref<1x80x128xf32, #tpu.memory_space<hbm>>
      %dma_start3A_1294 = tpu.memref_squeeze %dma_start3A_1293 : memref<1x80x128xf32, #tpu.memory_space<hbm>> -> memref<80x128xf32, #tpu.memory_space<hbm>>
      %dma_start3A_1295 = arith.constant 0 : i32
      %dma_start3A_1296 = arith.constant 0 : i32
      %dma_start3A_1297 = tpu.memref_slice %arg4[%add3A_1285, %dma_start3A_1295, %dma_start3A_1296] : memref<4000x80x128xf32, #tpu.memory_space<hbm>> -> memref<1x80x128xf32, #tpu.memory_space<hbm>>
      %dma_start3A_1298 = tpu.memref_squeeze %dma_start3A_1297 : memref<1x80x128xf32, #tpu.memory_space<hbm>> -> memref<80x128xf32, #tpu.memory_space<hbm>>
      %dma_start3A_1299 = arith.constant 0 : i32
      %dma_start3A_1300 = arith.constant 0 : i32
      %dma_start3A_1301 = tpu.memref_slice %arg7[%dma_start3A_1286, %dma_start3A_1299, %dma_start3A_1300] : memref<10x80x128xf32, #tpu.memory_space<vmem>> -> memref<1x80x128xf32, #tpu.memory_space<vmem>>
      %dma_start3A_1302 = tpu.memref_squeeze %dma_start3A_1301 : memref<1x80x128xf32, #tpu.memory_space<vmem>> -> memref<80x128xf32, #tpu.memory_space<vmem>>
      tpu.enqueue_dma source(%dma_start3A_1302 : memref<80x128xf32, #tpu.memory_space<vmem>>) target(%dma_start3A_1298 : memref<80x128xf32, #tpu.memory_space<hbm>>) target_semaphore(%arg19 : memref<!tpu.dma_semaphore, #tpu.memory_space<semaphore_mem>>)
      %sub3A_1303 = arith.constant 5 : i32
      %sub3A_1304 = arith.subi %add3A_1272, %sub3A_1303 : i32
      %add3A_1305 = arith.addi %mul3A_2, %sub3A_1304 : i32
      %dma_wait3A_1306 = arith.constant 5 : i32
      %dma_wait3A_1307 = arith.constant 0 : i32
      %dma_wait3A_1308 = arith.constant 0 : i32
      %dma_wait3A_1309 = tpu.memref_slice %arg7[%dma_wait3A_1306, %dma_wait3A_1307, %dma_wait3A_1308] : memref<10x80x128xf32, #tpu.memory_space<vmem>> -> memref<1x80x128xf32, #tpu.memory_space<vmem>>
      %dma_wait3A_1310 = tpu.memref_squeeze %dma_wait3A_1309 : memref<1x80x128xf32, #tpu.memory_space<vmem>> -> memref<80x128xf32, #tpu.memory_space<vmem>>
      %dma_wait3A_1311 = arith.constant 0 : i32
      %dma_wait3A_1312 = arith.constant 0 : i32
      %dma_wait3A_1313 = tpu.memref_slice %arg4[%add3A_1305, %dma_wait3A_1311, %dma_wait3A_1312] : memref<4000x80x128xf32, #tpu.memory_space<hbm>> -> memref<1x80x128xf32, #tpu.memory_space<hbm>>
      %dma_wait3A_1314 = tpu.memref_squeeze %dma_wait3A_1313 : memref<1x80x128xf32, #tpu.memory_space<hbm>> -> memref<80x128xf32, #tpu.memory_space<hbm>>
      %dma_wait3A_1315 = arith.constant 0 : i32
      %dma_wait3A_1316 = arith.constant 0 : i32
      %dma_wait3A_1317 = tpu.memref_slice %arg4[%add3A_1305, %dma_wait3A_1315, %dma_wait3A_1316] : memref<4000x80x128xf32, #tpu.memory_space<hbm>> -> memref<1x80x128xf32, #tpu.memory_space<hbm>>
      %dma_wait3A_1318 = tpu.memref_squeeze %dma_wait3A_1317 : memref<1x80x128xf32, #tpu.memory_space<hbm>> -> memref<80x128xf32, #tpu.memory_space<hbm>>
      %dma_wait3A_1319 = arith.constant 0 : i32
      %dma_wait3A_1320 = arith.constant 0 : i32
      %dma_wait3A_1321 = tpu.memref_slice %arg7[%dma_wait3A_1306, %dma_wait3A_1319, %dma_wait3A_1320] : memref<10x80x128xf32, #tpu.memory_space<vmem>> -> memref<1x80x128xf32, #tpu.memory_space<vmem>>
      %dma_wait3A_1322 = tpu.memref_squeeze %dma_wait3A_1321 : memref<1x80x128xf32, #tpu.memory_space<vmem>> -> memref<80x128xf32, #tpu.memory_space<vmem>>
      tpu.wait_dma2 semaphore(%arg24 : memref<!tpu.dma_semaphore, #tpu.memory_space<semaphore_mem>>) src(%dma_wait3A_1322 : memref<80x128xf32, #tpu.memory_space<vmem>>) dst(%dma_wait3A_1318 : memref<80x128xf32, #tpu.memory_space<hbm>>)
      %add3A_1323 = arith.constant 5 : i32
      %add3A_1324 = arith.addi %add3A_1272, %add3A_1323 : i32
      %mul3A_1325 = arith.constant 80 : i32
      %mul3A_1326 = arith.muli %add3A_1324, %mul3A_1325 : i32
      %multiple_of3A_1327 = tpu.assume_multiple %mul3A_1326, 8 : i32
      %dma_start3A_1328 = arith.constant 5 : i32
      %dma_start3A_1329 = arith.constant 0 : i32
      %dma_start3A_1330 = arith.constant 0 : i32
      %dma_start3A_1331 = tpu.memref_slice %arg7[%dma_start3A_1328, %dma_start3A_1329, %dma_start3A_1330] : memref<10x80x128xf32, #tpu.memory_space<vmem>> -> memref<1x80x128xf32, #tpu.memory_space<vmem>>
      %dma_start3A_1332 = tpu.memref_squeeze %dma_start3A_1331 : memref<1x80x128xf32, #tpu.memory_space<vmem>> -> memref<80x128xf32, #tpu.memory_space<vmem>>
      %dma_start3A_1333 = tpu.memref_slice %arg5[%multiple_of3A_1327] : memref<10000xi32, #tpu.memory_space<vmem>> -> memref<80xi32, #tpu.memory_space<vmem>>
      %dma_start3A_1334 = arith.constant 0 : i32
      %dma_start3A_1335 = arith.constant 0 : i32
      %dma_start3A_1336 = tpu.memref_slice %arg6[%dma_start3A_1334, %dma_start3A_1335] : memref<400x128xf32, #tpu.memory_space<vmem_shared>> -> memref<400x128xf32, #tpu.memory_space<vmem_shared>>
      tpu.enqueue_indirect_dma source(%dma_start3A_1336 : memref<400x128xf32, #tpu.memory_space<vmem_shared>>) target(%dma_start3A_1332 : memref<80x128xf32, #tpu.memory_space<vmem>>) offsets(%dma_start3A_1333 : memref<80xi32, #tpu.memory_space<vmem>>) semaphore(%arg14 : memref<!tpu.dma_semaphore, #tpu.memory_space<semaphore_mem>>)
      %mul3A_1337 = arith.constant 10 : i32
      %mul3A_1338 = arith.muli %add3A_917, %mul3A_1337 : i32
      %add3A_1339 = arith.constant 5 : i32
      %add3A_1340 = arith.addi %add3A_1339, %mul3A_1338 : i32
      %add3A_1341 = arith.constant 6 : i32
      %add3A_1342 = arith.addi %add3A_1340, %add3A_1341 : i32
      %mul3A_1343 = arith.constant 80 : i32
      %mul3A_1344 = arith.muli %add3A_1342, %mul3A_1343 : i32
      %multiple_of3A_1345 = tpu.assume_multiple %mul3A_1344, 8 : i32
      %dma_wait3A_1346 = arith.constant 1 : i32
      %dma_wait3A_1347 = arith.constant 0 : i32
      %dma_wait3A_1348 = arith.constant 0 : i32
      %dma_wait3A_1349 = tpu.memref_slice %arg7[%dma_wait3A_1346, %dma_wait3A_1347, %dma_wait3A_1348] : memref<10x80x128xf32, #tpu.memory_space<vmem>> -> memref<1x80x128xf32, #tpu.memory_space<vmem>>
      %dma_wait3A_1350 = tpu.memref_squeeze %dma_wait3A_1349 : memref<1x80x128xf32, #tpu.memory_space<vmem>> -> memref<80x128xf32, #tpu.memory_space<vmem>>
      %dma_wait3A_1351 = tpu.memref_slice %arg5[%multiple_of3A_1345] : memref<10000xi32, #tpu.memory_space<vmem>> -> memref<80xi32, #tpu.memory_space<vmem>>
      %dma_wait3A_1352 = arith.constant 0 : i32
      %dma_wait3A_1353 = arith.constant 0 : i32
      %dma_wait3A_1354 = tpu.memref_slice %arg6[%dma_wait3A_1352, %dma_wait3A_1353] : memref<400x128xf32, #tpu.memory_space<vmem_shared>> -> memref<400x128xf32, #tpu.memory_space<vmem_shared>>
      tpu.wait_indirect_dma semaphore(%arg10 : memref<!tpu.dma_semaphore, #tpu.memory_space<semaphore_mem>>) src(%dma_wait3A_1354 : memref<400x128xf32, #tpu.memory_space<vmem_shared>>) dst(%dma_wait3A_1350 : memref<80x128xf32, #tpu.memory_space<vmem>>)
      %add3A_1355 = arith.addi %mul3A_2, %add3A_1342 : i32
      %dma_start3A_1356 = arith.constant 1 : i32
      %dma_start3A_1357 = arith.constant 0 : i32
      %dma_start3A_1358 = arith.constant 0 : i32
      %dma_start3A_1359 = tpu.memref_slice %arg7[%dma_start3A_1356, %dma_start3A_1357, %dma_start3A_1358] : memref<10x80x128xf32, #tpu.memory_space<vmem>> -> memref<1x80x128xf32, #tpu.memory_space<vmem>>
      %dma_start3A_1360 = tpu.memref_squeeze %dma_start3A_1359 : memref<1x80x128xf32, #tpu.memory_space<vmem>> -> memref<80x128xf32, #tpu.memory_space<vmem>>
      %dma_start3A_1361 = arith.constant 0 : i32
      %dma_start3A_1362 = arith.constant 0 : i32
      %dma_start3A_1363 = tpu.memref_slice %arg4[%add3A_1355, %dma_start3A_1361, %dma_start3A_1362] : memref<4000x80x128xf32, #tpu.memory_space<hbm>> -> memref<1x80x128xf32, #tpu.memory_space<hbm>>
      %dma_start3A_1364 = tpu.memref_squeeze %dma_start3A_1363 : memref<1x80x128xf32, #tpu.memory_space<hbm>> -> memref<80x128xf32, #tpu.memory_space<hbm>>
      %dma_start3A_1365 = arith.constant 0 : i32
      %dma_start3A_1366 = arith.constant 0 : i32
      %dma_start3A_1367 = tpu.memref_slice %arg4[%add3A_1355, %dma_start3A_1365, %dma_start3A_1366] : memref<4000x80x128xf32, #tpu.memory_space<hbm>> -> memref<1x80x128xf32, #tpu.memory_space<hbm>>
      %dma_start3A_1368 = tpu.memref_squeeze %dma_start3A_1367 : memref<1x80x128xf32, #tpu.memory_space<hbm>> -> memref<80x128xf32, #tpu.memory_space<hbm>>
      %dma_start3A_1369 = arith.constant 0 : i32
      %dma_start3A_1370 = arith.constant 0 : i32
      %dma_start3A_1371 = tpu.memref_slice %arg7[%dma_start3A_1356, %dma_start3A_1369, %dma_start3A_1370] : memref<10x80x128xf32, #tpu.memory_space<vmem>> -> memref<1x80x128xf32, #tpu.memory_space<vmem>>
      %dma_start3A_1372 = tpu.memref_squeeze %dma_start3A_1371 : memref<1x80x128xf32, #tpu.memory_space<vmem>> -> memref<80x128xf32, #tpu.memory_space<vmem>>
      tpu.enqueue_dma source(%dma_start3A_1372 : memref<80x128xf32, #tpu.memory_space<vmem>>) target(%dma_start3A_1368 : memref<80x128xf32, #tpu.memory_space<hbm>>) target_semaphore(%arg20 : memref<!tpu.dma_semaphore, #tpu.memory_space<semaphore_mem>>)
      %sub3A_1373 = arith.constant 5 : i32
      %sub3A_1374 = arith.subi %add3A_1342, %sub3A_1373 : i32
      %add3A_1375 = arith.addi %mul3A_2, %sub3A_1374 : i32
      %dma_wait3A_1376 = arith.constant 6 : i32
      %dma_wait3A_1377 = arith.constant 0 : i32
      %dma_wait3A_1378 = arith.constant 0 : i32
      %dma_wait3A_1379 = tpu.memref_slice %arg7[%dma_wait3A_1376, %dma_wait3A_1377, %dma_wait3A_1378] : memref<10x80x128xf32, #tpu.memory_space<vmem>> -> memref<1x80x128xf32, #tpu.memory_space<vmem>>
      %dma_wait3A_1380 = tpu.memref_squeeze %dma_wait3A_1379 : memref<1x80x128xf32, #tpu.memory_space<vmem>> -> memref<80x128xf32, #tpu.memory_space<vmem>>
      %dma_wait3A_1381 = arith.constant 0 : i32
      %dma_wait3A_1382 = arith.constant 0 : i32
      %dma_wait3A_1383 = tpu.memref_slice %arg4[%add3A_1375, %dma_wait3A_1381, %dma_wait3A_1382] : memref<4000x80x128xf32, #tpu.memory_space<hbm>> -> memref<1x80x128xf32, #tpu.memory_space<hbm>>
      %dma_wait3A_1384 = tpu.memref_squeeze %dma_wait3A_1383 : memref<1x80x128xf32, #tpu.memory_space<hbm>> -> memref<80x128xf32, #tpu.memory_space<hbm>>
      %dma_wait3A_1385 = arith.constant 0 : i32
      %dma_wait3A_1386 = arith.constant 0 : i32
      %dma_wait3A_1387 = tpu.memref_slice %arg4[%add3A_1375, %dma_wait3A_1385, %dma_wait3A_1386] : memref<4000x80x128xf32, #tpu.memory_space<hbm>> -> memref<1x80x128xf32, #tpu.memory_space<hbm>>
      %dma_wait3A_1388 = tpu.memref_squeeze %dma_wait3A_1387 : memref<1x80x128xf32, #tpu.memory_space<hbm>> -> memref<80x128xf32, #tpu.memory_space<hbm>>
      %dma_wait3A_1389 = arith.constant 0 : i32
      %dma_wait3A_1390 = arith.constant 0 : i32
      %dma_wait3A_1391 = tpu.memref_slice %arg7[%dma_wait3A_1376, %dma_wait3A_1389, %dma_wait3A_1390] : memref<10x80x128xf32, #tpu.memory_space<vmem>> -> memref<1x80x128xf32, #tpu.memory_space<vmem>>
      %dma_wait3A_1392 = tpu.memref_squeeze %dma_wait3A_1391 : memref<1x80x128xf32, #tpu.memory_space<vmem>> -> memref<80x128xf32, #tpu.memory_space<vmem>>
      tpu.wait_dma2 semaphore(%arg25 : memref<!tpu.dma_semaphore, #tpu.memory_space<semaphore_mem>>) src(%dma_wait3A_1392 : memref<80x128xf32, #tpu.memory_space<vmem>>) dst(%dma_wait3A_1388 : memref<80x128xf32, #tpu.memory_space<hbm>>)
      %add3A_1393 = arith.constant 5 : i32
      %add3A_1394 = arith.addi %add3A_1342, %add3A_1393 : i32
      %mul3A_1395 = arith.constant 80 : i32
      %mul3A_1396 = arith.muli %add3A_1394, %mul3A_1395 : i32
      %multiple_of3A_1397 = tpu.assume_multiple %mul3A_1396, 8 : i32
      %dma_start3A_1398 = arith.constant 6 : i32
      %dma_start3A_1399 = arith.constant 0 : i32
      %dma_start3A_1400 = arith.constant 0 : i32
      %dma_start3A_1401 = tpu.memref_slice %arg7[%dma_start3A_1398, %dma_start3A_1399, %dma_start3A_1400] : memref<10x80x128xf32, #tpu.memory_space<vmem>> -> memref<1x80x128xf32, #tpu.memory_space<vmem>>
      %dma_start3A_1402 = tpu.memref_squeeze %dma_start3A_1401 : memref<1x80x128xf32, #tpu.memory_space<vmem>> -> memref<80x128xf32, #tpu.memory_space<vmem>>
      %dma_start3A_1403 = tpu.memref_slice %arg5[%multiple_of3A_1397] : memref<10000xi32, #tpu.memory_space<vmem>> -> memref<80xi32, #tpu.memory_space<vmem>>
      %dma_start3A_1404 = arith.constant 0 : i32
      %dma_start3A_1405 = arith.constant 0 : i32
      %dma_start3A_1406 = tpu.memref_slice %arg6[%dma_start3A_1404, %dma_start3A_1405] : memref<400x128xf32, #tpu.memory_space<vmem_shared>> -> memref<400x128xf32, #tpu.memory_space<vmem_shared>>
      tpu.enqueue_indirect_dma source(%dma_start3A_1406 : memref<400x128xf32, #tpu.memory_space<vmem_shared>>) target(%dma_start3A_1402 : memref<80x128xf32, #tpu.memory_space<vmem>>) offsets(%dma_start3A_1403 : memref<80xi32, #tpu.memory_space<vmem>>) semaphore(%arg15 : memref<!tpu.dma_semaphore, #tpu.memory_space<semaphore_mem>>)
      %mul3A_1407 = arith.constant 10 : i32
      %mul3A_1408 = arith.muli %add3A_917, %mul3A_1407 : i32
      %add3A_1409 = arith.constant 5 : i32
      %add3A_1410 = arith.addi %add3A_1409, %mul3A_1408 : i32
      %add3A_1411 = arith.constant 7 : i32
      %add3A_1412 = arith.addi %add3A_1410, %add3A_1411 : i32
      %mul3A_1413 = arith.constant 80 : i32
      %mul3A_1414 = arith.muli %add3A_1412, %mul3A_1413 : i32
      %multiple_of3A_1415 = tpu.assume_multiple %mul3A_1414, 8 : i32
      %dma_wait3A_1416 = arith.constant 2 : i32
      %dma_wait3A_1417 = arith.constant 0 : i32
      %dma_wait3A_1418 = arith.constant 0 : i32
      %dma_wait3A_1419 = tpu.memref_slice %arg7[%dma_wait3A_1416, %dma_wait3A_1417, %dma_wait3A_1418] : memref<10x80x128xf32, #tpu.memory_space<vmem>> -> memref<1x80x128xf32, #tpu.memory_space<vmem>>
      %dma_wait3A_1420 = tpu.memref_squeeze %dma_wait3A_1419 : memref<1x80x128xf32, #tpu.memory_space<vmem>> -> memref<80x128xf32, #tpu.memory_space<vmem>>
      %dma_wait3A_1421 = tpu.memref_slice %arg5[%multiple_of3A_1415] : memref<10000xi32, #tpu.memory_space<vmem>> -> memref<80xi32, #tpu.memory_space<vmem>>
      %dma_wait3A_1422 = arith.constant 0 : i32
      %dma_wait3A_1423 = arith.constant 0 : i32
      %dma_wait3A_1424 = tpu.memref_slice %arg6[%dma_wait3A_1422, %dma_wait3A_1423] : memref<400x128xf32, #tpu.memory_space<vmem_shared>> -> memref<400x128xf32, #tpu.memory_space<vmem_shared>>
      tpu.wait_indirect_dma semaphore(%arg11 : memref<!tpu.dma_semaphore, #tpu.memory_space<semaphore_mem>>) src(%dma_wait3A_1424 : memref<400x128xf32, #tpu.memory_space<vmem_shared>>) dst(%dma_wait3A_1420 : memref<80x128xf32, #tpu.memory_space<vmem>>)
      %add3A_1425 = arith.addi %mul3A_2, %add3A_1412 : i32
      %dma_start3A_1426 = arith.constant 2 : i32
      %dma_start3A_1427 = arith.constant 0 : i32
      %dma_start3A_1428 = arith.constant 0 : i32
      %dma_start3A_1429 = tpu.memref_slice %arg7[%dma_start3A_1426, %dma_start3A_1427, %dma_start3A_1428] : memref<10x80x128xf32, #tpu.memory_space<vmem>> -> memref<1x80x128xf32, #tpu.memory_space<vmem>>
      %dma_start3A_1430 = tpu.memref_squeeze %dma_start3A_1429 : memref<1x80x128xf32, #tpu.memory_space<vmem>> -> memref<80x128xf32, #tpu.memory_space<vmem>>
      %dma_start3A_1431 = arith.constant 0 : i32
      %dma_start3A_1432 = arith.constant 0 : i32
      %dma_start3A_1433 = tpu.memref_slice %arg4[%add3A_1425, %dma_start3A_1431, %dma_start3A_1432] : memref<4000x80x128xf32, #tpu.memory_space<hbm>> -> memref<1x80x128xf32, #tpu.memory_space<hbm>>
      %dma_start3A_1434 = tpu.memref_squeeze %dma_start3A_1433 : memref<1x80x128xf32, #tpu.memory_space<hbm>> -> memref<80x128xf32, #tpu.memory_space<hbm>>
      %dma_start3A_1435 = arith.constant 0 : i32
      %dma_start3A_1436 = arith.constant 0 : i32
      %dma_start3A_1437 = tpu.memref_slice %arg4[%add3A_1425, %dma_start3A_1435, %dma_start3A_1436] : memref<4000x80x128xf32, #tpu.memory_space<hbm>> -> memref<1x80x128xf32, #tpu.memory_space<hbm>>
      %dma_start3A_1438 = tpu.memref_squeeze %dma_start3A_1437 : memref<1x80x128xf32, #tpu.memory_space<hbm>> -> memref<80x128xf32, #tpu.memory_space<hbm>>
      %dma_start3A_1439 = arith.constant 0 : i32
      %dma_start3A_1440 = arith.constant 0 : i32
      %dma_start3A_1441 = tpu.memref_slice %arg7[%dma_start3A_1426, %dma_start3A_1439, %dma_start3A_1440] : memref<10x80x128xf32, #tpu.memory_space<vmem>> -> memref<1x80x128xf32, #tpu.memory_space<vmem>>
      %dma_start3A_1442 = tpu.memref_squeeze %dma_start3A_1441 : memref<1x80x128xf32, #tpu.memory_space<vmem>> -> memref<80x128xf32, #tpu.memory_space<vmem>>
      tpu.enqueue_dma source(%dma_start3A_1442 : memref<80x128xf32, #tpu.memory_space<vmem>>) target(%dma_start3A_1438 : memref<80x128xf32, #tpu.memory_space<hbm>>) target_semaphore(%arg21 : memref<!tpu.dma_semaphore, #tpu.memory_space<semaphore_mem>>)
      %sub3A_1443 = arith.constant 5 : i32
      %sub3A_1444 = arith.subi %add3A_1412, %sub3A_1443 : i32
      %add3A_1445 = arith.addi %mul3A_2, %sub3A_1444 : i32
      %dma_wait3A_1446 = arith.constant 7 : i32
      %dma_wait3A_1447 = arith.constant 0 : i32
      %dma_wait3A_1448 = arith.constant 0 : i32
      %dma_wait3A_1449 = tpu.memref_slice %arg7[%dma_wait3A_1446, %dma_wait3A_1447, %dma_wait3A_1448] : memref<10x80x128xf32, #tpu.memory_space<vmem>> -> memref<1x80x128xf32, #tpu.memory_space<vmem>>
      %dma_wait3A_1450 = tpu.memref_squeeze %dma_wait3A_1449 : memref<1x80x128xf32, #tpu.memory_space<vmem>> -> memref<80x128xf32, #tpu.memory_space<vmem>>
      %dma_wait3A_1451 = arith.constant 0 : i32
      %dma_wait3A_1452 = arith.constant 0 : i32
      %dma_wait3A_1453 = tpu.memref_slice %arg4[%add3A_1445, %dma_wait3A_1451, %dma_wait3A_1452] : memref<4000x80x128xf32, #tpu.memory_space<hbm>> -> memref<1x80x128xf32, #tpu.memory_space<hbm>>
      %dma_wait3A_1454 = tpu.memref_squeeze %dma_wait3A_1453 : memref<1x80x128xf32, #tpu.memory_space<hbm>> -> memref<80x128xf32, #tpu.memory_space<hbm>>
      %dma_wait3A_1455 = arith.constant 0 : i32
      %dma_wait3A_1456 = arith.constant 0 : i32
      %dma_wait3A_1457 = tpu.memref_slice %arg4[%add3A_1445, %dma_wait3A_1455, %dma_wait3A_1456] : memref<4000x80x128xf32, #tpu.memory_space<hbm>> -> memref<1x80x128xf32, #tpu.memory_space<hbm>>
      %dma_wait3A_1458 = tpu.memref_squeeze %dma_wait3A_1457 : memref<1x80x128xf32, #tpu.memory_space<hbm>> -> memref<80x128xf32, #tpu.memory_space<hbm>>
      %dma_wait3A_1459 = arith.constant 0 : i32
      %dma_wait3A_1460 = arith.constant 0 : i32
      %dma_wait3A_1461 = tpu.memref_slice %arg7[%dma_wait3A_1446, %dma_wait3A_1459, %dma_wait3A_1460] : memref<10x80x128xf32, #tpu.memory_space<vmem>> -> memref<1x80x128xf32, #tpu.memory_space<vmem>>
      %dma_wait3A_1462 = tpu.memref_squeeze %dma_wait3A_1461 : memref<1x80x128xf32, #tpu.memory_space<vmem>> -> memref<80x128xf32, #tpu.memory_space<vmem>>
      tpu.wait_dma2 semaphore(%arg26 : memref<!tpu.dma_semaphore, #tpu.memory_space<semaphore_mem>>) src(%dma_wait3A_1462 : memref<80x128xf32, #tpu.memory_space<vmem>>) dst(%dma_wait3A_1458 : memref<80x128xf32, #tpu.memory_space<hbm>>)
      %add3A_1463 = arith.constant 5 : i32
      %add3A_1464 = arith.addi %add3A_1412, %add3A_1463 : i32
      %mul3A_1465 = arith.constant 80 : i32
      %mul3A_1466 = arith.muli %add3A_1464, %mul3A_1465 : i32
      %multiple_of3A_1467 = tpu.assume_multiple %mul3A_1466, 8 : i32
      %dma_start3A_1468 = arith.constant 7 : i32
      %dma_start3A_1469 = arith.constant 0 : i32
      %dma_start3A_1470 = arith.constant 0 : i32
      %dma_start3A_1471 = tpu.memref_slice %arg7[%dma_start3A_1468, %dma_start3A_1469, %dma_start3A_1470] : memref<10x80x128xf32, #tpu.memory_space<vmem>> -> memref<1x80x128xf32, #tpu.memory_space<vmem>>
      %dma_start3A_1472 = tpu.memref_squeeze %dma_start3A_1471 : memref<1x80x128xf32, #tpu.memory_space<vmem>> -> memref<80x128xf32, #tpu.memory_space<vmem>>
      %dma_start3A_1473 = tpu.memref_slice %arg5[%multiple_of3A_1467] : memref<10000xi32, #tpu.memory_space<vmem>> -> memref<80xi32, #tpu.memory_space<vmem>>
      %dma_start3A_1474 = arith.constant 0 : i32
      %dma_start3A_1475 = arith.constant 0 : i32
      %dma_start3A_1476 = tpu.memref_slice %arg6[%dma_start3A_1474, %dma_start3A_1475] : memref<400x128xf32, #tpu.memory_space<vmem_shared>> -> memref<400x128xf32, #tpu.memory_space<vmem_shared>>
      tpu.enqueue_indirect_dma source(%dma_start3A_1476 : memref<400x128xf32, #tpu.memory_space<vmem_shared>>) target(%dma_start3A_1472 : memref<80x128xf32, #tpu.memory_space<vmem>>) offsets(%dma_start3A_1473 : memref<80xi32, #tpu.memory_space<vmem>>) semaphore(%arg16 : memref<!tpu.dma_semaphore, #tpu.memory_space<semaphore_mem>>)
      %mul3A_1477 = arith.constant 10 : i32
      %mul3A_1478 = arith.muli %add3A_917, %mul3A_1477 : i32
      %add3A_1479 = arith.constant 5 : i32
      %add3A_1480 = arith.addi %add3A_1479, %mul3A_1478 : i32
      %add3A_1481 = arith.constant 8 : i32
      %add3A_1482 = arith.addi %add3A_1480, %add3A_1481 : i32
      %mul3A_1483 = arith.constant 80 : i32
      %mul3A_1484 = arith.muli %add3A_1482, %mul3A_1483 : i32
      %multiple_of3A_1485 = tpu.assume_multiple %mul3A_1484, 8 : i32
      %dma_wait3A_1486 = arith.constant 3 : i32
      %dma_wait3A_1487 = arith.constant 0 : i32
      %dma_wait3A_1488 = arith.constant 0 : i32
      %dma_wait3A_1489 = tpu.memref_slice %arg7[%dma_wait3A_1486, %dma_wait3A_1487, %dma_wait3A_1488] : memref<10x80x128xf32, #tpu.memory_space<vmem>> -> memref<1x80x128xf32, #tpu.memory_space<vmem>>
      %dma_wait3A_1490 = tpu.memref_squeeze %dma_wait3A_1489 : memref<1x80x128xf32, #tpu.memory_space<vmem>> -> memref<80x128xf32, #tpu.memory_space<vmem>>
      %dma_wait3A_1491 = tpu.memref_slice %arg5[%multiple_of3A_1485] : memref<10000xi32, #tpu.memory_space<vmem>> -> memref<80xi32, #tpu.memory_space<vmem>>
      %dma_wait3A_1492 = arith.constant 0 : i32
      %dma_wait3A_1493 = arith.constant 0 : i32
      %dma_wait3A_1494 = tpu.memref_slice %arg6[%dma_wait3A_1492, %dma_wait3A_1493] : memref<400x128xf32, #tpu.memory_space<vmem_shared>> -> memref<400x128xf32, #tpu.memory_space<vmem_shared>>
      tpu.wait_indirect_dma semaphore(%arg12 : memref<!tpu.dma_semaphore, #tpu.memory_space<semaphore_mem>>) src(%dma_wait3A_1494 : memref<400x128xf32, #tpu.memory_space<vmem_shared>>) dst(%dma_wait3A_1490 : memref<80x128xf32, #tpu.memory_space<vmem>>)
      %add3A_1495 = arith.addi %mul3A_2, %add3A_1482 : i32
      %dma_start3A_1496 = arith.constant 3 : i32
      %dma_start3A_1497 = arith.constant 0 : i32
      %dma_start3A_1498 = arith.constant 0 : i32
      %dma_start3A_1499 = tpu.memref_slice %arg7[%dma_start3A_1496, %dma_start3A_1497, %dma_start3A_1498] : memref<10x80x128xf32, #tpu.memory_space<vmem>> -> memref<1x80x128xf32, #tpu.memory_space<vmem>>
      %dma_start3A_1500 = tpu.memref_squeeze %dma_start3A_1499 : memref<1x80x128xf32, #tpu.memory_space<vmem>> -> memref<80x128xf32, #tpu.memory_space<vmem>>
      %dma_start3A_1501 = arith.constant 0 : i32
      %dma_start3A_1502 = arith.constant 0 : i32
      %dma_start3A_1503 = tpu.memref_slice %arg4[%add3A_1495, %dma_start3A_1501, %dma_start3A_1502] : memref<4000x80x128xf32, #tpu.memory_space<hbm>> -> memref<1x80x128xf32, #tpu.memory_space<hbm>>
      %dma_start3A_1504 = tpu.memref_squeeze %dma_start3A_1503 : memref<1x80x128xf32, #tpu.memory_space<hbm>> -> memref<80x128xf32, #tpu.memory_space<hbm>>
      %dma_start3A_1505 = arith.constant 0 : i32
      %dma_start3A_1506 = arith.constant 0 : i32
      %dma_start3A_1507 = tpu.memref_slice %arg4[%add3A_1495, %dma_start3A_1505, %dma_start3A_1506] : memref<4000x80x128xf32, #tpu.memory_space<hbm>> -> memref<1x80x128xf32, #tpu.memory_space<hbm>>
      %dma_start3A_1508 = tpu.memref_squeeze %dma_start3A_1507 : memref<1x80x128xf32, #tpu.memory_space<hbm>> -> memref<80x128xf32, #tpu.memory_space<hbm>>
      %dma_start3A_1509 = arith.constant 0 : i32
      %dma_start3A_1510 = arith.constant 0 : i32
      %dma_start3A_1511 = tpu.memref_slice %arg7[%dma_start3A_1496, %dma_start3A_1509, %dma_start3A_1510] : memref<10x80x128xf32, #tpu.memory_space<vmem>> -> memref<1x80x128xf32, #tpu.memory_space<vmem>>
      %dma_start3A_1512 = tpu.memref_squeeze %dma_start3A_1511 : memref<1x80x128xf32, #tpu.memory_space<vmem>> -> memref<80x128xf32, #tpu.memory_space<vmem>>
      tpu.enqueue_dma source(%dma_start3A_1512 : memref<80x128xf32, #tpu.memory_space<vmem>>) target(%dma_start3A_1508 : memref<80x128xf32, #tpu.memory_space<hbm>>) target_semaphore(%arg22 : memref<!tpu.dma_semaphore, #tpu.memory_space<semaphore_mem>>)
      %sub3A_1513 = arith.constant 5 : i32
      %sub3A_1514 = arith.subi %add3A_1482, %sub3A_1513 : i32
      %add3A_1515 = arith.addi %mul3A_2, %sub3A_1514 : i32
      %dma_wait3A_1516 = arith.constant 8 : i32
      %dma_wait3A_1517 = arith.constant 0 : i32
      %dma_wait3A_1518 = arith.constant 0 : i32
      %dma_wait3A_1519 = tpu.memref_slice %arg7[%dma_wait3A_1516, %dma_wait3A_1517, %dma_wait3A_1518] : memref<10x80x128xf32, #tpu.memory_space<vmem>> -> memref<1x80x128xf32, #tpu.memory_space<vmem>>
      %dma_wait3A_1520 = tpu.memref_squeeze %dma_wait3A_1519 : memref<1x80x128xf32, #tpu.memory_space<vmem>> -> memref<80x128xf32, #tpu.memory_space<vmem>>
      %dma_wait3A_1521 = arith.constant 0 : i32
      %dma_wait3A_1522 = arith.constant 0 : i32
      %dma_wait3A_1523 = tpu.memref_slice %arg4[%add3A_1515, %dma_wait3A_1521, %dma_wait3A_1522] : memref<4000x80x128xf32, #tpu.memory_space<hbm>> -> memref<1x80x128xf32, #tpu.memory_space<hbm>>
      %dma_wait3A_1524 = tpu.memref_squeeze %dma_wait3A_1523 : memref<1x80x128xf32, #tpu.memory_space<hbm>> -> memref<80x128xf32, #tpu.memory_space<hbm>>
      %dma_wait3A_1525 = arith.constant 0 : i32
      %dma_wait3A_1526 = arith.constant 0 : i32
      %dma_wait3A_1527 = tpu.memref_slice %arg4[%add3A_1515, %dma_wait3A_1525, %dma_wait3A_1526] : memref<4000x80x128xf32, #tpu.memory_space<hbm>> -> memref<1x80x128xf32, #tpu.memory_space<hbm>>
      %dma_wait3A_1528 = tpu.memref_squeeze %dma_wait3A_1527 : memref<1x80x128xf32, #tpu.memory_space<hbm>> -> memref<80x128xf32, #tpu.memory_space<hbm>>
      %dma_wait3A_1529 = arith.constant 0 : i32
      %dma_wait3A_1530 = arith.constant 0 : i32
      %dma_wait3A_1531 = tpu.memref_slice %arg7[%dma_wait3A_1516, %dma_wait3A_1529, %dma_wait3A_1530] : memref<10x80x128xf32, #tpu.memory_space<vmem>> -> memref<1x80x128xf32, #tpu.memory_space<vmem>>
      %dma_wait3A_1532 = tpu.memref_squeeze %dma_wait3A_1531 : memref<1x80x128xf32, #tpu.memory_space<vmem>> -> memref<80x128xf32, #tpu.memory_space<vmem>>
      tpu.wait_dma2 semaphore(%arg27 : memref<!tpu.dma_semaphore, #tpu.memory_space<semaphore_mem>>) src(%dma_wait3A_1532 : memref<80x128xf32, #tpu.memory_space<vmem>>) dst(%dma_wait3A_1528 : memref<80x128xf32, #tpu.memory_space<hbm>>)
      %add3A_1533 = arith.constant 5 : i32
      %add3A_1534 = arith.addi %add3A_1482, %add3A_1533 : i32
      %mul3A_1535 = arith.constant 80 : i32
      %mul3A_1536 = arith.muli %add3A_1534, %mul3A_1535 : i32
      %multiple_of3A_1537 = tpu.assume_multiple %mul3A_1536, 8 : i32
      %dma_start3A_1538 = arith.constant 8 : i32
      %dma_start3A_1539 = arith.constant 0 : i32
      %dma_start3A_1540 = arith.constant 0 : i32
      %dma_start3A_1541 = tpu.memref_slice %arg7[%dma_start3A_1538, %dma_start3A_1539, %dma_start3A_1540] : memref<10x80x128xf32, #tpu.memory_space<vmem>> -> memref<1x80x128xf32, #tpu.memory_space<vmem>>
      %dma_start3A_1542 = tpu.memref_squeeze %dma_start3A_1541 : memref<1x80x128xf32, #tpu.memory_space<vmem>> -> memref<80x128xf32, #tpu.memory_space<vmem>>
      %dma_start3A_1543 = tpu.memref_slice %arg5[%multiple_of3A_1537] : memref<10000xi32, #tpu.memory_space<vmem>> -> memref<80xi32, #tpu.memory_space<vmem>>
      %dma_start3A_1544 = arith.constant 0 : i32
      %dma_start3A_1545 = arith.constant 0 : i32
      %dma_start3A_1546 = tpu.memref_slice %arg6[%dma_start3A_1544, %dma_start3A_1545] : memref<400x128xf32, #tpu.memory_space<vmem_shared>> -> memref<400x128xf32, #tpu.memory_space<vmem_shared>>
      tpu.enqueue_indirect_dma source(%dma_start3A_1546 : memref<400x128xf32, #tpu.memory_space<vmem_shared>>) target(%dma_start3A_1542 : memref<80x128xf32, #tpu.memory_space<vmem>>) offsets(%dma_start3A_1543 : memref<80xi32, #tpu.memory_space<vmem>>) semaphore(%arg17 : memref<!tpu.dma_semaphore, #tpu.memory_space<semaphore_mem>>)
      %mul3A_1547 = arith.constant 10 : i32
      %mul3A_1548 = arith.muli %add3A_917, %mul3A_1547 : i32
      %add3A_1549 = arith.constant 5 : i32
      %add3A_1550 = arith.addi %add3A_1549, %mul3A_1548 : i32
      %add3A_1551 = arith.constant 9 : i32
      %add3A_1552 = arith.addi %add3A_1550, %add3A_1551 : i32
      %mul3A_1553 = arith.constant 80 : i32
      %mul3A_1554 = arith.muli %add3A_1552, %mul3A_1553 : i32
      %multiple_of3A_1555 = tpu.assume_multiple %mul3A_1554, 8 : i32
      %dma_wait3A_1556 = arith.constant 4 : i32
      %dma_wait3A_1557 = arith.constant 0 : i32
      %dma_wait3A_1558 = arith.constant 0 : i32
      %dma_wait3A_1559 = tpu.memref_slice %arg7[%dma_wait3A_1556, %dma_wait3A_1557, %dma_wait3A_1558] : memref<10x80x128xf32, #tpu.memory_space<vmem>> -> memref<1x80x128xf32, #tpu.memory_space<vmem>>
      %dma_wait3A_1560 = tpu.memref_squeeze %dma_wait3A_1559 : memref<1x80x128xf32, #tpu.memory_space<vmem>> -> memref<80x128xf32, #tpu.memory_space<vmem>>
      %dma_wait3A_1561 = tpu.memref_slice %arg5[%multiple_of3A_1555] : memref<10000xi32, #tpu.memory_space<vmem>> -> memref<80xi32, #tpu.memory_space<vmem>>
      %dma_wait3A_1562 = arith.constant 0 : i32
      %dma_wait3A_1563 = arith.constant 0 : i32
      %dma_wait3A_1564 = tpu.memref_slice %arg6[%dma_wait3A_1562, %dma_wait3A_1563] : memref<400x128xf32, #tpu.memory_space<vmem_shared>> -> memref<400x128xf32, #tpu.memory_space<vmem_shared>>
      tpu.wait_indirect_dma semaphore(%arg13 : memref<!tpu.dma_semaphore, #tpu.memory_space<semaphore_mem>>) src(%dma_wait3A_1564 : memref<400x128xf32, #tpu.memory_space<vmem_shared>>) dst(%dma_wait3A_1560 : memref<80x128xf32, #tpu.memory_space<vmem>>)
      %add3A_1565 = arith.addi %mul3A_2, %add3A_1552 : i32
      %dma_start3A_1566 = arith.constant 4 : i32
      %dma_start3A_1567 = arith.constant 0 : i32
      %dma_start3A_1568 = arith.constant 0 : i32
      %dma_start3A_1569 = tpu.memref_slice %arg7[%dma_start3A_1566, %dma_start3A_1567, %dma_start3A_1568] : memref<10x80x128xf32, #tpu.memory_space<vmem>> -> memref<1x80x128xf32, #tpu.memory_space<vmem>>
      %dma_start3A_1570 = tpu.memref_squeeze %dma_start3A_1569 : memref<1x80x128xf32, #tpu.memory_space<vmem>> -> memref<80x128xf32, #tpu.memory_space<vmem>>
      %dma_start3A_1571 = arith.constant 0 : i32
      %dma_start3A_1572 = arith.constant 0 : i32
      %dma_start3A_1573 = tpu.memref_slice %arg4[%add3A_1565, %dma_start3A_1571, %dma_start3A_1572] : memref<4000x80x128xf32, #tpu.memory_space<hbm>> -> memref<1x80x128xf32, #tpu.memory_space<hbm>>
      %dma_start3A_1574 = tpu.memref_squeeze %dma_start3A_1573 : memref<1x80x128xf32, #tpu.memory_space<hbm>> -> memref<80x128xf32, #tpu.memory_space<hbm>>
      %dma_start3A_1575 = arith.constant 0 : i32
      %dma_start3A_1576 = arith.constant 0 : i32
      %dma_start3A_1577 = tpu.memref_slice %arg4[%add3A_1565, %dma_start3A_1575, %dma_start3A_1576] : memref<4000x80x128xf32, #tpu.memory_space<hbm>> -> memref<1x80x128xf32, #tpu.memory_space<hbm>>
      %dma_start3A_1578 = tpu.memref_squeeze %dma_start3A_1577 : memref<1x80x128xf32, #tpu.memory_space<hbm>> -> memref<80x128xf32, #tpu.memory_space<hbm>>
      %dma_start3A_1579 = arith.constant 0 : i32
      %dma_start3A_1580 = arith.constant 0 : i32
      %dma_start3A_1581 = tpu.memref_slice %arg7[%dma_start3A_1566, %dma_start3A_1579, %dma_start3A_1580] : memref<10x80x128xf32, #tpu.memory_space<vmem>> -> memref<1x80x128xf32, #tpu.memory_space<vmem>>
      %dma_start3A_1582 = tpu.memref_squeeze %dma_start3A_1581 : memref<1x80x128xf32, #tpu.memory_space<vmem>> -> memref<80x128xf32, #tpu.memory_space<vmem>>
      tpu.enqueue_dma source(%dma_start3A_1582 : memref<80x128xf32, #tpu.memory_space<vmem>>) target(%dma_start3A_1578 : memref<80x128xf32, #tpu.memory_space<hbm>>) target_semaphore(%arg23 : memref<!tpu.dma_semaphore, #tpu.memory_space<semaphore_mem>>)
      %sub3A_1583 = arith.constant 5 : i32
      %sub3A_1584 = arith.subi %add3A_1552, %sub3A_1583 : i32
      %add3A_1585 = arith.addi %mul3A_2, %sub3A_1584 : i32
      %dma_wait3A_1586 = arith.constant 9 : i32
      %dma_wait3A_1587 = arith.constant 0 : i32
      %dma_wait3A_1588 = arith.constant 0 : i32
      %dma_wait3A_1589 = tpu.memref_slice %arg7[%dma_wait3A_1586, %dma_wait3A_1587, %dma_wait3A_1588] : memref<10x80x128xf32, #tpu.memory_space<vmem>> -> memref<1x80x128xf32, #tpu.memory_space<vmem>>
      %dma_wait3A_1590 = tpu.memref_squeeze %dma_wait3A_1589 : memref<1x80x128xf32, #tpu.memory_space<vmem>> -> memref<80x128xf32, #tpu.memory_space<vmem>>
      %dma_wait3A_1591 = arith.constant 0 : i32
      %dma_wait3A_1592 = arith.constant 0 : i32
      %dma_wait3A_1593 = tpu.memref_slice %arg4[%add3A_1585, %dma_wait3A_1591, %dma_wait3A_1592] : memref<4000x80x128xf32, #tpu.memory_space<hbm>> -> memref<1x80x128xf32, #tpu.memory_space<hbm>>
      %dma_wait3A_1594 = tpu.memref_squeeze %dma_wait3A_1593 : memref<1x80x128xf32, #tpu.memory_space<hbm>> -> memref<80x128xf32, #tpu.memory_space<hbm>>
      %dma_wait3A_1595 = arith.constant 0 : i32
      %dma_wait3A_1596 = arith.constant 0 : i32
      %dma_wait3A_1597 = tpu.memref_slice %arg4[%add3A_1585, %dma_wait3A_1595, %dma_wait3A_1596] : memref<4000x80x128xf32, #tpu.memory_space<hbm>> -> memref<1x80x128xf32, #tpu.memory_space<hbm>>
      %dma_wait3A_1598 = tpu.memref_squeeze %dma_wait3A_1597 : memref<1x80x128xf32, #tpu.memory_space<hbm>> -> memref<80x128xf32, #tpu.memory_space<hbm>>
      %dma_wait3A_1599 = arith.constant 0 : i32
      %dma_wait3A_1600 = arith.constant 0 : i32
      %dma_wait3A_1601 = tpu.memref_slice %arg7[%dma_wait3A_1586, %dma_wait3A_1599, %dma_wait3A_1600] : memref<10x80x128xf32, #tpu.memory_space<vmem>> -> memref<1x80x128xf32, #tpu.memory_space<vmem>>
      %dma_wait3A_1602 = tpu.memref_squeeze %dma_wait3A_1601 : memref<1x80x128xf32, #tpu.memory_space<vmem>> -> memref<80x128xf32, #tpu.memory_space<vmem>>
      tpu.wait_dma2 semaphore(%arg28 : memref<!tpu.dma_semaphore, #tpu.memory_space<semaphore_mem>>) src(%dma_wait3A_1602 : memref<80x128xf32, #tpu.memory_space<vmem>>) dst(%dma_wait3A_1598 : memref<80x128xf32, #tpu.memory_space<hbm>>)
      %add3A_1603 = arith.constant 5 : i32
      %add3A_1604 = arith.addi %add3A_1552, %add3A_1603 : i32
      %mul3A_1605 = arith.constant 80 : i32
      %mul3A_1606 = arith.muli %add3A_1604, %mul3A_1605 : i32
      %multiple_of3A_1607 = tpu.assume_multiple %mul3A_1606, 8 : i32
      %dma_start3A_1608 = arith.constant 9 : i32
      %dma_start3A_1609 = arith.constant 0 : i32
      %dma_start3A_1610 = arith.constant 0 : i32
      %dma_start3A_1611 = tpu.memref_slice %arg7[%dma_start3A_1608, %dma_start3A_1609, %dma_start3A_1610] : memref<10x80x128xf32, #tpu.memory_space<vmem>> -> memref<1x80x128xf32, #tpu.memory_space<vmem>>
      %dma_start3A_1612 = tpu.memref_squeeze %dma_start3A_1611 : memref<1x80x128xf32, #tpu.memory_space<vmem>> -> memref<80x128xf32, #tpu.memory_space<vmem>>
      %dma_start3A_1613 = tpu.memref_slice %arg5[%multiple_of3A_1607] : memref<10000xi32, #tpu.memory_space<vmem>> -> memref<80xi32, #tpu.memory_space<vmem>>
      %dma_start3A_1614 = arith.constant 0 : i32
      %dma_start3A_1615 = arith.constant 0 : i32
      %dma_start3A_1616 = tpu.memref_slice %arg6[%dma_start3A_1614, %dma_start3A_1615] : memref<400x128xf32, #tpu.memory_space<vmem_shared>> -> memref<400x128xf32, #tpu.memory_space<vmem_shared>>
      tpu.enqueue_indirect_dma source(%dma_start3A_1616 : memref<400x128xf32, #tpu.memory_space<vmem_shared>>) target(%dma_start3A_1612 : memref<80x128xf32, #tpu.memory_space<vmem>>) offsets(%dma_start3A_1613 : memref<80xi32, #tpu.memory_space<vmem>>) semaphore(%arg18 : memref<!tpu.dma_semaphore, #tpu.memory_space<semaphore_mem>>)
    }
    %scan3A_272 = arith.constant 11 : i32
    %multiple_of3A_273 = arith.constant 9200 : i32
    %multiple_of3A_274 = tpu.assume_multiple %multiple_of3A_273, 8 : i32
    %dma_wait3A_275 = arith.constant 5 : i32
    %dma_wait3A_276 = arith.constant 0 : i32
    %dma_wait3A_277 = arith.constant 0 : i32
    %dma_wait3A_278 = tpu.memref_slice %arg7[%dma_wait3A_275, %dma_wait3A_276, %dma_wait3A_277] : memref<10x80x128xf32, #tpu.memory_space<vmem>> -> memref<1x80x128xf32, #tpu.memory_space<vmem>>
    %dma_wait3A_279 = tpu.memref_squeeze %dma_wait3A_278 : memref<1x80x128xf32, #tpu.memory_space<vmem>> -> memref<80x128xf32, #tpu.memory_space<vmem>>
    %dma_wait3A_280 = tpu.memref_slice %arg5[%multiple_of3A_274] : memref<10000xi32, #tpu.memory_space<vmem>> -> memref<80xi32, #tpu.memory_space<vmem>>
    %dma_wait3A_281 = arith.constant 0 : i32
    %dma_wait3A_282 = arith.constant 0 : i32
    %dma_wait3A_283 = tpu.memref_slice %arg6[%dma_wait3A_281, %dma_wait3A_282] : memref<400x128xf32, #tpu.memory_space<vmem_shared>> -> memref<400x128xf32, #tpu.memory_space<vmem_shared>>
    tpu.wait_indirect_dma semaphore(%arg14 : memref<!tpu.dma_semaphore, #tpu.memory_space<semaphore_mem>>) src(%dma_wait3A_283 : memref<400x128xf32, #tpu.memory_space<vmem_shared>>) dst(%dma_wait3A_279 : memref<80x128xf32, #tpu.memory_space<vmem>>)
    %add3A_284 = arith.constant 115 : i32
    %add3A_285 = arith.addi %mul3A_2, %add3A_284 : i32
    %dma_start3A_286 = arith.constant 5 : i32
    %dma_start3A_287 = arith.constant 0 : i32
    %dma_start3A_288 = arith.constant 0 : i32
    %dma_start3A_289 = tpu.memref_slice %arg7[%dma_start3A_286, %dma_start3A_287, %dma_start3A_288] : memref<10x80x128xf32, #tpu.memory_space<vmem>> -> memref<1x80x128xf32, #tpu.memory_space<vmem>>
    %dma_start3A_290 = tpu.memref_squeeze %dma_start3A_289 : memref<1x80x128xf32, #tpu.memory_space<vmem>> -> memref<80x128xf32, #tpu.memory_space<vmem>>
    %dma_start3A_291 = arith.constant 0 : i32
    %dma_start3A_292 = arith.constant 0 : i32
    %dma_start3A_293 = tpu.memref_slice %arg4[%add3A_285, %dma_start3A_291, %dma_start3A_292] : memref<4000x80x128xf32, #tpu.memory_space<hbm>> -> memref<1x80x128xf32, #tpu.memory_space<hbm>>
    %dma_start3A_294 = tpu.memref_squeeze %dma_start3A_293 : memref<1x80x128xf32, #tpu.memory_space<hbm>> -> memref<80x128xf32, #tpu.memory_space<hbm>>
    %dma_start3A_295 = arith.constant 0 : i32
    %dma_start3A_296 = arith.constant 0 : i32
    %dma_start3A_297 = tpu.memref_slice %arg4[%add3A_285, %dma_start3A_295, %dma_start3A_296] : memref<4000x80x128xf32, #tpu.memory_space<hbm>> -> memref<1x80x128xf32, #tpu.memory_space<hbm>>
    %dma_start3A_298 = tpu.memref_squeeze %dma_start3A_297 : memref<1x80x128xf32, #tpu.memory_space<hbm>> -> memref<80x128xf32, #tpu.memory_space<hbm>>
    %dma_start3A_299 = arith.constant 0 : i32
    %dma_start3A_300 = arith.constant 0 : i32
    %dma_start3A_301 = tpu.memref_slice %arg7[%dma_start3A_286, %dma_start3A_299, %dma_start3A_300] : memref<10x80x128xf32, #tpu.memory_space<vmem>> -> memref<1x80x128xf32, #tpu.memory_space<vmem>>
    %dma_start3A_302 = tpu.memref_squeeze %dma_start3A_301 : memref<1x80x128xf32, #tpu.memory_space<vmem>> -> memref<80x128xf32, #tpu.memory_space<vmem>>
    tpu.enqueue_dma source(%dma_start3A_302 : memref<80x128xf32, #tpu.memory_space<vmem>>) target(%dma_start3A_298 : memref<80x128xf32, #tpu.memory_space<hbm>>) target_semaphore(%arg24 : memref<!tpu.dma_semaphore, #tpu.memory_space<semaphore_mem>>)
    %add3A_303 = arith.constant 110 : i32
    %add3A_304 = arith.addi %mul3A_2, %add3A_303 : i32
    %dma_wait3A_305 = arith.constant 0 : i32
    %dma_wait3A_306 = arith.constant 0 : i32
    %dma_wait3A_307 = arith.constant 0 : i32
    %dma_wait3A_308 = tpu.memref_slice %arg7[%dma_wait3A_305, %dma_wait3A_306, %dma_wait3A_307] : memref<10x80x128xf32, #tpu.memory_space<vmem>> -> memref<1x80x128xf32, #tpu.memory_space<vmem>>
    %dma_wait3A_309 = tpu.memref_squeeze %dma_wait3A_308 : memref<1x80x128xf32, #tpu.memory_space<vmem>> -> memref<80x128xf32, #tpu.memory_space<vmem>>
    %dma_wait3A_310 = arith.constant 0 : i32
    %dma_wait3A_311 = arith.constant 0 : i32
    %dma_wait3A_312 = tpu.memref_slice %arg4[%add3A_304, %dma_wait3A_310, %dma_wait3A_311] : memref<4000x80x128xf32, #tpu.memory_space<hbm>> -> memref<1x80x128xf32, #tpu.memory_space<hbm>>
    %dma_wait3A_313 = tpu.memref_squeeze %dma_wait3A_312 : memref<1x80x128xf32, #tpu.memory_space<hbm>> -> memref<80x128xf32, #tpu.memory_space<hbm>>
    %dma_wait3A_314 = arith.constant 0 : i32
    %dma_wait3A_315 = arith.constant 0 : i32
    %dma_wait3A_316 = tpu.memref_slice %arg4[%add3A_304, %dma_wait3A_314, %dma_wait3A_315] : memref<4000x80x128xf32, #tpu.memory_space<hbm>> -> memref<1x80x128xf32, #tpu.memory_space<hbm>>
    %dma_wait3A_317 = tpu.memref_squeeze %dma_wait3A_316 : memref<1x80x128xf32, #tpu.memory_space<hbm>> -> memref<80x128xf32, #tpu.memory_space<hbm>>
    %dma_wait3A_318 = arith.constant 0 : i32
    %dma_wait3A_319 = arith.constant 0 : i32
    %dma_wait3A_320 = tpu.memref_slice %arg7[%dma_wait3A_305, %dma_wait3A_318, %dma_wait3A_319] : memref<10x80x128xf32, #tpu.memory_space<vmem>> -> memref<1x80x128xf32, #tpu.memory_space<vmem>>
    %dma_wait3A_321 = tpu.memref_squeeze %dma_wait3A_320 : memref<1x80x128xf32, #tpu.memory_space<vmem>> -> memref<80x128xf32, #tpu.memory_space<vmem>>
    tpu.wait_dma2 semaphore(%arg19 : memref<!tpu.dma_semaphore, #tpu.memory_space<semaphore_mem>>) src(%dma_wait3A_321 : memref<80x128xf32, #tpu.memory_space<vmem>>) dst(%dma_wait3A_317 : memref<80x128xf32, #tpu.memory_space<hbm>>)
    %multiple_of3A_322 = arith.constant 9600 : i32
    %multiple_of3A_323 = tpu.assume_multiple %multiple_of3A_322, 8 : i32
    %dma_start3A_324 = arith.constant 0 : i32
    %dma_start3A_325 = arith.constant 0 : i32
    %dma_start3A_326 = arith.constant 0 : i32
    %dma_start3A_327 = tpu.memref_slice %arg7[%dma_start3A_324, %dma_start3A_325, %dma_start3A_326] : memref<10x80x128xf32, #tpu.memory_space<vmem>> -> memref<1x80x128xf32, #tpu.memory_space<vmem>>
    %dma_start3A_328 = tpu.memref_squeeze %dma_start3A_327 : memref<1x80x128xf32, #tpu.memory_space<vmem>> -> memref<80x128xf32, #tpu.memory_space<vmem>>
    %dma_start3A_329 = tpu.memref_slice %arg5[%multiple_of3A_323] : memref<10000xi32, #tpu.memory_space<vmem>> -> memref<80xi32, #tpu.memory_space<vmem>>
    %dma_start3A_330 = arith.constant 0 : i32
    %dma_start3A_331 = arith.constant 0 : i32
    %dma_start3A_332 = tpu.memref_slice %arg6[%dma_start3A_330, %dma_start3A_331] : memref<400x128xf32, #tpu.memory_space<vmem_shared>> -> memref<400x128xf32, #tpu.memory_space<vmem_shared>>
    tpu.enqueue_indirect_dma source(%dma_start3A_332 : memref<400x128xf32, #tpu.memory_space<vmem_shared>>) target(%dma_start3A_328 : memref<80x128xf32, #tpu.memory_space<vmem>>) offsets(%dma_start3A_329 : memref<80xi32, #tpu.memory_space<vmem>>) semaphore(%arg9 : memref<!tpu.dma_semaphore, #tpu.memory_space<semaphore_mem>>)
    %multiple_of3A_333 = arith.constant 9280 : i32
    %multiple_of3A_334 = tpu.assume_multiple %multiple_of3A_333, 8 : i32
    %dma_wait3A_335 = arith.constant 6 : i32
    %dma_wait3A_336 = arith.constant 0 : i32
    %dma_wait3A_337 = arith.constant 0 : i32
    %dma_wait3A_338 = tpu.memref_slice %arg7[%dma_wait3A_335, %dma_wait3A_336, %dma_wait3A_337] : memref<10x80x128xf32, #tpu.memory_space<vmem>> -> memref<1x80x128xf32, #tpu.memory_space<vmem>>
    %dma_wait3A_339 = tpu.memref_squeeze %dma_wait3A_338 : memref<1x80x128xf32, #tpu.memory_space<vmem>> -> memref<80x128xf32, #tpu.memory_space<vmem>>
    %dma_wait3A_340 = tpu.memref_slice %arg5[%multiple_of3A_334] : memref<10000xi32, #tpu.memory_space<vmem>> -> memref<80xi32, #tpu.memory_space<vmem>>
    %dma_wait3A_341 = arith.constant 0 : i32
    %dma_wait3A_342 = arith.constant 0 : i32
    %dma_wait3A_343 = tpu.memref_slice %arg6[%dma_wait3A_341, %dma_wait3A_342] : memref<400x128xf32, #tpu.memory_space<vmem_shared>> -> memref<400x128xf32, #tpu.memory_space<vmem_shared>>
    tpu.wait_indirect_dma semaphore(%arg15 : memref<!tpu.dma_semaphore, #tpu.memory_space<semaphore_mem>>) src(%dma_wait3A_343 : memref<400x128xf32, #tpu.memory_space<vmem_shared>>) dst(%dma_wait3A_339 : memref<80x128xf32, #tpu.memory_space<vmem>>)
    %add3A_344 = arith.constant 116 : i32
    %add3A_345 = arith.addi %mul3A_2, %add3A_344 : i32
    %dma_start3A_346 = arith.constant 6 : i32
    %dma_start3A_347 = arith.constant 0 : i32
    %dma_start3A_348 = arith.constant 0 : i32
    %dma_start3A_349 = tpu.memref_slice %arg7[%dma_start3A_346, %dma_start3A_347, %dma_start3A_348] : memref<10x80x128xf32, #tpu.memory_space<vmem>> -> memref<1x80x128xf32, #tpu.memory_space<vmem>>
    %dma_start3A_350 = tpu.memref_squeeze %dma_start3A_349 : memref<1x80x128xf32, #tpu.memory_space<vmem>> -> memref<80x128xf32, #tpu.memory_space<vmem>>
    %dma_start3A_351 = arith.constant 0 : i32
    %dma_start3A_352 = arith.constant 0 : i32
    %dma_start3A_353 = tpu.memref_slice %arg4[%add3A_345, %dma_start3A_351, %dma_start3A_352] : memref<4000x80x128xf32, #tpu.memory_space<hbm>> -> memref<1x80x128xf32, #tpu.memory_space<hbm>>
    %dma_start3A_354 = tpu.memref_squeeze %dma_start3A_353 : memref<1x80x128xf32, #tpu.memory_space<hbm>> -> memref<80x128xf32, #tpu.memory_space<hbm>>
    %dma_start3A_355 = arith.constant 0 : i32
    %dma_start3A_356 = arith.constant 0 : i32
    %dma_start3A_357 = tpu.memref_slice %arg4[%add3A_345, %dma_start3A_355, %dma_start3A_356] : memref<4000x80x128xf32, #tpu.memory_space<hbm>> -> memref<1x80x128xf32, #tpu.memory_space<hbm>>
    %dma_start3A_358 = tpu.memref_squeeze %dma_start3A_357 : memref<1x80x128xf32, #tpu.memory_space<hbm>> -> memref<80x128xf32, #tpu.memory_space<hbm>>
    %dma_start3A_359 = arith.constant 0 : i32
    %dma_start3A_360 = arith.constant 0 : i32
    %dma_start3A_361 = tpu.memref_slice %arg7[%dma_start3A_346, %dma_start3A_359, %dma_start3A_360] : memref<10x80x128xf32, #tpu.memory_space<vmem>> -> memref<1x80x128xf32, #tpu.memory_space<vmem>>
    %dma_start3A_362 = tpu.memref_squeeze %dma_start3A_361 : memref<1x80x128xf32, #tpu.memory_space<vmem>> -> memref<80x128xf32, #tpu.memory_space<vmem>>
    tpu.enqueue_dma source(%dma_start3A_362 : memref<80x128xf32, #tpu.memory_space<vmem>>) target(%dma_start3A_358 : memref<80x128xf32, #tpu.memory_space<hbm>>) target_semaphore(%arg25 : memref<!tpu.dma_semaphore, #tpu.memory_space<semaphore_mem>>)
    %add3A_363 = arith.constant 111 : i32
    %add3A_364 = arith.addi %mul3A_2, %add3A_363 : i32
    %dma_wait3A_365 = arith.constant 1 : i32
    %dma_wait3A_366 = arith.constant 0 : i32
    %dma_wait3A_367 = arith.constant 0 : i32
    %dma_wait3A_368 = tpu.memref_slice %arg7[%dma_wait3A_365, %dma_wait3A_366, %dma_wait3A_367] : memref<10x80x128xf32, #tpu.memory_space<vmem>> -> memref<1x80x128xf32, #tpu.memory_space<vmem>>
    %dma_wait3A_369 = tpu.memref_squeeze %dma_wait3A_368 : memref<1x80x128xf32, #tpu.memory_space<vmem>> -> memref<80x128xf32, #tpu.memory_space<vmem>>
    %dma_wait3A_370 = arith.constant 0 : i32
    %dma_wait3A_371 = arith.constant 0 : i32
    %dma_wait3A_372 = tpu.memref_slice %arg4[%add3A_364, %dma_wait3A_370, %dma_wait3A_371] : memref<4000x80x128xf32, #tpu.memory_space<hbm>> -> memref<1x80x128xf32, #tpu.memory_space<hbm>>
    %dma_wait3A_373 = tpu.memref_squeeze %dma_wait3A_372 : memref<1x80x128xf32, #tpu.memory_space<hbm>> -> memref<80x128xf32, #tpu.memory_space<hbm>>
    %dma_wait3A_374 = arith.constant 0 : i32
    %dma_wait3A_375 = arith.constant 0 : i32
    %dma_wait3A_376 = tpu.memref_slice %arg4[%add3A_364, %dma_wait3A_374, %dma_wait3A_375] : memref<4000x80x128xf32, #tpu.memory_space<hbm>> -> memref<1x80x128xf32, #tpu.memory_space<hbm>>
    %dma_wait3A_377 = tpu.memref_squeeze %dma_wait3A_376 : memref<1x80x128xf32, #tpu.memory_space<hbm>> -> memref<80x128xf32, #tpu.memory_space<hbm>>
    %dma_wait3A_378 = arith.constant 0 : i32
    %dma_wait3A_379 = arith.constant 0 : i32
    %dma_wait3A_380 = tpu.memref_slice %arg7[%dma_wait3A_365, %dma_wait3A_378, %dma_wait3A_379] : memref<10x80x128xf32, #tpu.memory_space<vmem>> -> memref<1x80x128xf32, #tpu.memory_space<vmem>>
    %dma_wait3A_381 = tpu.memref_squeeze %dma_wait3A_380 : memref<1x80x128xf32, #tpu.memory_space<vmem>> -> memref<80x128xf32, #tpu.memory_space<vmem>>
    tpu.wait_dma2 semaphore(%arg20 : memref<!tpu.dma_semaphore, #tpu.memory_space<semaphore_mem>>) src(%dma_wait3A_381 : memref<80x128xf32, #tpu.memory_space<vmem>>) dst(%dma_wait3A_377 : memref<80x128xf32, #tpu.memory_space<hbm>>)
    %multiple_of3A_382 = arith.constant 9680 : i32
    %multiple_of3A_383 = tpu.assume_multiple %multiple_of3A_382, 8 : i32
    %dma_start3A_384 = arith.constant 1 : i32
    %dma_start3A_385 = arith.constant 0 : i32
    %dma_start3A_386 = arith.constant 0 : i32
    %dma_start3A_387 = tpu.memref_slice %arg7[%dma_start3A_384, %dma_start3A_385, %dma_start3A_386] : memref<10x80x128xf32, #tpu.memory_space<vmem>> -> memref<1x80x128xf32, #tpu.memory_space<vmem>>
    %dma_start3A_388 = tpu.memref_squeeze %dma_start3A_387 : memref<1x80x128xf32, #tpu.memory_space<vmem>> -> memref<80x128xf32, #tpu.memory_space<vmem>>
    %dma_start3A_389 = tpu.memref_slice %arg5[%multiple_of3A_383] : memref<10000xi32, #tpu.memory_space<vmem>> -> memref<80xi32, #tpu.memory_space<vmem>>
    %dma_start3A_390 = arith.constant 0 : i32
    %dma_start3A_391 = arith.constant 0 : i32
    %dma_start3A_392 = tpu.memref_slice %arg6[%dma_start3A_390, %dma_start3A_391] : memref<400x128xf32, #tpu.memory_space<vmem_shared>> -> memref<400x128xf32, #tpu.memory_space<vmem_shared>>
    tpu.enqueue_indirect_dma source(%dma_start3A_392 : memref<400x128xf32, #tpu.memory_space<vmem_shared>>) target(%dma_start3A_388 : memref<80x128xf32, #tpu.memory_space<vmem>>) offsets(%dma_start3A_389 : memref<80xi32, #tpu.memory_space<vmem>>) semaphore(%arg10 : memref<!tpu.dma_semaphore, #tpu.memory_space<semaphore_mem>>)
    %multiple_of3A_393 = arith.constant 9360 : i32
    %multiple_of3A_394 = tpu.assume_multiple %multiple_of3A_393, 8 : i32
    %dma_wait3A_395 = arith.constant 7 : i32
    %dma_wait3A_396 = arith.constant 0 : i32
    %dma_wait3A_397 = arith.constant 0 : i32
    %dma_wait3A_398 = tpu.memref_slice %arg7[%dma_wait3A_395, %dma_wait3A_396, %dma_wait3A_397] : memref<10x80x128xf32, #tpu.memory_space<vmem>> -> memref<1x80x128xf32, #tpu.memory_space<vmem>>
    %dma_wait3A_399 = tpu.memref_squeeze %dma_wait3A_398 : memref<1x80x128xf32, #tpu.memory_space<vmem>> -> memref<80x128xf32, #tpu.memory_space<vmem>>
    %dma_wait3A_400 = tpu.memref_slice %arg5[%multiple_of3A_394] : memref<10000xi32, #tpu.memory_space<vmem>> -> memref<80xi32, #tpu.memory_space<vmem>>
    %dma_wait3A_401 = arith.constant 0 : i32
    %dma_wait3A_402 = arith.constant 0 : i32
    %dma_wait3A_403 = tpu.memref_slice %arg6[%dma_wait3A_401, %dma_wait3A_402] : memref<400x128xf32, #tpu.memory_space<vmem_shared>> -> memref<400x128xf32, #tpu.memory_space<vmem_shared>>
    tpu.wait_indirect_dma semaphore(%arg16 : memref<!tpu.dma_semaphore, #tpu.memory_space<semaphore_mem>>) src(%dma_wait3A_403 : memref<400x128xf32, #tpu.memory_space<vmem_shared>>) dst(%dma_wait3A_399 : memref<80x128xf32, #tpu.memory_space<vmem>>)
    %add3A_404 = arith.constant 117 : i32
    %add3A_405 = arith.addi %mul3A_2, %add3A_404 : i32
    %dma_start3A_406 = arith.constant 7 : i32
    %dma_start3A_407 = arith.constant 0 : i32
    %dma_start3A_408 = arith.constant 0 : i32
    %dma_start3A_409 = tpu.memref_slice %arg7[%dma_start3A_406, %dma_start3A_407, %dma_start3A_408] : memref<10x80x128xf32, #tpu.memory_space<vmem>> -> memref<1x80x128xf32, #tpu.memory_space<vmem>>
    %dma_start3A_410 = tpu.memref_squeeze %dma_start3A_409 : memref<1x80x128xf32, #tpu.memory_space<vmem>> -> memref<80x128xf32, #tpu.memory_space<vmem>>
    %dma_start3A_411 = arith.constant 0 : i32
    %dma_start3A_412 = arith.constant 0 : i32
    %dma_start3A_413 = tpu.memref_slice %arg4[%add3A_405, %dma_start3A_411, %dma_start3A_412] : memref<4000x80x128xf32, #tpu.memory_space<hbm>> -> memref<1x80x128xf32, #tpu.memory_space<hbm>>
    %dma_start3A_414 = tpu.memref_squeeze %dma_start3A_413 : memref<1x80x128xf32, #tpu.memory_space<hbm>> -> memref<80x128xf32, #tpu.memory_space<hbm>>
    %dma_start3A_415 = arith.constant 0 : i32
    %dma_start3A_416 = arith.constant 0 : i32
    %dma_start3A_417 = tpu.memref_slice %arg4[%add3A_405, %dma_start3A_415, %dma_start3A_416] : memref<4000x80x128xf32, #tpu.memory_space<hbm>> -> memref<1x80x128xf32, #tpu.memory_space<hbm>>
    %dma_start3A_418 = tpu.memref_squeeze %dma_start3A_417 : memref<1x80x128xf32, #tpu.memory_space<hbm>> -> memref<80x128xf32, #tpu.memory_space<hbm>>
    %dma_start3A_419 = arith.constant 0 : i32
    %dma_start3A_420 = arith.constant 0 : i32
    %dma_start3A_421 = tpu.memref_slice %arg7[%dma_start3A_406, %dma_start3A_419, %dma_start3A_420] : memref<10x80x128xf32, #tpu.memory_space<vmem>> -> memref<1x80x128xf32, #tpu.memory_space<vmem>>
    %dma_start3A_422 = tpu.memref_squeeze %dma_start3A_421 : memref<1x80x128xf32, #tpu.memory_space<vmem>> -> memref<80x128xf32, #tpu.memory_space<vmem>>
    tpu.enqueue_dma source(%dma_start3A_422 : memref<80x128xf32, #tpu.memory_space<vmem>>) target(%dma_start3A_418 : memref<80x128xf32, #tpu.memory_space<hbm>>) target_semaphore(%arg26 : memref<!tpu.dma_semaphore, #tpu.memory_space<semaphore_mem>>)
    %add3A_423 = arith.constant 112 : i32
    %add3A_424 = arith.addi %mul3A_2, %add3A_423 : i32
    %dma_wait3A_425 = arith.constant 2 : i32
    %dma_wait3A_426 = arith.constant 0 : i32
    %dma_wait3A_427 = arith.constant 0 : i32
    %dma_wait3A_428 = tpu.memref_slice %arg7[%dma_wait3A_425, %dma_wait3A_426, %dma_wait3A_427] : memref<10x80x128xf32, #tpu.memory_space<vmem>> -> memref<1x80x128xf32, #tpu.memory_space<vmem>>
    %dma_wait3A_429 = tpu.memref_squeeze %dma_wait3A_428 : memref<1x80x128xf32, #tpu.memory_space<vmem>> -> memref<80x128xf32, #tpu.memory_space<vmem>>
    %dma_wait3A_430 = arith.constant 0 : i32
    %dma_wait3A_431 = arith.constant 0 : i32
    %dma_wait3A_432 = tpu.memref_slice %arg4[%add3A_424, %dma_wait3A_430, %dma_wait3A_431] : memref<4000x80x128xf32, #tpu.memory_space<hbm>> -> memref<1x80x128xf32, #tpu.memory_space<hbm>>
    %dma_wait3A_433 = tpu.memref_squeeze %dma_wait3A_432 : memref<1x80x128xf32, #tpu.memory_space<hbm>> -> memref<80x128xf32, #tpu.memory_space<hbm>>
    %dma_wait3A_434 = arith.constant 0 : i32
    %dma_wait3A_435 = arith.constant 0 : i32
    %dma_wait3A_436 = tpu.memref_slice %arg4[%add3A_424, %dma_wait3A_434, %dma_wait3A_435] : memref<4000x80x128xf32, #tpu.memory_space<hbm>> -> memref<1x80x128xf32, #tpu.memory_space<hbm>>
    %dma_wait3A_437 = tpu.memref_squeeze %dma_wait3A_436 : memref<1x80x128xf32, #tpu.memory_space<hbm>> -> memref<80x128xf32, #tpu.memory_space<hbm>>
    %dma_wait3A_438 = arith.constant 0 : i32
    %dma_wait3A_439 = arith.constant 0 : i32
    %dma_wait3A_440 = tpu.memref_slice %arg7[%dma_wait3A_425, %dma_wait3A_438, %dma_wait3A_439] : memref<10x80x128xf32, #tpu.memory_space<vmem>> -> memref<1x80x128xf32, #tpu.memory_space<vmem>>
    %dma_wait3A_441 = tpu.memref_squeeze %dma_wait3A_440 : memref<1x80x128xf32, #tpu.memory_space<vmem>> -> memref<80x128xf32, #tpu.memory_space<vmem>>
    tpu.wait_dma2 semaphore(%arg21 : memref<!tpu.dma_semaphore, #tpu.memory_space<semaphore_mem>>) src(%dma_wait3A_441 : memref<80x128xf32, #tpu.memory_space<vmem>>) dst(%dma_wait3A_437 : memref<80x128xf32, #tpu.memory_space<hbm>>)
    %multiple_of3A_442 = arith.constant 9760 : i32
    %multiple_of3A_443 = tpu.assume_multiple %multiple_of3A_442, 8 : i32
    %dma_start3A_444 = arith.constant 2 : i32
    %dma_start3A_445 = arith.constant 0 : i32
    %dma_start3A_446 = arith.constant 0 : i32
    %dma_start3A_447 = tpu.memref_slice %arg7[%dma_start3A_444, %dma_start3A_445, %dma_start3A_446] : memref<10x80x128xf32, #tpu.memory_space<vmem>> -> memref<1x80x128xf32, #tpu.memory_space<vmem>>
    %dma_start3A_448 = tpu.memref_squeeze %dma_start3A_447 : memref<1x80x128xf32, #tpu.memory_space<vmem>> -> memref<80x128xf32, #tpu.memory_space<vmem>>
    %dma_start3A_449 = tpu.memref_slice %arg5[%multiple_of3A_443] : memref<10000xi32, #tpu.memory_space<vmem>> -> memref<80xi32, #tpu.memory_space<vmem>>
    %dma_start3A_450 = arith.constant 0 : i32
    %dma_start3A_451 = arith.constant 0 : i32
    %dma_start3A_452 = tpu.memref_slice %arg6[%dma_start3A_450, %dma_start3A_451] : memref<400x128xf32, #tpu.memory_space<vmem_shared>> -> memref<400x128xf32, #tpu.memory_space<vmem_shared>>
    tpu.enqueue_indirect_dma source(%dma_start3A_452 : memref<400x128xf32, #tpu.memory_space<vmem_shared>>) target(%dma_start3A_448 : memref<80x128xf32, #tpu.memory_space<vmem>>) offsets(%dma_start3A_449 : memref<80xi32, #tpu.memory_space<vmem>>) semaphore(%arg11 : memref<!tpu.dma_semaphore, #tpu.memory_space<semaphore_mem>>)
    %multiple_of3A_453 = arith.constant 9440 : i32
    %multiple_of3A_454 = tpu.assume_multiple %multiple_of3A_453, 8 : i32
    %dma_wait3A_455 = arith.constant 8 : i32
    %dma_wait3A_456 = arith.constant 0 : i32
    %dma_wait3A_457 = arith.constant 0 : i32
    %dma_wait3A_458 = tpu.memref_slice %arg7[%dma_wait3A_455, %dma_wait3A_456, %dma_wait3A_457] : memref<10x80x128xf32, #tpu.memory_space<vmem>> -> memref<1x80x128xf32, #tpu.memory_space<vmem>>
    %dma_wait3A_459 = tpu.memref_squeeze %dma_wait3A_458 : memref<1x80x128xf32, #tpu.memory_space<vmem>> -> memref<80x128xf32, #tpu.memory_space<vmem>>
    %dma_wait3A_460 = tpu.memref_slice %arg5[%multiple_of3A_454] : memref<10000xi32, #tpu.memory_space<vmem>> -> memref<80xi32, #tpu.memory_space<vmem>>
    %dma_wait3A_461 = arith.constant 0 : i32
    %dma_wait3A_462 = arith.constant 0 : i32
    %dma_wait3A_463 = tpu.memref_slice %arg6[%dma_wait3A_461, %dma_wait3A_462] : memref<400x128xf32, #tpu.memory_space<vmem_shared>> -> memref<400x128xf32, #tpu.memory_space<vmem_shared>>
    tpu.wait_indirect_dma semaphore(%arg17 : memref<!tpu.dma_semaphore, #tpu.memory_space<semaphore_mem>>) src(%dma_wait3A_463 : memref<400x128xf32, #tpu.memory_space<vmem_shared>>) dst(%dma_wait3A_459 : memref<80x128xf32, #tpu.memory_space<vmem>>)
    %add3A_464 = arith.constant 118 : i32
    %add3A_465 = arith.addi %mul3A_2, %add3A_464 : i32
    %dma_start3A_466 = arith.constant 8 : i32
    %dma_start3A_467 = arith.constant 0 : i32
    %dma_start3A_468 = arith.constant 0 : i32
    %dma_start3A_469 = tpu.memref_slice %arg7[%dma_start3A_466, %dma_start3A_467, %dma_start3A_468] : memref<10x80x128xf32, #tpu.memory_space<vmem>> -> memref<1x80x128xf32, #tpu.memory_space<vmem>>
    %dma_start3A_470 = tpu.memref_squeeze %dma_start3A_469 : memref<1x80x128xf32, #tpu.memory_space<vmem>> -> memref<80x128xf32, #tpu.memory_space<vmem>>
    %dma_start3A_471 = arith.constant 0 : i32
    %dma_start3A_472 = arith.constant 0 : i32
    %dma_start3A_473 = tpu.memref_slice %arg4[%add3A_465, %dma_start3A_471, %dma_start3A_472] : memref<4000x80x128xf32, #tpu.memory_space<hbm>> -> memref<1x80x128xf32, #tpu.memory_space<hbm>>
    %dma_start3A_474 = tpu.memref_squeeze %dma_start3A_473 : memref<1x80x128xf32, #tpu.memory_space<hbm>> -> memref<80x128xf32, #tpu.memory_space<hbm>>
    %dma_start3A_475 = arith.constant 0 : i32
    %dma_start3A_476 = arith.constant 0 : i32
    %dma_start3A_477 = tpu.memref_slice %arg4[%add3A_465, %dma_start3A_475, %dma_start3A_476] : memref<4000x80x128xf32, #tpu.memory_space<hbm>> -> memref<1x80x128xf32, #tpu.memory_space<hbm>>
    %dma_start3A_478 = tpu.memref_squeeze %dma_start3A_477 : memref<1x80x128xf32, #tpu.memory_space<hbm>> -> memref<80x128xf32, #tpu.memory_space<hbm>>
    %dma_start3A_479 = arith.constant 0 : i32
    %dma_start3A_480 = arith.constant 0 : i32
    %dma_start3A_481 = tpu.memref_slice %arg7[%dma_start3A_466, %dma_start3A_479, %dma_start3A_480] : memref<10x80x128xf32, #tpu.memory_space<vmem>> -> memref<1x80x128xf32, #tpu.memory_space<vmem>>
    %dma_start3A_482 = tpu.memref_squeeze %dma_start3A_481 : memref<1x80x128xf32, #tpu.memory_space<vmem>> -> memref<80x128xf32, #tpu.memory_space<vmem>>
    tpu.enqueue_dma source(%dma_start3A_482 : memref<80x128xf32, #tpu.memory_space<vmem>>) target(%dma_start3A_478 : memref<80x128xf32, #tpu.memory_space<hbm>>) target_semaphore(%arg27 : memref<!tpu.dma_semaphore, #tpu.memory_space<semaphore_mem>>)
    %add3A_483 = arith.constant 113 : i32
    %add3A_484 = arith.addi %mul3A_2, %add3A_483 : i32
    %dma_wait3A_485 = arith.constant 3 : i32
    %dma_wait3A_486 = arith.constant 0 : i32
    %dma_wait3A_487 = arith.constant 0 : i32
    %dma_wait3A_488 = tpu.memref_slice %arg7[%dma_wait3A_485, %dma_wait3A_486, %dma_wait3A_487] : memref<10x80x128xf32, #tpu.memory_space<vmem>> -> memref<1x80x128xf32, #tpu.memory_space<vmem>>
    %dma_wait3A_489 = tpu.memref_squeeze %dma_wait3A_488 : memref<1x80x128xf32, #tpu.memory_space<vmem>> -> memref<80x128xf32, #tpu.memory_space<vmem>>
    %dma_wait3A_490 = arith.constant 0 : i32
    %dma_wait3A_491 = arith.constant 0 : i32
    %dma_wait3A_492 = tpu.memref_slice %arg4[%add3A_484, %dma_wait3A_490, %dma_wait3A_491] : memref<4000x80x128xf32, #tpu.memory_space<hbm>> -> memref<1x80x128xf32, #tpu.memory_space<hbm>>
    %dma_wait3A_493 = tpu.memref_squeeze %dma_wait3A_492 : memref<1x80x128xf32, #tpu.memory_space<hbm>> -> memref<80x128xf32, #tpu.memory_space<hbm>>
    %dma_wait3A_494 = arith.constant 0 : i32
    %dma_wait3A_495 = arith.constant 0 : i32
    %dma_wait3A_496 = tpu.memref_slice %arg4[%add3A_484, %dma_wait3A_494, %dma_wait3A_495] : memref<4000x80x128xf32, #tpu.memory_space<hbm>> -> memref<1x80x128xf32, #tpu.memory_space<hbm>>
    %dma_wait3A_497 = tpu.memref_squeeze %dma_wait3A_496 : memref<1x80x128xf32, #tpu.memory_space<hbm>> -> memref<80x128xf32, #tpu.memory_space<hbm>>
    %dma_wait3A_498 = arith.constant 0 : i32
    %dma_wait3A_499 = arith.constant 0 : i32
    %dma_wait3A_500 = tpu.memref_slice %arg7[%dma_wait3A_485, %dma_wait3A_498, %dma_wait3A_499] : memref<10x80x128xf32, #tpu.memory_space<vmem>> -> memref<1x80x128xf32, #tpu.memory_space<vmem>>
    %dma_wait3A_501 = tpu.memref_squeeze %dma_wait3A_500 : memref<1x80x128xf32, #tpu.memory_space<vmem>> -> memref<80x128xf32, #tpu.memory_space<vmem>>
    tpu.wait_dma2 semaphore(%arg22 : memref<!tpu.dma_semaphore, #tpu.memory_space<semaphore_mem>>) src(%dma_wait3A_501 : memref<80x128xf32, #tpu.memory_space<vmem>>) dst(%dma_wait3A_497 : memref<80x128xf32, #tpu.memory_space<hbm>>)
    %multiple_of3A_502 = arith.constant 9840 : i32
    %multiple_of3A_503 = tpu.assume_multiple %multiple_of3A_502, 8 : i32
    %dma_start3A_504 = arith.constant 3 : i32
    %dma_start3A_505 = arith.constant 0 : i32
    %dma_start3A_506 = arith.constant 0 : i32
    %dma_start3A_507 = tpu.memref_slice %arg7[%dma_start3A_504, %dma_start3A_505, %dma_start3A_506] : memref<10x80x128xf32, #tpu.memory_space<vmem>> -> memref<1x80x128xf32, #tpu.memory_space<vmem>>
    %dma_start3A_508 = tpu.memref_squeeze %dma_start3A_507 : memref<1x80x128xf32, #tpu.memory_space<vmem>> -> memref<80x128xf32, #tpu.memory_space<vmem>>
    %dma_start3A_509 = tpu.memref_slice %arg5[%multiple_of3A_503] : memref<10000xi32, #tpu.memory_space<vmem>> -> memref<80xi32, #tpu.memory_space<vmem>>
    %dma_start3A_510 = arith.constant 0 : i32
    %dma_start3A_511 = arith.constant 0 : i32
    %dma_start3A_512 = tpu.memref_slice %arg6[%dma_start3A_510, %dma_start3A_511] : memref<400x128xf32, #tpu.memory_space<vmem_shared>> -> memref<400x128xf32, #tpu.memory_space<vmem_shared>>
    tpu.enqueue_indirect_dma source(%dma_start3A_512 : memref<400x128xf32, #tpu.memory_space<vmem_shared>>) target(%dma_start3A_508 : memref<80x128xf32, #tpu.memory_space<vmem>>) offsets(%dma_start3A_509 : memref<80xi32, #tpu.memory_space<vmem>>) semaphore(%arg12 : memref<!tpu.dma_semaphore, #tpu.memory_space<semaphore_mem>>)
    %multiple_of3A_513 = arith.constant 9520 : i32
    %multiple_of3A_514 = tpu.assume_multiple %multiple_of3A_513, 8 : i32
    %dma_wait3A_515 = arith.constant 9 : i32
    %dma_wait3A_516 = arith.constant 0 : i32
    %dma_wait3A_517 = arith.constant 0 : i32
    %dma_wait3A_518 = tpu.memref_slice %arg7[%dma_wait3A_515, %dma_wait3A_516, %dma_wait3A_517] : memref<10x80x128xf32, #tpu.memory_space<vmem>> -> memref<1x80x128xf32, #tpu.memory_space<vmem>>
    %dma_wait3A_519 = tpu.memref_squeeze %dma_wait3A_518 : memref<1x80x128xf32, #tpu.memory_space<vmem>> -> memref<80x128xf32, #tpu.memory_space<vmem>>
    %dma_wait3A_520 = tpu.memref_slice %arg5[%multiple_of3A_514] : memref<10000xi32, #tpu.memory_space<vmem>> -> memref<80xi32, #tpu.memory_space<vmem>>
    %dma_wait3A_521 = arith.constant 0 : i32
    %dma_wait3A_522 = arith.constant 0 : i32
    %dma_wait3A_523 = tpu.memref_slice %arg6[%dma_wait3A_521, %dma_wait3A_522] : memref<400x128xf32, #tpu.memory_space<vmem_shared>> -> memref<400x128xf32, #tpu.memory_space<vmem_shared>>
    tpu.wait_indirect_dma semaphore(%arg18 : memref<!tpu.dma_semaphore, #tpu.memory_space<semaphore_mem>>) src(%dma_wait3A_523 : memref<400x128xf32, #tpu.memory_space<vmem_shared>>) dst(%dma_wait3A_519 : memref<80x128xf32, #tpu.memory_space<vmem>>)
    %add3A_524 = arith.constant 119 : i32
    %add3A_525 = arith.addi %mul3A_2, %add3A_524 : i32
    %dma_start3A_526 = arith.constant 9 : i32
    %dma_start3A_527 = arith.constant 0 : i32
    %dma_start3A_528 = arith.constant 0 : i32
    %dma_start3A_529 = tpu.memref_slice %arg7[%dma_start3A_526, %dma_start3A_527, %dma_start3A_528] : memref<10x80x128xf32, #tpu.memory_space<vmem>> -> memref<1x80x128xf32, #tpu.memory_space<vmem>>
    %dma_start3A_530 = tpu.memref_squeeze %dma_start3A_529 : memref<1x80x128xf32, #tpu.memory_space<vmem>> -> memref<80x128xf32, #tpu.memory_space<vmem>>
    %dma_start3A_531 = arith.constant 0 : i32
    %dma_start3A_532 = arith.constant 0 : i32
    %dma_start3A_533 = tpu.memref_slice %arg4[%add3A_525, %dma_start3A_531, %dma_start3A_532] : memref<4000x80x128xf32, #tpu.memory_space<hbm>> -> memref<1x80x128xf32, #tpu.memory_space<hbm>>
    %dma_start3A_534 = tpu.memref_squeeze %dma_start3A_533 : memref<1x80x128xf32, #tpu.memory_space<hbm>> -> memref<80x128xf32, #tpu.memory_space<hbm>>
    %dma_start3A_535 = arith.constant 0 : i32
    %dma_start3A_536 = arith.constant 0 : i32
    %dma_start3A_537 = tpu.memref_slice %arg4[%add3A_525, %dma_start3A_535, %dma_start3A_536] : memref<4000x80x128xf32, #tpu.memory_space<hbm>> -> memref<1x80x128xf32, #tpu.memory_space<hbm>>
    %dma_start3A_538 = tpu.memref_squeeze %dma_start3A_537 : memref<1x80x128xf32, #tpu.memory_space<hbm>> -> memref<80x128xf32, #tpu.memory_space<hbm>>
    %dma_start3A_539 = arith.constant 0 : i32
    %dma_start3A_540 = arith.constant 0 : i32
    %dma_start3A_541 = tpu.memref_slice %arg7[%dma_start3A_526, %dma_start3A_539, %dma_start3A_540] : memref<10x80x128xf32, #tpu.memory_space<vmem>> -> memref<1x80x128xf32, #tpu.memory_space<vmem>>
    %dma_start3A_542 = tpu.memref_squeeze %dma_start3A_541 : memref<1x80x128xf32, #tpu.memory_space<vmem>> -> memref<80x128xf32, #tpu.memory_space<vmem>>
    tpu.enqueue_dma source(%dma_start3A_542 : memref<80x128xf32, #tpu.memory_space<vmem>>) target(%dma_start3A_538 : memref<80x128xf32, #tpu.memory_space<hbm>>) target_semaphore(%arg28 : memref<!tpu.dma_semaphore, #tpu.memory_space<semaphore_mem>>)
    %add3A_543 = arith.constant 114 : i32
    %add3A_544 = arith.addi %mul3A_2, %add3A_543 : i32
    %dma_wait3A_545 = arith.constant 4 : i32
    %dma_wait3A_546 = arith.constant 0 : i32
    %dma_wait3A_547 = arith.constant 0 : i32
    %dma_wait3A_548 = tpu.memref_slice %arg7[%dma_wait3A_545, %dma_wait3A_546, %dma_wait3A_547] : memref<10x80x128xf32, #tpu.memory_space<vmem>> -> memref<1x80x128xf32, #tpu.memory_space<vmem>>
    %dma_wait3A_549 = tpu.memref_squeeze %dma_wait3A_548 : memref<1x80x128xf32, #tpu.memory_space<vmem>> -> memref<80x128xf32, #tpu.memory_space<vmem>>
    %dma_wait3A_550 = arith.constant 0 : i32
    %dma_wait3A_551 = arith.constant 0 : i32
    %dma_wait3A_552 = tpu.memref_slice %arg4[%add3A_544, %dma_wait3A_550, %dma_wait3A_551] : memref<4000x80x128xf32, #tpu.memory_space<hbm>> -> memref<1x80x128xf32, #tpu.memory_space<hbm>>
    %dma_wait3A_553 = tpu.memref_squeeze %dma_wait3A_552 : memref<1x80x128xf32, #tpu.memory_space<hbm>> -> memref<80x128xf32, #tpu.memory_space<hbm>>
    %dma_wait3A_554 = arith.constant 0 : i32
    %dma_wait3A_555 = arith.constant 0 : i32
    %dma_wait3A_556 = tpu.memref_slice %arg4[%add3A_544, %dma_wait3A_554, %dma_wait3A_555] : memref<4000x80x128xf32, #tpu.memory_space<hbm>> -> memref<1x80x128xf32, #tpu.memory_space<hbm>>
    %dma_wait3A_557 = tpu.memref_squeeze %dma_wait3A_556 : memref<1x80x128xf32, #tpu.memory_space<hbm>> -> memref<80x128xf32, #tpu.memory_space<hbm>>
    %dma_wait3A_558 = arith.constant 0 : i32
    %dma_wait3A_559 = arith.constant 0 : i32
    %dma_wait3A_560 = tpu.memref_slice %arg7[%dma_wait3A_545, %dma_wait3A_558, %dma_wait3A_559] : memref<10x80x128xf32, #tpu.memory_space<vmem>> -> memref<1x80x128xf32, #tpu.memory_space<vmem>>
    %dma_wait3A_561 = tpu.memref_squeeze %dma_wait3A_560 : memref<1x80x128xf32, #tpu.memory_space<vmem>> -> memref<80x128xf32, #tpu.memory_space<vmem>>
    tpu.wait_dma2 semaphore(%arg23 : memref<!tpu.dma_semaphore, #tpu.memory_space<semaphore_mem>>) src(%dma_wait3A_561 : memref<80x128xf32, #tpu.memory_space<vmem>>) dst(%dma_wait3A_557 : memref<80x128xf32, #tpu.memory_space<hbm>>)
    %multiple_of3A_562 = arith.constant 9920 : i32
    %multiple_of3A_563 = tpu.assume_multiple %multiple_of3A_562, 8 : i32
    %dma_start3A_564 = arith.constant 4 : i32
    %dma_start3A_565 = arith.constant 0 : i32
    %dma_start3A_566 = arith.constant 0 : i32
    %dma_start3A_567 = tpu.memref_slice %arg7[%dma_start3A_564, %dma_start3A_565, %dma_start3A_566] : memref<10x80x128xf32, #tpu.memory_space<vmem>> -> memref<1x80x128xf32, #tpu.memory_space<vmem>>
    %dma_start3A_568 = tpu.memref_squeeze %dma_start3A_567 : memref<1x80x128xf32, #tpu.memory_space<vmem>> -> memref<80x128xf32, #tpu.memory_space<vmem>>
    %dma_start3A_569 = tpu.memref_slice %arg5[%multiple_of3A_563] : memref<10000xi32, #tpu.memory_space<vmem>> -> memref<80xi32, #tpu.memory_space<vmem>>
    %dma_start3A_570 = arith.constant 0 : i32
    %dma_start3A_571 = arith.constant 0 : i32
    %dma_start3A_572 = tpu.memref_slice %arg6[%dma_start3A_570, %dma_start3A_571] : memref<400x128xf32, #tpu.memory_space<vmem_shared>> -> memref<400x128xf32, #tpu.memory_space<vmem_shared>>
    tpu.enqueue_indirect_dma source(%dma_start3A_572 : memref<400x128xf32, #tpu.memory_space<vmem_shared>>) target(%dma_start3A_568 : memref<80x128xf32, #tpu.memory_space<vmem>>) offsets(%dma_start3A_569 : memref<80xi32, #tpu.memory_space<vmem>>) semaphore(%arg13 : memref<!tpu.dma_semaphore, #tpu.memory_space<semaphore_mem>>)
    %multiple_of3A_573 = arith.constant 9600 : i32
    %multiple_of3A_574 = tpu.assume_multiple %multiple_of3A_573, 8 : i32
    %dma_wait3A_575 = arith.constant 0 : i32
    %dma_wait3A_576 = arith.constant 0 : i32
    %dma_wait3A_577 = arith.constant 0 : i32
    %dma_wait3A_578 = tpu.memref_slice %arg7[%dma_wait3A_575, %dma_wait3A_576, %dma_wait3A_577] : memref<10x80x128xf32, #tpu.memory_space<vmem>> -> memref<1x80x128xf32, #tpu.memory_space<vmem>>
    %dma_wait3A_579 = tpu.memref_squeeze %dma_wait3A_578 : memref<1x80x128xf32, #tpu.memory_space<vmem>> -> memref<80x128xf32, #tpu.memory_space<vmem>>
    %dma_wait3A_580 = tpu.memref_slice %arg5[%multiple_of3A_574] : memref<10000xi32, #tpu.memory_space<vmem>> -> memref<80xi32, #tpu.memory_space<vmem>>
    %dma_wait3A_581 = arith.constant 0 : i32
    %dma_wait3A_582 = arith.constant 0 : i32
    %dma_wait3A_583 = tpu.memref_slice %arg6[%dma_wait3A_581, %dma_wait3A_582] : memref<400x128xf32, #tpu.memory_space<vmem_shared>> -> memref<400x128xf32, #tpu.memory_space<vmem_shared>>
    tpu.wait_indirect_dma semaphore(%arg9 : memref<!tpu.dma_semaphore, #tpu.memory_space<semaphore_mem>>) src(%dma_wait3A_583 : memref<400x128xf32, #tpu.memory_space<vmem_shared>>) dst(%dma_wait3A_579 : memref<80x128xf32, #tpu.memory_space<vmem>>)
    %add3A_584 = arith.constant 120 : i32
    %add3A_585 = arith.addi %mul3A_2, %add3A_584 : i32
    %dma_start3A_586 = arith.constant 0 : i32
    %dma_start3A_587 = arith.constant 0 : i32
    %dma_start3A_588 = arith.constant 0 : i32
    %dma_start3A_589 = tpu.memref_slice %arg7[%dma_start3A_586, %dma_start3A_587, %dma_start3A_588] : memref<10x80x128xf32, #tpu.memory_space<vmem>> -> memref<1x80x128xf32, #tpu.memory_space<vmem>>
    %dma_start3A_590 = tpu.memref_squeeze %dma_start3A_589 : memref<1x80x128xf32, #tpu.memory_space<vmem>> -> memref<80x128xf32, #tpu.memory_space<vmem>>
    %dma_start3A_591 = arith.constant 0 : i32
    %dma_start3A_592 = arith.constant 0 : i32
    %dma_start3A_593 = tpu.memref_slice %arg4[%add3A_585, %dma_start3A_591, %dma_start3A_592] : memref<4000x80x128xf32, #tpu.memory_space<hbm>> -> memref<1x80x128xf32, #tpu.memory_space<hbm>>
    %dma_start3A_594 = tpu.memref_squeeze %dma_start3A_593 : memref<1x80x128xf32, #tpu.memory_space<hbm>> -> memref<80x128xf32, #tpu.memory_space<hbm>>
    %dma_start3A_595 = arith.constant 0 : i32
    %dma_start3A_596 = arith.constant 0 : i32
    %dma_start3A_597 = tpu.memref_slice %arg4[%add3A_585, %dma_start3A_595, %dma_start3A_596] : memref<4000x80x128xf32, #tpu.memory_space<hbm>> -> memref<1x80x128xf32, #tpu.memory_space<hbm>>
    %dma_start3A_598 = tpu.memref_squeeze %dma_start3A_597 : memref<1x80x128xf32, #tpu.memory_space<hbm>> -> memref<80x128xf32, #tpu.memory_space<hbm>>
    %dma_start3A_599 = arith.constant 0 : i32
    %dma_start3A_600 = arith.constant 0 : i32
    %dma_start3A_601 = tpu.memref_slice %arg7[%dma_start3A_586, %dma_start3A_599, %dma_start3A_600] : memref<10x80x128xf32, #tpu.memory_space<vmem>> -> memref<1x80x128xf32, #tpu.memory_space<vmem>>
    %dma_start3A_602 = tpu.memref_squeeze %dma_start3A_601 : memref<1x80x128xf32, #tpu.memory_space<vmem>> -> memref<80x128xf32, #tpu.memory_space<vmem>>
    tpu.enqueue_dma source(%dma_start3A_602 : memref<80x128xf32, #tpu.memory_space<vmem>>) target(%dma_start3A_598 : memref<80x128xf32, #tpu.memory_space<hbm>>) target_semaphore(%arg19 : memref<!tpu.dma_semaphore, #tpu.memory_space<semaphore_mem>>)
    %add3A_603 = arith.constant 115 : i32
    %add3A_604 = arith.addi %mul3A_2, %add3A_603 : i32
    %dma_wait3A_605 = arith.constant 5 : i32
    %dma_wait3A_606 = arith.constant 0 : i32
    %dma_wait3A_607 = arith.constant 0 : i32
    %dma_wait3A_608 = tpu.memref_slice %arg7[%dma_wait3A_605, %dma_wait3A_606, %dma_wait3A_607] : memref<10x80x128xf32, #tpu.memory_space<vmem>> -> memref<1x80x128xf32, #tpu.memory_space<vmem>>
    %dma_wait3A_609 = tpu.memref_squeeze %dma_wait3A_608 : memref<1x80x128xf32, #tpu.memory_space<vmem>> -> memref<80x128xf32, #tpu.memory_space<vmem>>
    %dma_wait3A_610 = arith.constant 0 : i32
    %dma_wait3A_611 = arith.constant 0 : i32
    %dma_wait3A_612 = tpu.memref_slice %arg4[%add3A_604, %dma_wait3A_610, %dma_wait3A_611] : memref<4000x80x128xf32, #tpu.memory_space<hbm>> -> memref<1x80x128xf32, #tpu.memory_space<hbm>>
    %dma_wait3A_613 = tpu.memref_squeeze %dma_wait3A_612 : memref<1x80x128xf32, #tpu.memory_space<hbm>> -> memref<80x128xf32, #tpu.memory_space<hbm>>
    %dma_wait3A_614 = arith.constant 0 : i32
    %dma_wait3A_615 = arith.constant 0 : i32
    %dma_wait3A_616 = tpu.memref_slice %arg4[%add3A_604, %dma_wait3A_614, %dma_wait3A_615] : memref<4000x80x128xf32, #tpu.memory_space<hbm>> -> memref<1x80x128xf32, #tpu.memory_space<hbm>>
    %dma_wait3A_617 = tpu.memref_squeeze %dma_wait3A_616 : memref<1x80x128xf32, #tpu.memory_space<hbm>> -> memref<80x128xf32, #tpu.memory_space<hbm>>
    %dma_wait3A_618 = arith.constant 0 : i32
    %dma_wait3A_619 = arith.constant 0 : i32
    %dma_wait3A_620 = tpu.memref_slice %arg7[%dma_wait3A_605, %dma_wait3A_618, %dma_wait3A_619] : memref<10x80x128xf32, #tpu.memory_space<vmem>> -> memref<1x80x128xf32, #tpu.memory_space<vmem>>
    %dma_wait3A_621 = tpu.memref_squeeze %dma_wait3A_620 : memref<1x80x128xf32, #tpu.memory_space<vmem>> -> memref<80x128xf32, #tpu.memory_space<vmem>>
    tpu.wait_dma2 semaphore(%arg24 : memref<!tpu.dma_semaphore, #tpu.memory_space<semaphore_mem>>) src(%dma_wait3A_621 : memref<80x128xf32, #tpu.memory_space<vmem>>) dst(%dma_wait3A_617 : memref<80x128xf32, #tpu.memory_space<hbm>>)
    %multiple_of3A_622 = arith.constant 9680 : i32
    %multiple_of3A_623 = tpu.assume_multiple %multiple_of3A_622, 8 : i32
    %dma_wait3A_624 = arith.constant 1 : i32
    %dma_wait3A_625 = arith.constant 0 : i32
    %dma_wait3A_626 = arith.constant 0 : i32
    %dma_wait3A_627 = tpu.memref_slice %arg7[%dma_wait3A_624, %dma_wait3A_625, %dma_wait3A_626] : memref<10x80x128xf32, #tpu.memory_space<vmem>> -> memref<1x80x128xf32, #tpu.memory_space<vmem>>
    %dma_wait3A_628 = tpu.memref_squeeze %dma_wait3A_627 : memref<1x80x128xf32, #tpu.memory_space<vmem>> -> memref<80x128xf32, #tpu.memory_space<vmem>>
    %dma_wait3A_629 = tpu.memref_slice %arg5[%multiple_of3A_623] : memref<10000xi32, #tpu.memory_space<vmem>> -> memref<80xi32, #tpu.memory_space<vmem>>
    %dma_wait3A_630 = arith.constant 0 : i32
    %dma_wait3A_631 = arith.constant 0 : i32
    %dma_wait3A_632 = tpu.memref_slice %arg6[%dma_wait3A_630, %dma_wait3A_631] : memref<400x128xf32, #tpu.memory_space<vmem_shared>> -> memref<400x128xf32, #tpu.memory_space<vmem_shared>>
    tpu.wait_indirect_dma semaphore(%arg10 : memref<!tpu.dma_semaphore, #tpu.memory_space<semaphore_mem>>) src(%dma_wait3A_632 : memref<400x128xf32, #tpu.memory_space<vmem_shared>>) dst(%dma_wait3A_628 : memref<80x128xf32, #tpu.memory_space<vmem>>)
    %add3A_633 = arith.constant 121 : i32
    %add3A_634 = arith.addi %mul3A_2, %add3A_633 : i32
    %dma_start3A_635 = arith.constant 1 : i32
    %dma_start3A_636 = arith.constant 0 : i32
    %dma_start3A_637 = arith.constant 0 : i32
    %dma_start3A_638 = tpu.memref_slice %arg7[%dma_start3A_635, %dma_start3A_636, %dma_start3A_637] : memref<10x80x128xf32, #tpu.memory_space<vmem>> -> memref<1x80x128xf32, #tpu.memory_space<vmem>>
    %dma_start3A_639 = tpu.memref_squeeze %dma_start3A_638 : memref<1x80x128xf32, #tpu.memory_space<vmem>> -> memref<80x128xf32, #tpu.memory_space<vmem>>
    %dma_start3A_640 = arith.constant 0 : i32
    %dma_start3A_641 = arith.constant 0 : i32
    %dma_start3A_642 = tpu.memref_slice %arg4[%add3A_634, %dma_start3A_640, %dma_start3A_641] : memref<4000x80x128xf32, #tpu.memory_space<hbm>> -> memref<1x80x128xf32, #tpu.memory_space<hbm>>
    %dma_start3A_643 = tpu.memref_squeeze %dma_start3A_642 : memref<1x80x128xf32, #tpu.memory_space<hbm>> -> memref<80x128xf32, #tpu.memory_space<hbm>>
    %dma_start3A_644 = arith.constant 0 : i32
    %dma_start3A_645 = arith.constant 0 : i32
    %dma_start3A_646 = tpu.memref_slice %arg4[%add3A_634, %dma_start3A_644, %dma_start3A_645] : memref<4000x80x128xf32, #tpu.memory_space<hbm>> -> memref<1x80x128xf32, #tpu.memory_space<hbm>>
    %dma_start3A_647 = tpu.memref_squeeze %dma_start3A_646 : memref<1x80x128xf32, #tpu.memory_space<hbm>> -> memref<80x128xf32, #tpu.memory_space<hbm>>
    %dma_start3A_648 = arith.constant 0 : i32
    %dma_start3A_649 = arith.constant 0 : i32
    %dma_start3A_650 = tpu.memref_slice %arg7[%dma_start3A_635, %dma_start3A_648, %dma_start3A_649] : memref<10x80x128xf32, #tpu.memory_space<vmem>> -> memref<1x80x128xf32, #tpu.memory_space<vmem>>
    %dma_start3A_651 = tpu.memref_squeeze %dma_start3A_650 : memref<1x80x128xf32, #tpu.memory_space<vmem>> -> memref<80x128xf32, #tpu.memory_space<vmem>>
    tpu.enqueue_dma source(%dma_start3A_651 : memref<80x128xf32, #tpu.memory_space<vmem>>) target(%dma_start3A_647 : memref<80x128xf32, #tpu.memory_space<hbm>>) target_semaphore(%arg20 : memref<!tpu.dma_semaphore, #tpu.memory_space<semaphore_mem>>)
    %add3A_652 = arith.constant 116 : i32
    %add3A_653 = arith.addi %mul3A_2, %add3A_652 : i32
    %dma_wait3A_654 = arith.constant 6 : i32
    %dma_wait3A_655 = arith.constant 0 : i32
    %dma_wait3A_656 = arith.constant 0 : i32
    %dma_wait3A_657 = tpu.memref_slice %arg7[%dma_wait3A_654, %dma_wait3A_655, %dma_wait3A_656] : memref<10x80x128xf32, #tpu.memory_space<vmem>> -> memref<1x80x128xf32, #tpu.memory_space<vmem>>
    %dma_wait3A_658 = tpu.memref_squeeze %dma_wait3A_657 : memref<1x80x128xf32, #tpu.memory_space<vmem>> -> memref<80x128xf32, #tpu.memory_space<vmem>>
    %dma_wait3A_659 = arith.constant 0 : i32
    %dma_wait3A_660 = arith.constant 0 : i32
    %dma_wait3A_661 = tpu.memref_slice %arg4[%add3A_653, %dma_wait3A_659, %dma_wait3A_660] : memref<4000x80x128xf32, #tpu.memory_space<hbm>> -> memref<1x80x128xf32, #tpu.memory_space<hbm>>
    %dma_wait3A_662 = tpu.memref_squeeze %dma_wait3A_661 : memref<1x80x128xf32, #tpu.memory_space<hbm>> -> memref<80x128xf32, #tpu.memory_space<hbm>>
    %dma_wait3A_663 = arith.constant 0 : i32
    %dma_wait3A_664 = arith.constant 0 : i32
    %dma_wait3A_665 = tpu.memref_slice %arg4[%add3A_653, %dma_wait3A_663, %dma_wait3A_664] : memref<4000x80x128xf32, #tpu.memory_space<hbm>> -> memref<1x80x128xf32, #tpu.memory_space<hbm>>
    %dma_wait3A_666 = tpu.memref_squeeze %dma_wait3A_665 : memref<1x80x128xf32, #tpu.memory_space<hbm>> -> memref<80x128xf32, #tpu.memory_space<hbm>>
    %dma_wait3A_667 = arith.constant 0 : i32
    %dma_wait3A_668 = arith.constant 0 : i32
    %dma_wait3A_669 = tpu.memref_slice %arg7[%dma_wait3A_654, %dma_wait3A_667, %dma_wait3A_668] : memref<10x80x128xf32, #tpu.memory_space<vmem>> -> memref<1x80x128xf32, #tpu.memory_space<vmem>>
    %dma_wait3A_670 = tpu.memref_squeeze %dma_wait3A_669 : memref<1x80x128xf32, #tpu.memory_space<vmem>> -> memref<80x128xf32, #tpu.memory_space<vmem>>
    tpu.wait_dma2 semaphore(%arg25 : memref<!tpu.dma_semaphore, #tpu.memory_space<semaphore_mem>>) src(%dma_wait3A_670 : memref<80x128xf32, #tpu.memory_space<vmem>>) dst(%dma_wait3A_666 : memref<80x128xf32, #tpu.memory_space<hbm>>)
    %multiple_of3A_671 = arith.constant 9760 : i32
    %multiple_of3A_672 = tpu.assume_multiple %multiple_of3A_671, 8 : i32
    %dma_wait3A_673 = arith.constant 2 : i32
    %dma_wait3A_674 = arith.constant 0 : i32
    %dma_wait3A_675 = arith.constant 0 : i32
    %dma_wait3A_676 = tpu.memref_slice %arg7[%dma_wait3A_673, %dma_wait3A_674, %dma_wait3A_675] : memref<10x80x128xf32, #tpu.memory_space<vmem>> -> memref<1x80x128xf32, #tpu.memory_space<vmem>>
    %dma_wait3A_677 = tpu.memref_squeeze %dma_wait3A_676 : memref<1x80x128xf32, #tpu.memory_space<vmem>> -> memref<80x128xf32, #tpu.memory_space<vmem>>
    %dma_wait3A_678 = tpu.memref_slice %arg5[%multiple_of3A_672] : memref<10000xi32, #tpu.memory_space<vmem>> -> memref<80xi32, #tpu.memory_space<vmem>>
    %dma_wait3A_679 = arith.constant 0 : i32
    %dma_wait3A_680 = arith.constant 0 : i32
    %dma_wait3A_681 = tpu.memref_slice %arg6[%dma_wait3A_679, %dma_wait3A_680] : memref<400x128xf32, #tpu.memory_space<vmem_shared>> -> memref<400x128xf32, #tpu.memory_space<vmem_shared>>
    tpu.wait_indirect_dma semaphore(%arg11 : memref<!tpu.dma_semaphore, #tpu.memory_space<semaphore_mem>>) src(%dma_wait3A_681 : memref<400x128xf32, #tpu.memory_space<vmem_shared>>) dst(%dma_wait3A_677 : memref<80x128xf32, #tpu.memory_space<vmem>>)
    %add3A_682 = arith.constant 122 : i32
    %add3A_683 = arith.addi %mul3A_2, %add3A_682 : i32
    %dma_start3A_684 = arith.constant 2 : i32
    %dma_start3A_685 = arith.constant 0 : i32
    %dma_start3A_686 = arith.constant 0 : i32
    %dma_start3A_687 = tpu.memref_slice %arg7[%dma_start3A_684, %dma_start3A_685, %dma_start3A_686] : memref<10x80x128xf32, #tpu.memory_space<vmem>> -> memref<1x80x128xf32, #tpu.memory_space<vmem>>
    %dma_start3A_688 = tpu.memref_squeeze %dma_start3A_687 : memref<1x80x128xf32, #tpu.memory_space<vmem>> -> memref<80x128xf32, #tpu.memory_space<vmem>>
    %dma_start3A_689 = arith.constant 0 : i32
    %dma_start3A_690 = arith.constant 0 : i32
    %dma_start3A_691 = tpu.memref_slice %arg4[%add3A_683, %dma_start3A_689, %dma_start3A_690] : memref<4000x80x128xf32, #tpu.memory_space<hbm>> -> memref<1x80x128xf32, #tpu.memory_space<hbm>>
    %dma_start3A_692 = tpu.memref_squeeze %dma_start3A_691 : memref<1x80x128xf32, #tpu.memory_space<hbm>> -> memref<80x128xf32, #tpu.memory_space<hbm>>
    %dma_start3A_693 = arith.constant 0 : i32
    %dma_start3A_694 = arith.constant 0 : i32
    %dma_start3A_695 = tpu.memref_slice %arg4[%add3A_683, %dma_start3A_693, %dma_start3A_694] : memref<4000x80x128xf32, #tpu.memory_space<hbm>> -> memref<1x80x128xf32, #tpu.memory_space<hbm>>
    %dma_start3A_696 = tpu.memref_squeeze %dma_start3A_695 : memref<1x80x128xf32, #tpu.memory_space<hbm>> -> memref<80x128xf32, #tpu.memory_space<hbm>>
    %dma_start3A_697 = arith.constant 0 : i32
    %dma_start3A_698 = arith.constant 0 : i32
    %dma_start3A_699 = tpu.memref_slice %arg7[%dma_start3A_684, %dma_start3A_697, %dma_start3A_698] : memref<10x80x128xf32, #tpu.memory_space<vmem>> -> memref<1x80x128xf32, #tpu.memory_space<vmem>>
    %dma_start3A_700 = tpu.memref_squeeze %dma_start3A_699 : memref<1x80x128xf32, #tpu.memory_space<vmem>> -> memref<80x128xf32, #tpu.memory_space<vmem>>
    tpu.enqueue_dma source(%dma_start3A_700 : memref<80x128xf32, #tpu.memory_space<vmem>>) target(%dma_start3A_696 : memref<80x128xf32, #tpu.memory_space<hbm>>) target_semaphore(%arg21 : memref<!tpu.dma_semaphore, #tpu.memory_space<semaphore_mem>>)
    %add3A_701 = arith.constant 117 : i32
    %add3A_702 = arith.addi %mul3A_2, %add3A_701 : i32
    %dma_wait3A_703 = arith.constant 7 : i32
    %dma_wait3A_704 = arith.constant 0 : i32
    %dma_wait3A_705 = arith.constant 0 : i32
    %dma_wait3A_706 = tpu.memref_slice %arg7[%dma_wait3A_703, %dma_wait3A_704, %dma_wait3A_705] : memref<10x80x128xf32, #tpu.memory_space<vmem>> -> memref<1x80x128xf32, #tpu.memory_space<vmem>>
    %dma_wait3A_707 = tpu.memref_squeeze %dma_wait3A_706 : memref<1x80x128xf32, #tpu.memory_space<vmem>> -> memref<80x128xf32, #tpu.memory_space<vmem>>
    %dma_wait3A_708 = arith.constant 0 : i32
    %dma_wait3A_709 = arith.constant 0 : i32
    %dma_wait3A_710 = tpu.memref_slice %arg4[%add3A_702, %dma_wait3A_708, %dma_wait3A_709] : memref<4000x80x128xf32, #tpu.memory_space<hbm>> -> memref<1x80x128xf32, #tpu.memory_space<hbm>>
    %dma_wait3A_711 = tpu.memref_squeeze %dma_wait3A_710 : memref<1x80x128xf32, #tpu.memory_space<hbm>> -> memref<80x128xf32, #tpu.memory_space<hbm>>
    %dma_wait3A_712 = arith.constant 0 : i32
    %dma_wait3A_713 = arith.constant 0 : i32
    %dma_wait3A_714 = tpu.memref_slice %arg4[%add3A_702, %dma_wait3A_712, %dma_wait3A_713] : memref<4000x80x128xf32, #tpu.memory_space<hbm>> -> memref<1x80x128xf32, #tpu.memory_space<hbm>>
    %dma_wait3A_715 = tpu.memref_squeeze %dma_wait3A_714 : memref<1x80x128xf32, #tpu.memory_space<hbm>> -> memref<80x128xf32, #tpu.memory_space<hbm>>
    %dma_wait3A_716 = arith.constant 0 : i32
    %dma_wait3A_717 = arith.constant 0 : i32
    %dma_wait3A_718 = tpu.memref_slice %arg7[%dma_wait3A_703, %dma_wait3A_716, %dma_wait3A_717] : memref<10x80x128xf32, #tpu.memory_space<vmem>> -> memref<1x80x128xf32, #tpu.memory_space<vmem>>
    %dma_wait3A_719 = tpu.memref_squeeze %dma_wait3A_718 : memref<1x80x128xf32, #tpu.memory_space<vmem>> -> memref<80x128xf32, #tpu.memory_space<vmem>>
    tpu.wait_dma2 semaphore(%arg26 : memref<!tpu.dma_semaphore, #tpu.memory_space<semaphore_mem>>) src(%dma_wait3A_719 : memref<80x128xf32, #tpu.memory_space<vmem>>) dst(%dma_wait3A_715 : memref<80x128xf32, #tpu.memory_space<hbm>>)
    %multiple_of3A_720 = arith.constant 9840 : i32
    %multiple_of3A_721 = tpu.assume_multiple %multiple_of3A_720, 8 : i32
    %dma_wait3A_722 = arith.constant 3 : i32
    %dma_wait3A_723 = arith.constant 0 : i32
    %dma_wait3A_724 = arith.constant 0 : i32
    %dma_wait3A_725 = tpu.memref_slice %arg7[%dma_wait3A_722, %dma_wait3A_723, %dma_wait3A_724] : memref<10x80x128xf32, #tpu.memory_space<vmem>> -> memref<1x80x128xf32, #tpu.memory_space<vmem>>
    %dma_wait3A_726 = tpu.memref_squeeze %dma_wait3A_725 : memref<1x80x128xf32, #tpu.memory_space<vmem>> -> memref<80x128xf32, #tpu.memory_space<vmem>>
    %dma_wait3A_727 = tpu.memref_slice %arg5[%multiple_of3A_721] : memref<10000xi32, #tpu.memory_space<vmem>> -> memref<80xi32, #tpu.memory_space<vmem>>
    %dma_wait3A_728 = arith.constant 0 : i32
    %dma_wait3A_729 = arith.constant 0 : i32
    %dma_wait3A_730 = tpu.memref_slice %arg6[%dma_wait3A_728, %dma_wait3A_729] : memref<400x128xf32, #tpu.memory_space<vmem_shared>> -> memref<400x128xf32, #tpu.memory_space<vmem_shared>>
    tpu.wait_indirect_dma semaphore(%arg12 : memref<!tpu.dma_semaphore, #tpu.memory_space<semaphore_mem>>) src(%dma_wait3A_730 : memref<400x128xf32, #tpu.memory_space<vmem_shared>>) dst(%dma_wait3A_726 : memref<80x128xf32, #tpu.memory_space<vmem>>)
    %add3A_731 = arith.constant 123 : i32
    %add3A_732 = arith.addi %mul3A_2, %add3A_731 : i32
    %dma_start3A_733 = arith.constant 3 : i32
    %dma_start3A_734 = arith.constant 0 : i32
    %dma_start3A_735 = arith.constant 0 : i32
    %dma_start3A_736 = tpu.memref_slice %arg7[%dma_start3A_733, %dma_start3A_734, %dma_start3A_735] : memref<10x80x128xf32, #tpu.memory_space<vmem>> -> memref<1x80x128xf32, #tpu.memory_space<vmem>>
    %dma_start3A_737 = tpu.memref_squeeze %dma_start3A_736 : memref<1x80x128xf32, #tpu.memory_space<vmem>> -> memref<80x128xf32, #tpu.memory_space<vmem>>
    %dma_start3A_738 = arith.constant 0 : i32
    %dma_start3A_739 = arith.constant 0 : i32
    %dma_start3A_740 = tpu.memref_slice %arg4[%add3A_732, %dma_start3A_738, %dma_start3A_739] : memref<4000x80x128xf32, #tpu.memory_space<hbm>> -> memref<1x80x128xf32, #tpu.memory_space<hbm>>
    %dma_start3A_741 = tpu.memref_squeeze %dma_start3A_740 : memref<1x80x128xf32, #tpu.memory_space<hbm>> -> memref<80x128xf32, #tpu.memory_space<hbm>>
    %dma_start3A_742 = arith.constant 0 : i32
    %dma_start3A_743 = arith.constant 0 : i32
    %dma_start3A_744 = tpu.memref_slice %arg4[%add3A_732, %dma_start3A_742, %dma_start3A_743] : memref<4000x80x128xf32, #tpu.memory_space<hbm>> -> memref<1x80x128xf32, #tpu.memory_space<hbm>>
    %dma_start3A_745 = tpu.memref_squeeze %dma_start3A_744 : memref<1x80x128xf32, #tpu.memory_space<hbm>> -> memref<80x128xf32, #tpu.memory_space<hbm>>
    %dma_start3A_746 = arith.constant 0 : i32
    %dma_start3A_747 = arith.constant 0 : i32
    %dma_start3A_748 = tpu.memref_slice %arg7[%dma_start3A_733, %dma_start3A_746, %dma_start3A_747] : memref<10x80x128xf32, #tpu.memory_space<vmem>> -> memref<1x80x128xf32, #tpu.memory_space<vmem>>
    %dma_start3A_749 = tpu.memref_squeeze %dma_start3A_748 : memref<1x80x128xf32, #tpu.memory_space<vmem>> -> memref<80x128xf32, #tpu.memory_space<vmem>>
    tpu.enqueue_dma source(%dma_start3A_749 : memref<80x128xf32, #tpu.memory_space<vmem>>) target(%dma_start3A_745 : memref<80x128xf32, #tpu.memory_space<hbm>>) target_semaphore(%arg22 : memref<!tpu.dma_semaphore, #tpu.memory_space<semaphore_mem>>)
    %add3A_750 = arith.constant 118 : i32
    %add3A_751 = arith.addi %mul3A_2, %add3A_750 : i32
    %dma_wait3A_752 = arith.constant 8 : i32
    %dma_wait3A_753 = arith.constant 0 : i32
    %dma_wait3A_754 = arith.constant 0 : i32
    %dma_wait3A_755 = tpu.memref_slice %arg7[%dma_wait3A_752, %dma_wait3A_753, %dma_wait3A_754] : memref<10x80x128xf32, #tpu.memory_space<vmem>> -> memref<1x80x128xf32, #tpu.memory_space<vmem>>
    %dma_wait3A_756 = tpu.memref_squeeze %dma_wait3A_755 : memref<1x80x128xf32, #tpu.memory_space<vmem>> -> memref<80x128xf32, #tpu.memory_space<vmem>>
    %dma_wait3A_757 = arith.constant 0 : i32
    %dma_wait3A_758 = arith.constant 0 : i32
    %dma_wait3A_759 = tpu.memref_slice %arg4[%add3A_751, %dma_wait3A_757, %dma_wait3A_758] : memref<4000x80x128xf32, #tpu.memory_space<hbm>> -> memref<1x80x128xf32, #tpu.memory_space<hbm>>
    %dma_wait3A_760 = tpu.memref_squeeze %dma_wait3A_759 : memref<1x80x128xf32, #tpu.memory_space<hbm>> -> memref<80x128xf32, #tpu.memory_space<hbm>>
    %dma_wait3A_761 = arith.constant 0 : i32
    %dma_wait3A_762 = arith.constant 0 : i32
    %dma_wait3A_763 = tpu.memref_slice %arg4[%add3A_751, %dma_wait3A_761, %dma_wait3A_762] : memref<4000x80x128xf32, #tpu.memory_space<hbm>> -> memref<1x80x128xf32, #tpu.memory_space<hbm>>
    %dma_wait3A_764 = tpu.memref_squeeze %dma_wait3A_763 : memref<1x80x128xf32, #tpu.memory_space<hbm>> -> memref<80x128xf32, #tpu.memory_space<hbm>>
    %dma_wait3A_765 = arith.constant 0 : i32
    %dma_wait3A_766 = arith.constant 0 : i32
    %dma_wait3A_767 = tpu.memref_slice %arg7[%dma_wait3A_752, %dma_wait3A_765, %dma_wait3A_766] : memref<10x80x128xf32, #tpu.memory_space<vmem>> -> memref<1x80x128xf32, #tpu.memory_space<vmem>>
    %dma_wait3A_768 = tpu.memref_squeeze %dma_wait3A_767 : memref<1x80x128xf32, #tpu.memory_space<vmem>> -> memref<80x128xf32, #tpu.memory_space<vmem>>
    tpu.wait_dma2 semaphore(%arg27 : memref<!tpu.dma_semaphore, #tpu.memory_space<semaphore_mem>>) src(%dma_wait3A_768 : memref<80x128xf32, #tpu.memory_space<vmem>>) dst(%dma_wait3A_764 : memref<80x128xf32, #tpu.memory_space<hbm>>)
    %multiple_of3A_769 = arith.constant 9920 : i32
    %multiple_of3A_770 = tpu.assume_multiple %multiple_of3A_769, 8 : i32
    %dma_wait3A_771 = arith.constant 4 : i32
    %dma_wait3A_772 = arith.constant 0 : i32
    %dma_wait3A_773 = arith.constant 0 : i32
    %dma_wait3A_774 = tpu.memref_slice %arg7[%dma_wait3A_771, %dma_wait3A_772, %dma_wait3A_773] : memref<10x80x128xf32, #tpu.memory_space<vmem>> -> memref<1x80x128xf32, #tpu.memory_space<vmem>>
    %dma_wait3A_775 = tpu.memref_squeeze %dma_wait3A_774 : memref<1x80x128xf32, #tpu.memory_space<vmem>> -> memref<80x128xf32, #tpu.memory_space<vmem>>
    %dma_wait3A_776 = tpu.memref_slice %arg5[%multiple_of3A_770] : memref<10000xi32, #tpu.memory_space<vmem>> -> memref<80xi32, #tpu.memory_space<vmem>>
    %dma_wait3A_777 = arith.constant 0 : i32
    %dma_wait3A_778 = arith.constant 0 : i32
    %dma_wait3A_779 = tpu.memref_slice %arg6[%dma_wait3A_777, %dma_wait3A_778] : memref<400x128xf32, #tpu.memory_space<vmem_shared>> -> memref<400x128xf32, #tpu.memory_space<vmem_shared>>
    tpu.wait_indirect_dma semaphore(%arg13 : memref<!tpu.dma_semaphore, #tpu.memory_space<semaphore_mem>>) src(%dma_wait3A_779 : memref<400x128xf32, #tpu.memory_space<vmem_shared>>) dst(%dma_wait3A_775 : memref<80x128xf32, #tpu.memory_space<vmem>>)
    %add3A_780 = arith.constant 124 : i32
    %add3A_781 = arith.addi %mul3A_2, %add3A_780 : i32
    %dma_start3A_782 = arith.constant 4 : i32
    %dma_start3A_783 = arith.constant 0 : i32
    %dma_start3A_784 = arith.constant 0 : i32
    %dma_start3A_785 = tpu.memref_slice %arg7[%dma_start3A_782, %dma_start3A_783, %dma_start3A_784] : memref<10x80x128xf32, #tpu.memory_space<vmem>> -> memref<1x80x128xf32, #tpu.memory_space<vmem>>
    %dma_start3A_786 = tpu.memref_squeeze %dma_start3A_785 : memref<1x80x128xf32, #tpu.memory_space<vmem>> -> memref<80x128xf32, #tpu.memory_space<vmem>>
    %dma_start3A_787 = arith.constant 0 : i32
    %dma_start3A_788 = arith.constant 0 : i32
    %dma_start3A_789 = tpu.memref_slice %arg4[%add3A_781, %dma_start3A_787, %dma_start3A_788] : memref<4000x80x128xf32, #tpu.memory_space<hbm>> -> memref<1x80x128xf32, #tpu.memory_space<hbm>>
    %dma_start3A_790 = tpu.memref_squeeze %dma_start3A_789 : memref<1x80x128xf32, #tpu.memory_space<hbm>> -> memref<80x128xf32, #tpu.memory_space<hbm>>
    %dma_start3A_791 = arith.constant 0 : i32
    %dma_start3A_792 = arith.constant 0 : i32
    %dma_start3A_793 = tpu.memref_slice %arg4[%add3A_781, %dma_start3A_791, %dma_start3A_792] : memref<4000x80x128xf32, #tpu.memory_space<hbm>> -> memref<1x80x128xf32, #tpu.memory_space<hbm>>
    %dma_start3A_794 = tpu.memref_squeeze %dma_start3A_793 : memref<1x80x128xf32, #tpu.memory_space<hbm>> -> memref<80x128xf32, #tpu.memory_space<hbm>>
    %dma_start3A_795 = arith.constant 0 : i32
    %dma_start3A_796 = arith.constant 0 : i32
    %dma_start3A_797 = tpu.memref_slice %arg7[%dma_start3A_782, %dma_start3A_795, %dma_start3A_796] : memref<10x80x128xf32, #tpu.memory_space<vmem>> -> memref<1x80x128xf32, #tpu.memory_space<vmem>>
    %dma_start3A_798 = tpu.memref_squeeze %dma_start3A_797 : memref<1x80x128xf32, #tpu.memory_space<vmem>> -> memref<80x128xf32, #tpu.memory_space<vmem>>
    tpu.enqueue_dma source(%dma_start3A_798 : memref<80x128xf32, #tpu.memory_space<vmem>>) target(%dma_start3A_794 : memref<80x128xf32, #tpu.memory_space<hbm>>) target_semaphore(%arg23 : memref<!tpu.dma_semaphore, #tpu.memory_space<semaphore_mem>>)
    %add3A_799 = arith.constant 119 : i32
    %add3A_800 = arith.addi %mul3A_2, %add3A_799 : i32
    %dma_wait3A_801 = arith.constant 9 : i32
    %dma_wait3A_802 = arith.constant 0 : i32
    %dma_wait3A_803 = arith.constant 0 : i32
    %dma_wait3A_804 = tpu.memref_slice %arg7[%dma_wait3A_801, %dma_wait3A_802, %dma_wait3A_803] : memref<10x80x128xf32, #tpu.memory_space<vmem>> -> memref<1x80x128xf32, #tpu.memory_space<vmem>>
    %dma_wait3A_805 = tpu.memref_squeeze %dma_wait3A_804 : memref<1x80x128xf32, #tpu.memory_space<vmem>> -> memref<80x128xf32, #tpu.memory_space<vmem>>
    %dma_wait3A_806 = arith.constant 0 : i32
    %dma_wait3A_807 = arith.constant 0 : i32
    %dma_wait3A_808 = tpu.memref_slice %arg4[%add3A_800, %dma_wait3A_806, %dma_wait3A_807] : memref<4000x80x128xf32, #tpu.memory_space<hbm>> -> memref<1x80x128xf32, #tpu.memory_space<hbm>>
    %dma_wait3A_809 = tpu.memref_squeeze %dma_wait3A_808 : memref<1x80x128xf32, #tpu.memory_space<hbm>> -> memref<80x128xf32, #tpu.memory_space<hbm>>
    %dma_wait3A_810 = arith.constant 0 : i32
    %dma_wait3A_811 = arith.constant 0 : i32
    %dma_wait3A_812 = tpu.memref_slice %arg4[%add3A_800, %dma_wait3A_810, %dma_wait3A_811] : memref<4000x80x128xf32, #tpu.memory_space<hbm>> -> memref<1x80x128xf32, #tpu.memory_space<hbm>>
    %dma_wait3A_813 = tpu.memref_squeeze %dma_wait3A_812 : memref<1x80x128xf32, #tpu.memory_space<hbm>> -> memref<80x128xf32, #tpu.memory_space<hbm>>
    %dma_wait3A_814 = arith.constant 0 : i32
    %dma_wait3A_815 = arith.constant 0 : i32
    %dma_wait3A_816 = tpu.memref_slice %arg7[%dma_wait3A_801, %dma_wait3A_814, %dma_wait3A_815] : memref<10x80x128xf32, #tpu.memory_space<vmem>> -> memref<1x80x128xf32, #tpu.memory_space<vmem>>
    %dma_wait3A_817 = tpu.memref_squeeze %dma_wait3A_816 : memref<1x80x128xf32, #tpu.memory_space<vmem>> -> memref<80x128xf32, #tpu.memory_space<vmem>>
    tpu.wait_dma2 semaphore(%arg28 : memref<!tpu.dma_semaphore, #tpu.memory_space<semaphore_mem>>) src(%dma_wait3A_817 : memref<80x128xf32, #tpu.memory_space<vmem>>) dst(%dma_wait3A_813 : memref<80x128xf32, #tpu.memory_space<hbm>>)
    %add3A_818 = arith.constant 120 : i32
    %add3A_819 = arith.addi %mul3A_2, %add3A_818 : i32
    %dma_wait3A_820 = arith.constant 0 : i32
    %dma_wait3A_821 = arith.constant 0 : i32
    %dma_wait3A_822 = arith.constant 0 : i32
    %dma_wait3A_823 = tpu.memref_slice %arg7[%dma_wait3A_820, %dma_wait3A_821, %dma_wait3A_822] : memref<10x80x128xf32, #tpu.memory_space<vmem>> -> memref<1x80x128xf32, #tpu.memory_space<vmem>>
    %dma_wait3A_824 = tpu.memref_squeeze %dma_wait3A_823 : memref<1x80x128xf32, #tpu.memory_space<vmem>> -> memref<80x128xf32, #tpu.memory_space<vmem>>
    %dma_wait3A_825 = arith.constant 0 : i32
    %dma_wait3A_826 = arith.constant 0 : i32
    %dma_wait3A_827 = tpu.memref_slice %arg4[%add3A_819, %dma_wait3A_825, %dma_wait3A_826] : memref<4000x80x128xf32, #tpu.memory_space<hbm>> -> memref<1x80x128xf32, #tpu.memory_space<hbm>>
    %dma_wait3A_828 = tpu.memref_squeeze %dma_wait3A_827 : memref<1x80x128xf32, #tpu.memory_space<hbm>> -> memref<80x128xf32, #tpu.memory_space<hbm>>
    %dma_wait3A_829 = arith.constant 0 : i32
    %dma_wait3A_830 = arith.constant 0 : i32
    %dma_wait3A_831 = tpu.memref_slice %arg4[%add3A_819, %dma_wait3A_829, %dma_wait3A_830] : memref<4000x80x128xf32, #tpu.memory_space<hbm>> -> memref<1x80x128xf32, #tpu.memory_space<hbm>>
    %dma_wait3A_832 = tpu.memref_squeeze %dma_wait3A_831 : memref<1x80x128xf32, #tpu.memory_space<hbm>> -> memref<80x128xf32, #tpu.memory_space<hbm>>
    %dma_wait3A_833 = arith.constant 0 : i32
    %dma_wait3A_834 = arith.constant 0 : i32
    %dma_wait3A_835 = tpu.memref_slice %arg7[%dma_wait3A_820, %dma_wait3A_833, %dma_wait3A_834] : memref<10x80x128xf32, #tpu.memory_space<vmem>> -> memref<1x80x128xf32, #tpu.memory_space<vmem>>
    %dma_wait3A_836 = tpu.memref_squeeze %dma_wait3A_835 : memref<1x80x128xf32, #tpu.memory_space<vmem>> -> memref<80x128xf32, #tpu.memory_space<vmem>>
    tpu.wait_dma2 semaphore(%arg19 : memref<!tpu.dma_semaphore, #tpu.memory_space<semaphore_mem>>) src(%dma_wait3A_836 : memref<80x128xf32, #tpu.memory_space<vmem>>) dst(%dma_wait3A_832 : memref<80x128xf32, #tpu.memory_space<hbm>>)
    %add3A_837 = arith.constant 121 : i32
    %add3A_838 = arith.addi %mul3A_2, %add3A_837 : i32
    %dma_wait3A_839 = arith.constant 1 : i32
    %dma_wait3A_840 = arith.constant 0 : i32
    %dma_wait3A_841 = arith.constant 0 : i32
    %dma_wait3A_842 = tpu.memref_slice %arg7[%dma_wait3A_839, %dma_wait3A_840, %dma_wait3A_841] : memref<10x80x128xf32, #tpu.memory_space<vmem>> -> memref<1x80x128xf32, #tpu.memory_space<vmem>>
    %dma_wait3A_843 = tpu.memref_squeeze %dma_wait3A_842 : memref<1x80x128xf32, #tpu.memory_space<vmem>> -> memref<80x128xf32, #tpu.memory_space<vmem>>
    %dma_wait3A_844 = arith.constant 0 : i32
    %dma_wait3A_845 = arith.constant 0 : i32
    %dma_wait3A_846 = tpu.memref_slice %arg4[%add3A_838, %dma_wait3A_844, %dma_wait3A_845] : memref<4000x80x128xf32, #tpu.memory_space<hbm>> -> memref<1x80x128xf32, #tpu.memory_space<hbm>>
    %dma_wait3A_847 = tpu.memref_squeeze %dma_wait3A_846 : memref<1x80x128xf32, #tpu.memory_space<hbm>> -> memref<80x128xf32, #tpu.memory_space<hbm>>
    %dma_wait3A_848 = arith.constant 0 : i32
    %dma_wait3A_849 = arith.constant 0 : i32
    %dma_wait3A_850 = tpu.memref_slice %arg4[%add3A_838, %dma_wait3A_848, %dma_wait3A_849] : memref<4000x80x128xf32, #tpu.memory_space<hbm>> -> memref<1x80x128xf32, #tpu.memory_space<hbm>>
    %dma_wait3A_851 = tpu.memref_squeeze %dma_wait3A_850 : memref<1x80x128xf32, #tpu.memory_space<hbm>> -> memref<80x128xf32, #tpu.memory_space<hbm>>
    %dma_wait3A_852 = arith.constant 0 : i32
    %dma_wait3A_853 = arith.constant 0 : i32
    %dma_wait3A_854 = tpu.memref_slice %arg7[%dma_wait3A_839, %dma_wait3A_852, %dma_wait3A_853] : memref<10x80x128xf32, #tpu.memory_space<vmem>> -> memref<1x80x128xf32, #tpu.memory_space<vmem>>
    %dma_wait3A_855 = tpu.memref_squeeze %dma_wait3A_854 : memref<1x80x128xf32, #tpu.memory_space<vmem>> -> memref<80x128xf32, #tpu.memory_space<vmem>>
    tpu.wait_dma2 semaphore(%arg20 : memref<!tpu.dma_semaphore, #tpu.memory_space<semaphore_mem>>) src(%dma_wait3A_855 : memref<80x128xf32, #tpu.memory_space<vmem>>) dst(%dma_wait3A_851 : memref<80x128xf32, #tpu.memory_space<hbm>>)
    %add3A_856 = arith.constant 122 : i32
    %add3A_857 = arith.addi %mul3A_2, %add3A_856 : i32
    %dma_wait3A_858 = arith.constant 2 : i32
    %dma_wait3A_859 = arith.constant 0 : i32
    %dma_wait3A_860 = arith.constant 0 : i32
    %dma_wait3A_861 = tpu.memref_slice %arg7[%dma_wait3A_858, %dma_wait3A_859, %dma_wait3A_860] : memref<10x80x128xf32, #tpu.memory_space<vmem>> -> memref<1x80x128xf32, #tpu.memory_space<vmem>>
    %dma_wait3A_862 = tpu.memref_squeeze %dma_wait3A_861 : memref<1x80x128xf32, #tpu.memory_space<vmem>> -> memref<80x128xf32, #tpu.memory_space<vmem>>
    %dma_wait3A_863 = arith.constant 0 : i32
    %dma_wait3A_864 = arith.constant 0 : i32
    %dma_wait3A_865 = tpu.memref_slice %arg4[%add3A_857, %dma_wait3A_863, %dma_wait3A_864] : memref<4000x80x128xf32, #tpu.memory_space<hbm>> -> memref<1x80x128xf32, #tpu.memory_space<hbm>>
    %dma_wait3A_866 = tpu.memref_squeeze %dma_wait3A_865 : memref<1x80x128xf32, #tpu.memory_space<hbm>> -> memref<80x128xf32, #tpu.memory_space<hbm>>
    %dma_wait3A_867 = arith.constant 0 : i32
    %dma_wait3A_868 = arith.constant 0 : i32
    %dma_wait3A_869 = tpu.memref_slice %arg4[%add3A_857, %dma_wait3A_867, %dma_wait3A_868] : memref<4000x80x128xf32, #tpu.memory_space<hbm>> -> memref<1x80x128xf32, #tpu.memory_space<hbm>>
    %dma_wait3A_870 = tpu.memref_squeeze %dma_wait3A_869 : memref<1x80x128xf32, #tpu.memory_space<hbm>> -> memref<80x128xf32, #tpu.memory_space<hbm>>
    %dma_wait3A_871 = arith.constant 0 : i32
    %dma_wait3A_872 = arith.constant 0 : i32
    %dma_wait3A_873 = tpu.memref_slice %arg7[%dma_wait3A_858, %dma_wait3A_871, %dma_wait3A_872] : memref<10x80x128xf32, #tpu.memory_space<vmem>> -> memref<1x80x128xf32, #tpu.memory_space<vmem>>
    %dma_wait3A_874 = tpu.memref_squeeze %dma_wait3A_873 : memref<1x80x128xf32, #tpu.memory_space<vmem>> -> memref<80x128xf32, #tpu.memory_space<vmem>>
    tpu.wait_dma2 semaphore(%arg21 : memref<!tpu.dma_semaphore, #tpu.memory_space<semaphore_mem>>) src(%dma_wait3A_874 : memref<80x128xf32, #tpu.memory_space<vmem>>) dst(%dma_wait3A_870 : memref<80x128xf32, #tpu.memory_space<hbm>>)
    %add3A_875 = arith.constant 123 : i32
    %add3A_876 = arith.addi %mul3A_2, %add3A_875 : i32
    %dma_wait3A_877 = arith.constant 3 : i32
    %dma_wait3A_878 = arith.constant 0 : i32
    %dma_wait3A_879 = arith.constant 0 : i32
    %dma_wait3A_880 = tpu.memref_slice %arg7[%dma_wait3A_877, %dma_wait3A_878, %dma_wait3A_879] : memref<10x80x128xf32, #tpu.memory_space<vmem>> -> memref<1x80x128xf32, #tpu.memory_space<vmem>>
    %dma_wait3A_881 = tpu.memref_squeeze %dma_wait3A_880 : memref<1x80x128xf32, #tpu.memory_space<vmem>> -> memref<80x128xf32, #tpu.memory_space<vmem>>
    %dma_wait3A_882 = arith.constant 0 : i32
    %dma_wait3A_883 = arith.constant 0 : i32
    %dma_wait3A_884 = tpu.memref_slice %arg4[%add3A_876, %dma_wait3A_882, %dma_wait3A_883] : memref<4000x80x128xf32, #tpu.memory_space<hbm>> -> memref<1x80x128xf32, #tpu.memory_space<hbm>>
    %dma_wait3A_885 = tpu.memref_squeeze %dma_wait3A_884 : memref<1x80x128xf32, #tpu.memory_space<hbm>> -> memref<80x128xf32, #tpu.memory_space<hbm>>
    %dma_wait3A_886 = arith.constant 0 : i32
    %dma_wait3A_887 = arith.constant 0 : i32
    %dma_wait3A_888 = tpu.memref_slice %arg4[%add3A_876, %dma_wait3A_886, %dma_wait3A_887] : memref<4000x80x128xf32, #tpu.memory_space<hbm>> -> memref<1x80x128xf32, #tpu.memory_space<hbm>>
    %dma_wait3A_889 = tpu.memref_squeeze %dma_wait3A_888 : memref<1x80x128xf32, #tpu.memory_space<hbm>> -> memref<80x128xf32, #tpu.memory_space<hbm>>
    %dma_wait3A_890 = arith.constant 0 : i32
    %dma_wait3A_891 = arith.constant 0 : i32
    %dma_wait3A_892 = tpu.memref_slice %arg7[%dma_wait3A_877, %dma_wait3A_890, %dma_wait3A_891] : memref<10x80x128xf32, #tpu.memory_space<vmem>> -> memref<1x80x128xf32, #tpu.memory_space<vmem>>
    %dma_wait3A_893 = tpu.memref_squeeze %dma_wait3A_892 : memref<1x80x128xf32, #tpu.memory_space<vmem>> -> memref<80x128xf32, #tpu.memory_space<vmem>>
    tpu.wait_dma2 semaphore(%arg22 : memref<!tpu.dma_semaphore, #tpu.memory_space<semaphore_mem>>) src(%dma_wait3A_893 : memref<80x128xf32, #tpu.memory_space<vmem>>) dst(%dma_wait3A_889 : memref<80x128xf32, #tpu.memory_space<hbm>>)
    %add3A_894 = arith.constant 124 : i32
    %add3A_895 = arith.addi %mul3A_2, %add3A_894 : i32
    %dma_wait3A_896 = arith.constant 4 : i32
    %dma_wait3A_897 = arith.constant 0 : i32
    %dma_wait3A_898 = arith.constant 0 : i32
    %dma_wait3A_899 = tpu.memref_slice %arg7[%dma_wait3A_896, %dma_wait3A_897, %dma_wait3A_898] : memref<10x80x128xf32, #tpu.memory_space<vmem>> -> memref<1x80x128xf32, #tpu.memory_space<vmem>>
    %dma_wait3A_900 = tpu.memref_squeeze %dma_wait3A_899 : memref<1x80x128xf32, #tpu.memory_space<vmem>> -> memref<80x128xf32, #tpu.memory_space<vmem>>
    %dma_wait3A_901 = arith.constant 0 : i32
    %dma_wait3A_902 = arith.constant 0 : i32
    %dma_wait3A_903 = tpu.memref_slice %arg4[%add3A_895, %dma_wait3A_901, %dma_wait3A_902] : memref<4000x80x128xf32, #tpu.memory_space<hbm>> -> memref<1x80x128xf32, #tpu.memory_space<hbm>>
    %dma_wait3A_904 = tpu.memref_squeeze %dma_wait3A_903 : memref<1x80x128xf32, #tpu.memory_space<hbm>> -> memref<80x128xf32, #tpu.memory_space<hbm>>
    %dma_wait3A_905 = arith.constant 0 : i32
    %dma_wait3A_906 = arith.constant 0 : i32
    %dma_wait3A_907 = tpu.memref_slice %arg4[%add3A_895, %dma_wait3A_905, %dma_wait3A_906] : memref<4000x80x128xf32, #tpu.memory_space<hbm>> -> memref<1x80x128xf32, #tpu.memory_space<hbm>>
    %dma_wait3A_908 = tpu.memref_squeeze %dma_wait3A_907 : memref<1x80x128xf32, #tpu.memory_space<hbm>> -> memref<80x128xf32, #tpu.memory_space<hbm>>
    %dma_wait3A_909 = arith.constant 0 : i32
    %dma_wait3A_910 = arith.constant 0 : i32
    %dma_wait3A_911 = tpu.memref_slice %arg7[%dma_wait3A_896, %dma_wait3A_909, %dma_wait3A_910] : memref<10x80x128xf32, #tpu.memory_space<vmem>> -> memref<1x80x128xf32, #tpu.memory_space<vmem>>
    %dma_wait3A_912 = tpu.memref_squeeze %dma_wait3A_911 : memref<1x80x128xf32, #tpu.memory_space<vmem>> -> memref<80x128xf32, #tpu.memory_space<vmem>>
    tpu.wait_dma2 semaphore(%arg23 : memref<!tpu.dma_semaphore, #tpu.memory_space<semaphore_mem>>) src(%dma_wait3A_912 : memref<80x128xf32, #tpu.memory_space<vmem>>) dst(%dma_wait3A_908 : memref<80x128xf32, #tpu.memory_space<hbm>>)
    return
  }
}

</mosaic_0001>

<sc_bundles>
// kernel: kernel.3.cloned.1.call-start
scs
__scs_entry_jumppad:
0x0: {  	(pc) =	sbr.rel $0x88, $3  }
0x1: {  	(tag) =	ssettag $0x0;
	lr =	simm.s32 $0x1  }
0x2: {  	[smem:$0x3F9F] =	sst lr;
	_ =	strace $0xD0000000  }
0x3: {  	_ = 	snop  }
0x4: {  	_ = 	snop  }
0x5: {  	_ = 	snop  }
0x6: {  	_ = 	snop  }
0x7: {  	_ = 	snop  }
__scs_overlays_trampoline_lowered:
0x8: {  	[smem:$0x3FAE] =	sst s0  }
0x9: {  	[smem:$0x3FAF] =	sst s1  }
0xa: {  	[smem:$0x3FB0] =	sst s2  }
0xb: {  	[smem:$0x3FB1] =	sst s3  }
0xc: {  	[smem:$0x3FB2] =	sst s4  }
0xd: {  	[smem:$0x3FB3] =	sst s5  }
0xe: {  	[smem:$0x3FB4] =	sst s6  }
0xf: {  	[smem:$0x3FB5] =	sst s7  }
0x10: {  	[smem:$0x3FB6] =	sst s8  }
0x11: {  	[smem:$0x3FB7] =	sst s9;
	s0 =	simm.s32 @!p0 $0x0  }
0x12: {  	s1 =	sld [smem:$0x3F9D];
	s0 =	simm.s32 @p0 $0x1  }
0x13: {  	[smem:$0x3FB8] =	sst s0;
	s0 =	simm.s32 @!p1 $0x0  }
0x14: {  	s2 =	sld [smem:$0x3F9C];
	s0 =	simm.s32 @p1 $0x1  }
0x15: {  	[smem:$0x3FB9] =	sst s0;
	s0 =	simm.s32 @!p2 $0x0  }
0x16: {  	s3 =	sld [smem:$0x3FDB];
	s0 =	simm.s32 @p2 $0x1  }
0x17: {  	s4 =	simm.s32 $0x1BF5;
	[smem:$0x3FBB] =	sst s0  }
0x18: {  	s0 =	sld [smem:$0x3F9E];
	_ =	swait.ge [sflag:s4], $0x0  }
0x19: {  	s7 =	sld [smem:$0x3F9F]  }
0x1a: {  	s8 =	sadd.s32 $0xFFFFE003, lr  }
0x1b: {  	s9 =	sadd.s32 $0xFFFFFEF7, lr;
	s5 =	simm.s32 $0xFFFFFFFF;
	p2 =	slt.u32 s8, $0xFFFFF086  }
0x1c: {  	p1 =	slt.u32 s9, $0xF7A;
	s5 =	simm.s32 @!p2 $0x0  }
0x1d: {  	s5 =	simm.s32 @p1 $0x1;
	p0 =	seq.s32 s7, s2  }
0x1e: {  	s7 =	smul.u32 @!p0 $0xF7A, s2;
	p2 =	seq.s32 @!p0 s5, $0x0  }
0x1f: {  	s9 =	smul.u32 $0xF7A, s1;
	s8 =	simm.s32 @!p0 $0x1BF5;
	p2 =	por !p2, p0  }
0x20: {  	[sflag:s8] =	ssyncset.s32 @!p0 $0xFFFFF086;
	s6 =	sadd.s32 @!p0 s3, s7;
	s7 =	simm.s32 @!p0 $0x108  }
0x21: {  	s3 =	sadd.s32 s3, s9;
	s6 =	sadd.s32 @!p0 $0x88, s6;
	s7 =	simm.s32 @p2 $0x1082  }
0x22: {  	[simem:s7], [sflag:s8] =	dma.local @!p0 [hbm:s6], $0xF7A  }
0x23: {  	s9 =	sor.u32 $0xD0000000, s2;
	s6 =	simm.s32 $0x108;
	_ =	swait.ge @!p0 [sflag:s8], $0x0  }
0x24: {  	s3 =	sadd.s32 $0x88, s3;
	s6 =	simm.s32 @!p1 $0x1082;
	[sflag:s4] =	ssyncset.s32 $0xFFFFF086  }
0x25: {  	[simem:s6], [sflag:s4] =	dma.local [hbm:s3], $0xF7A  }
0x26: {  	[smem:$0x3F9F] =	sst s1;
	(tag) =	ssettag s2;
	_ =	strace s9  }
0x27: {  	s1 =	sld [smem:$0x3FAF]  }
0x28: {  	s2 =	sld [smem:$0x3FB0]  }
0x29: {  	s4 =	sld [smem:$0x3FB2]  }
0x2a: {  	p0 =	seq.s32 s5, $0x0;
	s5 =	sld [smem:$0x3FB3]  }
0x2b: {  	s6 =	sld [smem:$0x3FB4]  }
0x2c: {  	s7 =	sld [smem:$0x3FB5]  }
0x2d: {  	s3 =	simm.s32 $0x108;
	s8 =	sld [smem:$0x3FB6]  }
0x2e: {  	s3 =	simm.s32 @!p0 $0x1082;
	s9 =	sld [smem:$0x3FB7]  }
0x2f: {  	lr =	sadd.s32 s0, s3;
	s0 =	sld [smem:$0x3FAE]  }
0x30: {  	s3 =	sld [smem:$0x3FB1]  }
0x31: {  	[smem:$0x3FBA] =	sst s10  }
0x32: {  	s10 =	sld [smem:$0x3FB8];
	_ =	sdelay $0x3  }
0x33: {  	p0 =	seq.s32 s10, $0x1;
	s10 =	sld [smem:$0x3FBA];
	_ =	sdelay $0x3  }
0x34: {  	[smem:$0x3FBA] =	sst s10  }
0x35: {  	s10 =	sld [smem:$0x3FB9];
	_ =	sdelay $0x3  }
0x36: {  	p1 =	seq.s32 s10, $0x1;
	s10 =	sld [smem:$0x3FBA];
	_ =	sdelay $0x3  }
0x37: {  	[smem:$0x3FBA] =	sst s10  }
0x38: {  	s10 =	sld [smem:$0x3FBB]  }
0x39: {  	_ = 	snop;
	(pc) =	sbr.ind lr, $3  }
0x3a: {  	_ = 	snop  }
0x3b: {  	_ = 	snop  }
0x3c: {  	p2 =	seq.s32 s10, $0x1;
	s10 =	sld [smem:$0x3FBA]  }
0x3d: {  	_ =	shalt  }
0x3e: {  	_ =	shalt  }
0x3f: {  	_ =	shalt  }
0x40: {  	_ =	shalt  }
0x41: {  	_ =	shalt  }
0x42: {  	_ =	shalt  }
0x43: {  	_ =	shalt  }
0x44: {  	_ =	shalt  }
0x45: {  	_ =	shalt  }
0x46: {  	_ =	shalt  }
0x47: {  	_ =	shalt  }
0x48: {  	_ =	shalt  }
0x49: {  	_ =	shalt  }
0x4a: {  	_ =	shalt  }
0x4b: {  	_ =	shalt  }
0x4c: {  	_ =	shalt  }
0x4d: {  	_ =	shalt  }
0x4e: {  	_ =	shalt  }
0x4f: {  	_ =	shalt  }
0x50: {  	_ =	shalt  }
0x51: {  	_ =	shalt  }
0x52: {  	_ =	shalt  }
0x53: {  	_ =	shalt  }
0x54: {  	_ =	shalt  }
0x55: {  	_ =	shalt  }
0x56: {  	_ =	shalt  }
0x57: {  	_ =	shalt  }
0x58: {  	_ =	shalt  }
0x59: {  	_ =	shalt  }
0x5a: {  	_ =	shalt  }
0x5b: {  	_ =	shalt  }
0x5c: {  	_ =	shalt  }
0x5d: {  	_ =	shalt  }
0x5e: {  	_ =	shalt  }
0x5f: {  	_ =	shalt  }
0x60: {  	_ =	shalt  }
0x61: {  	_ =	shalt  }
0x62: {  	_ =	shalt  }
0x63: {  	_ =	shalt  }
0x64: {  	_ =	shalt  }
0x65: {  	_ =	shalt  }
0x66: {  	_ =	shalt  }
0x67: {  	_ =	shalt  }
0x68: {  	_ =	shalt  }
0x69: {  	_ =	shalt  }
0x6a: {  	_ =	shalt  }
0x6b: {  	_ =	shalt  }
0x6c: {  	_ =	shalt  }
0x6d: {  	_ =	shalt  }
0x6e: {  	_ =	shalt  }
0x6f: {  	_ =	shalt  }
0x70: {  	_ =	shalt  }
0x71: {  	_ =	shalt  }
0x72: {  	_ =	shalt  }
0x73: {  	_ =	shalt  }
0x74: {  	_ =	shalt  }
0x75: {  	_ =	shalt  }
0x76: {  	_ =	shalt  }
0x77: {  	_ =	shalt  }
0x78: {  	_ =	shalt  }
0x79: {  	_ =	shalt  }
0x7a: {  	_ =	shalt  }
0x7b: {  	_ =	shalt  }
0x7c: {  	_ =	shalt  }
0x7d: {  	_ =	shalt  }
0x7e: {  	_ =	shalt  }
0x7f: {  	_ =	shalt  }
0x80: {  	_ =	shalt  }
0x81: {  	_ =	shalt  }
0x82: {  	_ =	shalt  }
0x83: {  	_ =	shalt  }
0x84: {  	_ =	shalt  }
0x85: {  	_ =	shalt  }
0x86: {  	_ =	shalt  }
0x87: {  	_ =	shalt  }
.Lfunc_end0:
.L_simem_size_0:
called_computation_lowered:
.L_overlay_start_0:
0x88: {  	s2 =	sld [smem:$0x3FD9]  }
0x89: {  	s3 =	sld [smem:$0x3FFE];
	_ =	sdelay $0x1  }
0x8a: {  	s1 =	srdreg.scid  }
0x8b: {  	s0 =	sand.u32 $0x1, s1  }
0x8c: {  	s18 =	sshll.u32 s0, $0xA;
	s2 =	sadd.s32 s3, s2  }
0x8d: {  	s2 =	sadd.s32 s2, s18  }
0x8e: {  	[smem:$0x3FC6] =	sst s2  }
0x8f: {  	_ = 	snop  }
0x90: {  	s2 =	sld [smem:$0x3FC9]  }
0x91: {  	s19 =	sld [smem:$0x3FC8]  }
0x92: {  	s4 =	sld [smem:$0x3FD0];
	(tm) =	ssettm $0x1  }
0x93: {  	s5 =	sld [smem:$0x3FFB];
	_ =	sdelay $0x3  }
0x94: {  	_ =	strace s5  }
0x95: {  	s5 =	sld [smem:$0x3FFC];
	_ =	sdelay $0x3  }
0x96: {  	_ =	strace s5  }
0x97: {  	s5 =	sld [smem:$0x3FFD];
	_ =	sdelay $0x3  }
0x98: {  	_ =	strace s5  }
0x99: {  	_ =	strace $0x8FFFFFFF  }
0x9a: {  	s20 =	sld [smem:$0x3FDB];
	_ =	sdelay $0x1  }
0x9b: {  	s6 =	simm.s32 $_scs_section_size  }
0x9c: {  	s7 =	simm.s32 $_size__tile_overlayer_lowered;
	s8 =	simm.s32 $_tile_overlayer_lowered  }
0x9d: {  	s23 =	simm.s32 $0x1BFF;
	s22 =	sshll.u32 s8, $0x1;
	s5 =	sadd.s32 s6, s20  }
0x9e: {  	s9 =	simm.s32 $0x0;
	s21 =	sshll.u32 s7, $0x1;
	s7 =	sadd.s32 s22, s5  }
0x9f: {  	[timem:s9], [sflag:s23] =	dma.local [hbm:s7], s21  }
0xa0: {  	_ =	swait.ge [sflag:s23], s21  }
0xa1: {  	s6 =	ssub.s32 $0x0, s21;
	[sflag:s23] =	ssyncset.done $0x0  }
0xa2: {  	[sflag:s23] =	ssyncadd.s32 s6;
	_ =	sdelay $0x1  }
0xa3: {  	s24 =	simm.s32 $0x1B8B  }
0xa4: {  	_ =	swait.ge [sflag:s24], $0x1  }
0xa5: {  	[sflag:s24] =	ssyncset.done $0x0  }
0xa6: {  	s25 =	simm.s32 $0x1B8E;
	[sflag:s24] =	ssyncadd.s32 $0xFFFFFFFF  }
0xa7: {  	s26 =	simm.s32 $execute0_lowered;
	[smem:$0x3FD2] =	sst s25  }
0xa8: {  	s6 =	sshll.u32 s26, $0x1;
	_ =	strace $0x80000046;
	[dreg:$0x1] =	wrdreg $0xFFFFFFFF  }
0xa9: {  	s28 =	simm.s32 $_size_execute0_lowered;
	s5 =	sadd.s32 s5, s6;
	[dreg:$0x0] =	wrdreg $0x0  }
0xaa: {  	s6 =	sshll.u32 s28, $0x1;
	[dreg:$0x2] =	wrdreg s5  }
0xab: {  	[dreg:$0x3] =	wrdreg s6  }
0xac: {  	[dreg:$0x4] =	wrdreg $0xC0  }
0xad: {  	_ =	task [dreg:s9], $0x5FFFF  }
0xae: {  	[dreg:$0x1] =	wrdreg $0xFFFFFFFF  }
0xaf: {  	[dreg:$0x0] =	wrdreg $0x60  }
0xb0: {  	[dreg:$0x2] =	wrdreg s2  }
0xb1: {  	[dreg:$0x3] =	wrdreg s19  }
0xb2: {  	[dreg:$0x4] =	wrdreg s4  }
0xb3: {  	[dreg:$0x5] =	wrdreg $0x27800  }
0xb4: {  	[dreg:$0x6] =	wrdreg $0x9  }
0xb5: {  	_ =	task.clear_ibuf [dreg:s9], $0x7FFFF;
	_ =	strace $0x90000046  }
0xb6: {  	s29 =	simm.s32 $0x9;
	_ =	strace $0x80000048  }
0xb7: {  	_ =	swait.ge [sflag:s29], $0x1  }
0xb8: {  	[sflag:s29] =	ssyncadd.s32 $0xFFFFFFFF  }
0xb9: {  	_ =	strace $0x90000048  }
0xba: {  	_ =	sfence  }
0xbb: {  	s30 =	sld [smem:$0x0];
	_ =	sdelay $0x2  }
0xbc: {  	s31 =	sshll.u32 s1, $0xD;
	s1 =	sshrl.u32 s1, $0x2  }
0xbd: {  	s3 =	sand.u32 $0x4000, s31;
	s1 =	sadd.s32 s1, s30  }
0xbe: {  	s0 =	sor.u32 s3, s0;
	s1 =	sshll.u32 s1, $0x11  }
0xbf: {  	s0 =	sor.u32 s1, s0  }
0xc0: {  	s0 =	sadd.s32 $0x8F2B, s0  }
0xc1: {  	[sflag:s0] =	ssyncadd.remote.s32 $0x1  }
0xc2: {  	_ =	sfence.sel $0xFFFF  }
0xc3: {  	[dreg:$0x0] =	wrdreg $0xFFFFFFFF;
	(pc) =	sbr.abs _section_cstart, $3  }
0xc4: {  	[dreg:$0x1] =	wrdreg $0xFFFFFFFF  }
0xc5: {  	_ =	task.clear_ibuf [dreg:s9], $0x2FFFF;
	_ =	strace $0x9FFFFFFF  }
0xc6: {  	(tm) =	ssettm $0x7FFFFFFF  }
0xc7: {  	_ =	shalt  }
tec
execute0_lowered:
.L_overlay_start_1:
0x0: {  	(tag) =	ssettag $0x1  }
0x1: {  	s0 =	rddreg [dreg:$0x0]  }
0x2: {  	s1 =	rddreg [dreg:$0x1]  }
0x3: {  	s2 =	srdreg.scid;
	s12 =	stileid.u32  }
0x4: {  	s4 =	rddreg [dreg:$0x2];
	s9 =	smul.u32 $0x5000, s12  }
0x5: {  	s5 =	sand.u32 $0x1, s2;
	s3 =	sshll.u32 s12, $0x1;
	s31 =	smul.u32 $0x280, s12  }
0x6: {  	s2 =	rddreg [dreg:$0x3];
	s22 =	smul.u32 $0x4E200, s12;
	s6 =	sor.u32 s5, s3  }
0x7: {  	s3 =	simm.s32 $0x0;
	s8 =	ssub.s32 $0x2, s5;
	s5 =	smul.u32 $0x27100, s5  }
0x8: {  	s7 =	smul.u32 $0x4E2, s6;
	[smem:$0x7FF] =	sst s3  }
0x9: {  	s10 =	sshrl.u32 s8, $0x1;
	s11 =	smul.u32 $0x138800, s6;
	s9 =	sshrl.u32 s9, $0x2  }
0xa: {  	s6 =	smul.u32 $0x27100, s6;
	s1 =	sadd.s32 s1, s31;
	_ =	strace $0x80000047  }
0xb: {  	s8 =	ssub.s32 s8, s10;
	[dreg:$0x6] =	wrdreg s1;
	s1 =	sadd.s32 s22, s4  }
0xc: {  	s11 =	sshrl.u32 s11, $0x3;
	s0 =	sadd.s32 s0, s7;
	s1 =	sadd.s32 s5, s1  }
0xd: {  	s31 =	smax.u32 s8, $0x1;
	[dreg:$0x5] =	wrdreg s0;
	s0 =	sadd.s32 s9, s2  }
0xe: {  	s9 =	sadd.s32 s4, s11;
	s11 =	sadd.s32 s4, s6;
	[dreg:$0x16] =	wrdreg s31  }
0xf: {  	s1 =	sadd.s32 $0x2300, s1;
	[dreg:$0x7] =	wrdreg s11  }
0x10: {  	s13 =	sadd.s32 $0x500, s9;
	[dreg:$0x17] =	wrdreg s1  }
0x11: {  	s14 =	sadd.s32 $0xA00, s9;
	[dreg:$0x8] =	wrdreg s13  }
0x12: {  	s15 =	sadd.s32 $0xF00, s9;
	[dreg:$0x9] =	wrdreg s14  }
0x13: {  	s16 =	sadd.s32 $0x1400, s9;
	[dreg:$0xa] =	wrdreg s15  }
0x14: {  	s17 =	sadd.s32 $0x23F00, s9;
	[dreg:$0xb] =	wrdreg s16  }
0x15: {  	s18 =	sadd.s32 $0x24400, s9;
	[dreg:$0xc] =	wrdreg s17  }
0x16: {  	s19 =	sadd.s32 $0x24900, s9;
	[dreg:$0xd] =	wrdreg s18  }
0x17: {  	s20 =	sadd.s32 $0x24E00, s9;
	[dreg:$0xe] =	wrdreg s19  }
0x18: {  	s21 =	sadd.s32 $0x25300, s9;
	[dreg:$0xf] =	wrdreg s20  }
0x19: {  	s23 =	sadd.s32 $0x25800, s9;
	[dreg:$0x10] =	wrdreg s21  }
0x1a: {  	s24 =	sadd.s32 $0x25D00, s9;
	[dreg:$0x11] =	wrdreg s23  }
0x1b: {  	s28 =	simm.s32 $0x14;
	s25 =	sadd.s32 $0x26200, s9;
	[dreg:$0x12] =	wrdreg s24  }
0x1c: {  	s29 =	simm.s32 $0x15;
	s26 =	sadd.s32 $0x26700, s9;
	[dreg:$0x13] =	wrdreg s25  }
0x1d: {  	p0 =	sgt.u32 s12, $0x9;
	s30 =	sadd.s32 $0x26C00, s9;
	[dreg:$0x14] =	wrdreg s26  }
0x1e: {  	s1 =	sshll.u32 @!p0 s12, $0x6;
	s0 =	sshrl.u32 @!p0 s0, $0x3;
	[dreg:$0x15] =	wrdreg s30  }
0x1f: {  	s22 =	simm.s32 $0x13;
	s1 =	sor.u32 @!p0 $0x1C01, s1;
	[dreg:$0x19] =	wrdreg s0  }
0x20: {  	s26 =	simm.s32 $0x50;
	s13 =	simm.s32 $0x7;
	s14 =	simm.s32 $0xC  }
0x21: {  	s15 =	simm.s32 $0x8;
	s16 =	simm.s32 $0xD;
	s17 =	simm.s32 $0x9  }
0x22: {  	s18 =	simm.s32 $0xE;
	s19 =	simm.s32 $0xA;
	s20 =	simm.s32 $0xF  }
0x23: {  	s21 =	simm.s32 $0xB;
	s23 =	simm.s32 $0x10;
	s24 =	simm.s32 $0x11  }
0x24: {  	s25 =	simm.s32 $0x12;
	[dreg:$0x18] =	wrdreg s1;
	s1 =	simm.s32 $0x0  }
.LBB2_1:
0x25: {  	[dreg:$0x1a] =	wrdreg s1  }
0x26: {  	s0 =	rddreg [dreg:$0x5]  }
0x27: {  	s1 =	rddreg [dreg:$0x18]  }
0x28: {  	s4 =	rddreg [dreg:$0x19]  }
0x29: {  	[tilespmem:s3], [sflag:$0x1] =	stream.linear.gather [hbm4b:s0+s3], $0x2710, $0x38;
	[tilespmem:$0x1C400] =	vst v63  }
0x2a: {  	s0 =	rddreg [dreg:$0x6]  }
0x2b: {  	[spmem:s4], [sflag:s1] =	dma.local @!p0 [hbm:s0], $0x280  }
0x2c: {  	s0 =	simm.s32 @!p0 $0x1  }
0x2d: {  	_ =	swait.ge @!p0 [sflag:s0], $0x280  }
0x2e: {  	[sflag:s0] =	ssyncset.done @!p0 $0x0  }
0x2f: {  	s9 =	simm.s32 $0x1;
	[sflag:s0] =	ssyncadd.s32 @!p0 $0xFFFFFD80  }
0x30: {  	_ =	swait.ge [sflag:s9], $0x2710  }
0x31: {  	[sflag:s9] =	ssyncset.done $0x0  }
0x32: {  	[sflag:s9] =	ssyncadd.s32 $0xFFFFD8F0  }
0x33: {  	s7 =	simm.s32 $0x3400;
	[bflag:$0x0] =	sbarrier.arrive $0xFFFF  }
0x34: {  	[tilespmem:s7], [sflag:$0x2] =	stream.indirect.gather [spmem:s2], $0x80, s3, s26, $0xb8;
	[tilespmem:$0x1C400] =	vst v63  }
0x35: {  	s9 =	simm.s32 $0x5C00  }
0x36: {  	[tilespmem:s9], [sflag:$0x3] =	stream.indirect.gather [spmem:s2], $0x80, s26, s26, $0xb8;
	[tilespmem:$0x1C400] =	vst v63  }
0x37: {  	s10 =	simm.s32 $0xA0;
	s11 =	simm.s32 $0x8400  }
0x38: {  	[tilespmem:s11], [sflag:$0x4] =	stream.indirect.gather [spmem:s2], $0x80, s10, s26, $0xb8;
	[tilespmem:$0x1C400] =	vst v63  }
0x39: {  	s12 =	simm.s32 $0xF0;
	s30 =	simm.s32 $0xAC00  }
0x3a: {  	[tilespmem:s30], [sflag:$0x5] =	stream.indirect.gather [spmem:s2], $0x80, s12, s26, $0xb8;
	[tilespmem:$0x1C400] =	vst v63  }
0x3b: {  	s5 =	simm.s32 $0xD400;
	s4 =	simm.s32 $0x140;
	s30 =	simm.s32 $0x2  }
0x3c: {  	[tilespmem:s5], [sflag:$0x6] =	stream.indirect.gather [spmem:s2], $0x80, s4, s26, $0xb8;
	[tilespmem:$0x1C400] =	vst v63  }
0x3d: {  	_ =	swait.ge [sflag:s30], $0x2800  }
0x3e: {  	[sflag:s30] =	ssyncset.done $0x0  }
0x3f: {  	s8 =	rddreg [dreg:$0x7];
	[sflag:s30] =	ssyncadd.s32 $0xFFFFD800  }
0x40: {  	[hbm4b:s8+s3] =	stream.linear.scatter [tilespmem:s7], [sflag:$0xC], $0x2800, $0x38;
	[tilespmem:$0x1C400] =	vst v63  }
0x41: {  	s31 =	simm.s32 $0x3;
	s10 =	simm.s32 $0x190;
	s12 =	simm.s32 $0xFC00  }
0x42: {  	[tilespmem:s12], [sflag:$0x7] =	stream.indirect.gather [spmem:s2], $0x80, s10, s26, $0xb8;
	[tilespmem:$0x1C400] =	vst v63  }
0x43: {  	_ =	swait.ge [sflag:s31], $0x2800  }
0x44: {  	[sflag:s31] =	ssyncset.done $0x0  }
0x45: {  	s5 =	rddreg [dreg:$0x8];
	[sflag:s31] =	ssyncadd.s32 $0xFFFFD800  }
0x46: {  	[hbm4b:s5+s3] =	stream.linear.scatter [tilespmem:s9], [sflag:$0xD], $0x2800, $0x38;
	[tilespmem:$0x1C400] =	vst v63  }
0x47: {  	s1 =	simm.s32 $0x4;
	s8 =	simm.s32 $0x1E0;
	s12 =	simm.s32 $0x12400  }
0x48: {  	[tilespmem:s12], [sflag:$0x8] =	stream.indirect.gather [spmem:s2], $0x80, s8, s26, $0xb8;
	[tilespmem:$0x1C400] =	vst v63  }
0x49: {  	_ =	swait.ge [sflag:s1], $0x2800  }
0x4a: {  	[sflag:s1] =	ssyncset.done $0x0  }
0x4b: {  	s5 =	rddreg [dreg:$0x9];
	[sflag:s1] =	ssyncadd.s32 $0xFFFFD800  }
0x4c: {  	[hbm4b:s5+s3] =	stream.linear.scatter [tilespmem:s11], [sflag:$0xE], $0x2800, $0x38;
	[tilespmem:$0x1C400] =	vst v63  }
0x4d: {  	s8 =	simm.s32 $0x230;
	s5 =	simm.s32 $0x14C00  }
0x4e: {  	[tilespmem:s5], [sflag:$0x9] =	stream.indirect.gather [spmem:s2], $0x80, s8, s26, $0xb8;
	[tilespmem:$0x1C400] =	vst v63  }
0x4f: {  	s5 =	simm.s32 $0x5  }
0x50: {  	_ =	swait.ge [sflag:s5], $0x2800  }
0x51: {  	[sflag:s5] =	ssyncset.done $0x0  }
0x52: {  	s6 =	simm.s32 $0xAC00;
	s8 =	rddreg [dreg:$0xa];
	[sflag:s5] =	ssyncadd.s32 $0xFFFFD800  }
0x53: {  	[hbm4b:s8+s3] =	stream.linear.scatter [tilespmem:s6], [sflag:$0xF], $0x2800, $0x38;
	[tilespmem:$0x1C400] =	vst v63  }
0x54: {  	s6 =	simm.s32 $0x280;
	s8 =	simm.s32 $0x17400  }
0x55: {  	[tilespmem:s8], [sflag:$0xA] =	stream.indirect.gather [spmem:s2], $0x80, s6, s26, $0xb8;
	[tilespmem:$0x1C400] =	vst v63  }
0x56: {  	s6 =	simm.s32 $0x6  }
0x57: {  	_ =	swait.ge [sflag:s6], $0x2800  }
0x58: {  	[sflag:s6] =	ssyncset.done $0x0  }
0x59: {  	s4 =	simm.s32 $0xD400;
	s8 =	rddreg [dreg:$0xb];
	[sflag:s6] =	ssyncadd.s32 $0xFFFFD800  }
0x5a: {  	[hbm4b:s8+s3] =	stream.linear.scatter [tilespmem:s4], [sflag:$0x10], $0x2800, $0x38;
	[tilespmem:$0x1C400] =	vst v63  }
0x5b: {  	s4 =	simm.s32 $0x2D0;
	s8 =	simm.s32 $0x19C00  }
0x5c: {  	[tilespmem:s8], [sflag:$0xB] =	stream.indirect.gather [spmem:s2], $0x80, s4, s26, $0xb8;
	[tilespmem:$0x1C400] =	vst v63  }
0x5d: {  	_ =	swait.ge [sflag:s13], $0x2800  }
0x5e: {  	[sflag:s13] =	ssyncset.done $0x0;
	s4 =	rddreg [dreg:$0x17]  }
0x5f: {  	s10 =	simm.s32 $0xFC00;
	[sflag:s13] =	ssyncadd.s32 $0xFFFFD800;
	s0 =	sadd.s32 $0xFFFFF600, s4  }
0x60: {  	[hbm4b:s0+s3] =	stream.linear.scatter [tilespmem:s10], [sflag:$0x11], $0x2800, $0x38;
	[tilespmem:$0x1C400] =	vst v63  }
0x61: {  	_ =	swait.ge [sflag:s14], $0x2800  }
0x62: {  	[sflag:s14] =	ssyncset.done $0x0  }
0x63: {  	s10 =	simm.s32 $0x320;
	[sflag:s14] =	ssyncadd.s32 $0xFFFFD800  }
0x64: {  	[tilespmem:s7], [sflag:$0x2] =	stream.indirect.gather [spmem:s2], $0x80, s10, s26, $0xb8;
	[tilespmem:$0x1C400] =	vst v63  }
0x65: {  	_ =	swait.ge [sflag:s15], $0x2800  }
0x66: {  	[sflag:s15] =	ssyncset.done $0x0  }
0x67: {  	s12 =	simm.s32 $0x12400;
	s10 =	sadd.s32 $0xFFFFFB00, s4;
	[sflag:s15] =	ssyncadd.s32 $0xFFFFD800  }
0x68: {  	[hbm4b:s10+s3] =	stream.linear.scatter [tilespmem:s12], [sflag:$0x12], $0x2800, $0x38;
	[tilespmem:$0x1C400] =	vst v63  }
0x69: {  	_ =	swait.ge [sflag:s16], $0x2800  }
0x6a: {  	[sflag:s16] =	ssyncset.done $0x0  }
0x6b: {  	s10 =	simm.s32 $0x370;
	[sflag:s16] =	ssyncadd.s32 $0xFFFFD800  }
0x6c: {  	[tilespmem:s9], [sflag:$0x3] =	stream.indirect.gather [spmem:s2], $0x80, s10, s26, $0xb8;
	[tilespmem:$0x1C400] =	vst v63  }
0x6d: {  	_ =	swait.ge [sflag:s17], $0x2800  }
0x6e: {  	[sflag:s17] =	ssyncset.done $0x0  }
0x6f: {  	s12 =	simm.s32 $0x14C00;
	[sflag:s17] =	ssyncadd.s32 $0xFFFFD800  }
0x70: {  	[hbm4b:s4+s3] =	stream.linear.scatter [tilespmem:s12], [sflag:$0x13], $0x2800, $0x38;
	[tilespmem:$0x1C400] =	vst v63  }
0x71: {  	_ =	swait.ge [sflag:s18], $0x2800  }
0x72: {  	[sflag:s18] =	ssyncset.done $0x0  }
0x73: {  	s10 =	simm.s32 $0x3C0;
	[sflag:s18] =	ssyncadd.s32 $0xFFFFD800  }
0x74: {  	[tilespmem:s11], [sflag:$0x4] =	stream.indirect.gather [spmem:s2], $0x80, s10, s26, $0xb8;
	[tilespmem:$0x1C400] =	vst v63  }
0x75: {  	_ =	swait.ge [sflag:s19], $0x2800  }
0x76: {  	[sflag:s19] =	ssyncset.done $0x0  }
0x77: {  	s12 =	sadd.s32 $0x500, s4;
	s10 =	simm.s32 $0x17400;
	[sflag:s19] =	ssyncadd.s32 $0xFFFFD800  }
0x78: {  	[hbm4b:s12+s3] =	stream.linear.scatter [tilespmem:s10], [sflag:$0x14], $0x2800, $0x38;
	[tilespmem:$0x1C400] =	vst v63  }
0x79: {  	_ =	swait.ge [sflag:s20], $0x2800  }
0x7a: {  	[sflag:s20] =	ssyncset.done $0x0  }
0x7b: {  	s0 =	simm.s32 $0x410;
	s10 =	simm.s32 $0xAC00;
	[sflag:s20] =	ssyncadd.s32 $0xFFFFD800  }
0x7c: {  	[tilespmem:s10], [sflag:$0x5] =	stream.indirect.gather [spmem:s2], $0x80, s0, s26, $0xb8;
	[tilespmem:$0x1C400] =	vst v63  }
0x7d: {  	_ =	swait.ge [sflag:s21], $0x2800  }
0x7e: {  	[sflag:s21] =	ssyncset.done $0x0  }
0x7f: {  	s0 =	sadd.s32 $0xA00, s4;
	[sflag:s21] =	ssyncadd.s32 $0xFFFFD800  }
0x80: {  	[hbm4b:s0+s3] =	stream.linear.scatter [tilespmem:s8], [sflag:$0x15], $0x2800, $0x38;
	[tilespmem:$0x1C400] =	vst v63  }
0x81: {  	_ =	swait.ge [sflag:s23], $0x2800  }
0x82: {  	[sflag:s23] =	ssyncset.done $0x0  }
0x83: {  	s0 =	simm.s32 $0x460;
	s8 =	simm.s32 $0xD400;
	[sflag:s23] =	ssyncadd.s32 $0xFFFFD800  }
0x84: {  	[tilespmem:s8], [sflag:$0x6] =	stream.indirect.gather [spmem:s2], $0x80, s0, s26, $0xb8;
	[tilespmem:$0x1C400] =	vst v63  }
0x85: {  	_ =	swait.ge [sflag:s30], $0x2800  }
0x86: {  	[sflag:s30] =	ssyncset.done $0x0  }
0x87: {  	[sflag:s30] =	ssyncadd.s32 $0xFFFFD800;
	s30 =	sadd.s32 $0xF00, s4  }
0x88: {  	[hbm4b:s30+s3] =	stream.linear.scatter [tilespmem:s7], [sflag:$0xC], $0x2800, $0x38;
	[tilespmem:$0x1C400] =	vst v63  }
0x89: {  	_ =	swait.ge [sflag:s24], $0x2800  }
0x8a: {  	[sflag:s24] =	ssyncset.done $0x0  }
0x8b: {  	s7 =	simm.s32 $0x4B0;
	s30 =	simm.s32 $0xFC00;
	[sflag:s24] =	ssyncadd.s32 $0xFFFFD800  }
0x8c: {  	[tilespmem:s30], [sflag:$0x7] =	stream.indirect.gather [spmem:s2], $0x80, s7, s26, $0xb8;
	[tilespmem:$0x1C400] =	vst v63  }
0x8d: {  	_ =	swait.ge [sflag:s31], $0x2800  }
0x8e: {  	[sflag:s31] =	ssyncset.done $0x0  }
0x8f: {  	s30 =	sadd.s32 $0x1400, s4;
	[sflag:s31] =	ssyncadd.s32 $0xFFFFD800  }
0x90: {  	[hbm4b:s30+s3] =	stream.linear.scatter [tilespmem:s9], [sflag:$0xD], $0x2800, $0x38;
	[tilespmem:$0x1C400] =	vst v63  }
0x91: {  	_ =	swait.ge [sflag:s25], $0x2800  }
0x92: {  	[sflag:s25] =	ssyncset.done $0x0  }
0x93: {  	s7 =	simm.s32 $0x500;
	s9 =	simm.s32 $0x12400;
	[sflag:s25] =	ssyncadd.s32 $0xFFFFD800  }
0x94: {  	[tilespmem:s9], [sflag:$0x8] =	stream.indirect.gather [spmem:s2], $0x80, s7, s26, $0xb8;
	[tilespmem:$0x1C400] =	vst v63  }
0x95: {  	_ =	swait.ge [sflag:s1], $0x2800  }
0x96: {  	[sflag:s1] =	ssyncset.done $0x0  }
0x97: {  	s30 =	sadd.s32 $0x1900, s4;
	[sflag:s1] =	ssyncadd.s32 $0xFFFFD800  }
0x98: {  	[hbm4b:s30+s3] =	stream.linear.scatter [tilespmem:s11], [sflag:$0xE], $0x2800, $0x38;
	[tilespmem:$0x1C400] =	vst v63  }
0x99: {  	_ =	swait.ge [sflag:s22], $0x2800  }
0x9a: {  	[sflag:s22] =	ssyncset.done $0x0  }
0x9b: {  	s7 =	simm.s32 $0x14C00;
	s1 =	simm.s32 $0x550;
	[sflag:s22] =	ssyncadd.s32 $0xFFFFD800  }
0x9c: {  	[tilespmem:s7], [sflag:$0x9] =	stream.indirect.gather [spmem:s2], $0x80, s1, s26, $0xb8;
	[tilespmem:$0x1C400] =	vst v63  }
0x9d: {  	_ =	swait.ge [sflag:s5], $0x2800  }
0x9e: {  	[sflag:s5] =	ssyncset.done $0x0  }
0x9f: {  	s9 =	sadd.s32 $0x1E00, s4;
	[sflag:s5] =	ssyncadd.s32 $0xFFFFD800  }
0xa0: {  	[hbm4b:s9+s3] =	stream.linear.scatter [tilespmem:s10], [sflag:$0xF], $0x2800, $0x38;
	[tilespmem:$0x1C400] =	vst v63  }
0xa1: {  	_ =	swait.ge [sflag:s28], $0x2800  }
0xa2: {  	[sflag:s28] =	ssyncset.done $0x0  }
0xa3: {  	s12 =	simm.s32 $0x17400;
	s11 =	simm.s32 $0x5A0;
	[sflag:s28] =	ssyncadd.s32 $0xFFFFD800  }
0xa4: {  	[tilespmem:s12], [sflag:$0xA] =	stream.indirect.gather [spmem:s2], $0x80, s11, s26, $0xb8;
	[tilespmem:$0x1C400] =	vst v63  }
0xa5: {  	_ =	swait.ge [sflag:s6], $0x2800  }
0xa6: {  	[sflag:s6] =	ssyncset.done $0x0  }
0xa7: {  	s8 =	simm.s32 $0xD400;
	s30 =	sadd.s32 $0x2300, s4;
	[sflag:s6] =	ssyncadd.s32 $0xFFFFD800  }
0xa8: {  	[hbm4b:s30+s3] =	stream.linear.scatter [tilespmem:s8], [sflag:$0x10], $0x2800, $0x38;
	[tilespmem:$0x1C400] =	vst v63  }
0xa9: {  	_ =	swait.ge [sflag:s29], $0x2800  }
0xaa: {  	s0 =	sadd.s32 $0x3200, s4;
	[sflag:s29] =	ssyncset.done $0x0  }
0xab: {  	s31 =	simm.s32 $0xC80;
	s1 =	simm.s32 $0x5F0;
	[sflag:s29] =	ssyncadd.s32 $0xFFFFD800  }
.LBB2_2:
0xac: {  	s30 =	simm.s32 $0x19C00  }
0xad: {  	[tilespmem:s30], [sflag:$0xB] =	stream.indirect.gather [spmem:s2], $0x80, s1, s26, $0xb8;
	[tilespmem:$0x1C400] =	vst v63  }
0xae: {  	s1 =	smov.u32 s31  }
0xaf: {  	p1 =	sne.s32 s31, $0x7D00;
	s31 =	sadd.s32 $0xC80, s31;
	_ =	swait.ge [sflag:s13], $0x2800  }
0xb0: {  	[sflag:s13] =	ssyncset.done $0x0  }
0xb1: {  	s4 =	sadd.s32 $0xFFFFF600, s0;
	s5 =	simm.s32 $0xFC00;
	[sflag:s13] =	ssyncadd.s32 $0xFFFFD800  }
0xb2: {  	[hbm4b:s4+s3] =	stream.linear.scatter [tilespmem:s5], [sflag:$0x11], $0x2800, $0x38;
	[tilespmem:$0x1C400] =	vst v63  }
0xb3: {  	_ =	swait.ge [sflag:s14], $0x2800  }
0xb4: {  	s1 =	sshra.s32 s1, $0x2;
	[sflag:s14] =	ssyncset.done $0x0  }
0xb5: {  	s6 =	simm.s32 $0x3400;
	s4 =	sadd.s32 $0x320, s1;
	[sflag:s14] =	ssyncadd.s32 $0xFFFFD800  }
0xb6: {  	[tilespmem:s6], [sflag:$0x2] =	stream.indirect.gather [spmem:s2], $0x80, s4, s26, $0xb8;
	[tilespmem:$0x1C400] =	vst v63  }
0xb7: {  	_ =	swait.ge [sflag:s15], $0x2800  }
0xb8: {  	[sflag:s15] =	ssyncset.done $0x0  }
0xb9: {  	s7 =	simm.s32 $0x12400;
	s4 =	sadd.s32 $0xFFFFFB00, s0;
	[sflag:s15] =	ssyncadd.s32 $0xFFFFD800  }
0xba: {  	[hbm4b:s4+s3] =	stream.linear.scatter [tilespmem:s7], [sflag:$0x12], $0x2800, $0x38;
	[tilespmem:$0x1C400] =	vst v63  }
0xbb: {  	_ =	swait.ge [sflag:s16], $0x2800  }
0xbc: {  	[sflag:s16] =	ssyncset.done $0x0  }
0xbd: {  	s8 =	simm.s32 $0x5C00;
	s4 =	sadd.s32 $0x370, s1;
	[sflag:s16] =	ssyncadd.s32 $0xFFFFD800  }
0xbe: {  	[tilespmem:s8], [sflag:$0x3] =	stream.indirect.gather [spmem:s2], $0x80, s4, s26, $0xb8;
	[tilespmem:$0x1C400] =	vst v63  }
0xbf: {  	_ =	swait.ge [sflag:s17], $0x2800  }
0xc0: {  	[sflag:s17] =	ssyncset.done $0x0  }
0xc1: {  	s9 =	simm.s32 $0x14C00;
	[sflag:s17] =	ssyncadd.s32 $0xFFFFD800  }
0xc2: {  	[hbm4b:s0+s3] =	stream.linear.scatter [tilespmem:s9], [sflag:$0x13], $0x2800, $0x38;
	[tilespmem:$0x1C400] =	vst v63  }
0xc3: {  	_ =	swait.ge [sflag:s18], $0x2800  }
0xc4: {  	[sflag:s18] =	ssyncset.done $0x0  }
0xc5: {  	s10 =	simm.s32 $0x8400;
	s4 =	sadd.s32 $0x3C0, s1;
	[sflag:s18] =	ssyncadd.s32 $0xFFFFD800  }
0xc6: {  	[tilespmem:s10], [sflag:$0x4] =	stream.indirect.gather [spmem:s2], $0x80, s4, s26, $0xb8;
	[tilespmem:$0x1C400] =	vst v63  }
0xc7: {  	_ =	swait.ge [sflag:s19], $0x2800  }
0xc8: {  	[sflag:s19] =	ssyncset.done $0x0  }
0xc9: {  	s11 =	simm.s32 $0x17400;
	s4 =	sadd.s32 $0x500, s0;
	[sflag:s19] =	ssyncadd.s32 $0xFFFFD800  }
0xca: {  	[hbm4b:s4+s3] =	stream.linear.scatter [tilespmem:s11], [sflag:$0x14], $0x2800, $0x38;
	[tilespmem:$0x1C400] =	vst v63  }
0xcb: {  	_ =	swait.ge [sflag:s20], $0x2800  }
0xcc: {  	[sflag:s20] =	ssyncset.done $0x0  }
0xcd: {  	s12 =	simm.s32 $0xAC00;
	s4 =	sadd.s32 $0x410, s1;
	[sflag:s20] =	ssyncadd.s32 $0xFFFFD800  }
0xce: {  	[tilespmem:s12], [sflag:$0x5] =	stream.indirect.gather [spmem:s2], $0x80, s4, s26, $0xb8;
	[tilespmem:$0x1C400] =	vst v63  }
0xcf: {  	_ =	swait.ge [sflag:s21], $0x2800  }
0xd0: {  	[sflag:s21] =	ssyncset.done $0x0  }
0xd1: {  	s4 =	sadd.s32 $0xA00, s0;
	[sflag:s21] =	ssyncadd.s32 $0xFFFFD800  }
0xd2: {  	[hbm4b:s4+s3] =	stream.linear.scatter [tilespmem:s30], [sflag:$0x15], $0x2800, $0x38;
	[tilespmem:$0x1C400] =	vst v63  }
0xd3: {  	_ =	swait.ge [sflag:s23], $0x2800  }
0xd4: {  	[sflag:s23] =	ssyncset.done $0x0  }
0xd5: {  	s4 =	sadd.s32 $0x460, s1;
	s30 =	simm.s32 $0xD400;
	[sflag:s23] =	ssyncadd.s32 $0xFFFFD800  }
0xd6: {  	[tilespmem:s30], [sflag:$0x6] =	stream.indirect.gather [spmem:s2], $0x80, s4, s26, $0xb8;
	[tilespmem:$0x1C400] =	vst v63  }
0xd7: {  	s4 =	simm.s32 $0x2  }
0xd8: {  	_ =	swait.ge [sflag:s4], $0x2800  }
0xd9: {  	[sflag:s4] =	ssyncset.done $0x0  }
0xda: {  	[sflag:s4] =	ssyncadd.s32 $0xFFFFD800;
	s4 =	sadd.s32 $0xF00, s0  }
0xdb: {  	[hbm4b:s4+s3] =	stream.linear.scatter [tilespmem:s6], [sflag:$0xC], $0x2800, $0x38;
	[tilespmem:$0x1C400] =	vst v63  }
0xdc: {  	_ =	swait.ge [sflag:s24], $0x2800  }
0xdd: {  	[sflag:s24] =	ssyncset.done $0x0  }
0xde: {  	s4 =	sadd.s32 $0x4B0, s1;
	[sflag:s24] =	ssyncadd.s32 $0xFFFFD800  }
0xdf: {  	[tilespmem:s5], [sflag:$0x7] =	stream.indirect.gather [spmem:s2], $0x80, s4, s26, $0xb8;
	[tilespmem:$0x1C400] =	vst v63  }
0xe0: {  	s6 =	simm.s32 $0xFC00;
	s4 =	simm.s32 $0x3  }
0xe1: {  	_ =	swait.ge [sflag:s4], $0x2800  }
0xe2: {  	[sflag:s4] =	ssyncset.done $0x0  }
0xe3: {  	[sflag:s4] =	ssyncadd.s32 $0xFFFFD800;
	s4 =	sadd.s32 $0x1400, s0  }
0xe4: {  	[hbm4b:s4+s3] =	stream.linear.scatter [tilespmem:s8], [sflag:$0xD], $0x2800, $0x38;
	[tilespmem:$0x1C400] =	vst v63  }
0xe5: {  	_ =	swait.ge [sflag:s25], $0x2800  }
0xe6: {  	[sflag:s25] =	ssyncset.done $0x0  }
0xe7: {  	s4 =	sadd.s32 $0x500, s1;
	[sflag:s25] =	ssyncadd.s32 $0xFFFFD800  }
0xe8: {  	[tilespmem:s7], [sflag:$0x8] =	stream.indirect.gather [spmem:s2], $0x80, s4, s26, $0xb8;
	[tilespmem:$0x1C400] =	vst v63  }
0xe9: {  	s5 =	simm.s32 $0x12400;
	s4 =	simm.s32 $0x4  }
0xea: {  	_ =	swait.ge [sflag:s4], $0x2800  }
0xeb: {  	[sflag:s4] =	ssyncset.done $0x0  }
0xec: {  	[sflag:s4] =	ssyncadd.s32 $0xFFFFD800;
	s4 =	sadd.s32 $0x1900, s0  }
0xed: {  	[hbm4b:s4+s3] =	stream.linear.scatter [tilespmem:s10], [sflag:$0xE], $0x2800, $0x38;
	[tilespmem:$0x1C400] =	vst v63  }
0xee: {  	_ =	swait.ge [sflag:s22], $0x2800  }
0xef: {  	[sflag:s22] =	ssyncset.done $0x0  }
0xf0: {  	s4 =	sadd.s32 $0x550, s1;
	[sflag:s22] =	ssyncadd.s32 $0xFFFFD800  }
0xf1: {  	[tilespmem:s9], [sflag:$0x9] =	stream.indirect.gather [spmem:s2], $0x80, s4, s26, $0xb8;
	[tilespmem:$0x1C400] =	vst v63  }
0xf2: {  	s7 =	simm.s32 $0x14C00;
	s4 =	simm.s32 $0x5  }
0xf3: {  	_ =	swait.ge [sflag:s4], $0x2800  }
0xf4: {  	[sflag:s4] =	ssyncset.done $0x0  }
0xf5: {  	[sflag:s4] =	ssyncadd.s32 $0xFFFFD800;
	s4 =	sadd.s32 $0x1E00, s0  }
0xf6: {  	[hbm4b:s4+s3] =	stream.linear.scatter [tilespmem:s12], [sflag:$0xF], $0x2800, $0x38;
	[tilespmem:$0x1C400] =	vst v63  }
0xf7: {  	_ =	swait.ge [sflag:s28], $0x2800  }
0xf8: {  	[sflag:s28] =	ssyncset.done $0x0  }
0xf9: {  	s4 =	sadd.s32 $0x5A0, s1;
	[sflag:s28] =	ssyncadd.s32 $0xFFFFD800  }
0xfa: {  	[tilespmem:s11], [sflag:$0xA] =	stream.indirect.gather [spmem:s2], $0x80, s4, s26, $0xb8;
	[tilespmem:$0x1C400] =	vst v63  }
0xfb: {  	s8 =	simm.s32 $0x17400;
	s4 =	simm.s32 $0x6  }
0xfc: {  	_ =	swait.ge [sflag:s4], $0x2800  }
0xfd: {  	[sflag:s4] =	ssyncset.done $0x0  }
.Ltmp0:
0xfe: {  	[sflag:s4] =	ssyncadd.s32 $0xFFFFD800;
	s4 =	sadd.s32 $0x2300, s0;
	(pc) =	sbr.rel @p1 .LBB2_2-.Ltmp0, $4  }
0xff: {  	[hbm4b:s4+s3] =	stream.linear.scatter [tilespmem:s30], [sflag:$0x10], $0x2800, $0x38;
	[tilespmem:$0x1C400] =	vst v63  }
0x100: {  	_ =	swait.ge [sflag:s29], $0x2800  }
0x101: {  	[sflag:s29] =	ssyncset.done $0x0  }
0x102: {  	s1 =	sadd.s32 $0x5F0, s1;
	s0 =	sadd.s32 $0x3200, s0;
	[sflag:s29] =	ssyncadd.s32 $0xFFFFD800  }
0x103: {  	s9 =	simm.s32 $0x19C00  }
0x104: {  	[tilespmem:s9], [sflag:$0xB] =	stream.indirect.gather [spmem:s2], $0x80, s1, s26, $0xb8;
	[tilespmem:$0x1C400] =	vst v63  }
0x105: {  	_ =	swait.ge [sflag:s13], $0x2800  }
0x106: {  	[sflag:s13] =	ssyncset.done $0x0  }
0x107: {  	s0 =	rddreg [dreg:$0xc];
	[sflag:s13] =	ssyncadd.s32 $0xFFFFD800  }
0x108: {  	[hbm4b:s0+s3] =	stream.linear.scatter [tilespmem:s6], [sflag:$0x11], $0x2800, $0x38;
	[tilespmem:$0x1C400] =	vst v63  }
0x109: {  	_ =	swait.ge [sflag:s14], $0x2800  }
0x10a: {  	[sflag:s14] =	ssyncset.done $0x0  }
0x10b: {  	s10 =	simm.s32 $0x2580;
	s1 =	simm.s32 $0x3400;
	[sflag:s14] =	ssyncadd.s32 $0xFFFFD800  }
0x10c: {  	[tilespmem:s1], [sflag:$0x2] =	stream.indirect.gather [spmem:s2], $0x80, s10, s26, $0xb8;
	[tilespmem:$0x1C400] =	vst v63  }
0x10d: {  	_ =	swait.ge [sflag:s15], $0x2800  }
0x10e: {  	[sflag:s15] =	ssyncset.done $0x0  }
0x10f: {  	s11 =	rddreg [dreg:$0xd];
	[sflag:s15] =	ssyncadd.s32 $0xFFFFD800  }
0x110: {  	[hbm4b:s11+s3] =	stream.linear.scatter [tilespmem:s5], [sflag:$0x12], $0x2800, $0x38;
	[tilespmem:$0x1C400] =	vst v63  }
0x111: {  	_ =	swait.ge [sflag:s16], $0x2800  }
0x112: {  	[sflag:s16] =	ssyncset.done $0x0  }
0x113: {  	s4 =	simm.s32 $0x5C00;
	s12 =	simm.s32 $0x25D0;
	[sflag:s16] =	ssyncadd.s32 $0xFFFFD800  }
0x114: {  	[tilespmem:s4], [sflag:$0x3] =	stream.indirect.gather [spmem:s2], $0x80, s12, s26, $0xb8;
	[tilespmem:$0x1C400] =	vst v63  }
0x115: {  	_ =	swait.ge [sflag:s17], $0x2800  }
0x116: {  	[sflag:s17] =	ssyncset.done $0x0  }
0x117: {  	s30 =	rddreg [dreg:$0xe];
	[sflag:s17] =	ssyncadd.s32 $0xFFFFD800  }
0x118: {  	[hbm4b:s30+s3] =	stream.linear.scatter [tilespmem:s7], [sflag:$0x13], $0x2800, $0x38;
	[tilespmem:$0x1C400] =	vst v63  }
0x119: {  	_ =	swait.ge [sflag:s18], $0x2800  }
0x11a: {  	[sflag:s18] =	ssyncset.done $0x0  }
0x11b: {  	s31 =	simm.s32 $0x2620;
	s6 =	simm.s32 $0x8400;
	[sflag:s18] =	ssyncadd.s32 $0xFFFFD800  }
0x11c: {  	[tilespmem:s6], [sflag:$0x4] =	stream.indirect.gather [spmem:s2], $0x80, s31, s26, $0xb8;
	[tilespmem:$0x1C400] =	vst v63  }
0x11d: {  	_ =	swait.ge [sflag:s19], $0x2800  }
0x11e: {  	[sflag:s19] =	ssyncset.done $0x0  }
0x11f: {  	s5 =	rddreg [dreg:$0xf];
	[sflag:s19] =	ssyncadd.s32 $0xFFFFD800  }
0x120: {  	[hbm4b:s5+s3] =	stream.linear.scatter [tilespmem:s8], [sflag:$0x14], $0x2800, $0x38;
	[tilespmem:$0x1C400] =	vst v63  }
0x121: {  	_ =	swait.ge [sflag:s20], $0x2800  }
0x122: {  	[sflag:s20] =	ssyncset.done $0x0  }
0x123: {  	s7 =	simm.s32 $0x2670;
	s8 =	simm.s32 $0xAC00;
	[sflag:s20] =	ssyncadd.s32 $0xFFFFD800  }
0x124: {  	[tilespmem:s8], [sflag:$0x5] =	stream.indirect.gather [spmem:s2], $0x80, s7, s26, $0xb8;
	[tilespmem:$0x1C400] =	vst v63  }
0x125: {  	_ =	swait.ge [sflag:s21], $0x2800  }
0x126: {  	[sflag:s21] =	ssyncset.done $0x0  }
0x127: {  	s10 =	rddreg [dreg:$0x10];
	[sflag:s21] =	ssyncadd.s32 $0xFFFFD800  }
0x128: {  	[hbm4b:s10+s3] =	stream.linear.scatter [tilespmem:s9], [sflag:$0x15], $0x2800, $0x38;
	[tilespmem:$0x1C400] =	vst v63  }
0x129: {  	_ =	swait.ge [sflag:s23], $0x2800  }
0x12a: {  	s11 =	simm.s32 $0x26C0;
	[sflag:s23] =	ssyncset.done $0x0  }
0x12b: {  	s12 =	simm.s32 $0x2;
	s10 =	simm.s32 $0xD400;
	[sflag:s23] =	ssyncadd.s32 $0xFFFFD800  }
0x12c: {  	[tilespmem:s10], [sflag:$0x6] =	stream.indirect.gather [spmem:s2], $0x80, s11, s26, $0xb8;
	[tilespmem:$0x1C400] =	vst v63  }
0x12d: {  	_ =	swait.ge [sflag:s12], $0x2800  }
0x12e: {  	[sflag:s12] =	ssyncset.done $0x0  }
0x12f: {  	s30 =	rddreg [dreg:$0x11];
	[sflag:s12] =	ssyncadd.s32 $0xFFFFD800  }
0x130: {  	[hbm4b:s30+s3] =	stream.linear.scatter [tilespmem:s1], [sflag:$0xC], $0x2800, $0x38;
	[tilespmem:$0x1C400] =	vst v63  }
0x131: {  	_ =	swait.ge [sflag:s24], $0x2800  }
0x132: {  	[sflag:s24] =	ssyncset.done $0x0  }
0x133: {  	s31 =	simm.s32 $0x3;
	[sflag:s24] =	ssyncadd.s32 $0xFFFFD800  }
0x134: {  	_ =	swait.ge [sflag:s31], $0x2800  }
0x135: {  	[sflag:s31] =	ssyncset.done $0x0  }
0x136: {  	s1 =	rddreg [dreg:$0x12];
	[sflag:s31] =	ssyncadd.s32 $0xFFFFD800  }
0x137: {  	[hbm4b:s1+s3] =	stream.linear.scatter [tilespmem:s4], [sflag:$0xD], $0x2800, $0x38;
	[tilespmem:$0x1C400] =	vst v63  }
0x138: {  	_ =	swait.ge [sflag:s25], $0x2800  }
0x139: {  	[sflag:s25] =	ssyncset.done $0x0  }
0x13a: {  	s4 =	simm.s32 $0x4;
	[sflag:s25] =	ssyncadd.s32 $0xFFFFD800  }
0x13b: {  	_ =	swait.ge [sflag:s4], $0x2800  }
0x13c: {  	[sflag:s4] =	ssyncset.done $0x0  }
0x13d: {  	s5 =	rddreg [dreg:$0x13];
	[sflag:s4] =	ssyncadd.s32 $0xFFFFD800  }
0x13e: {  	[hbm4b:s5+s3] =	stream.linear.scatter [tilespmem:s6], [sflag:$0xE], $0x2800, $0x38;
	[tilespmem:$0x1C400] =	vst v63  }
0x13f: {  	_ =	swait.ge [sflag:s22], $0x2800  }
0x140: {  	[sflag:s22] =	ssyncset.done $0x0  }
0x141: {  	s7 =	simm.s32 $0x5;
	[sflag:s22] =	ssyncadd.s32 $0xFFFFD800  }
0x142: {  	_ =	swait.ge [sflag:s7], $0x2800  }
0x143: {  	[sflag:s7] =	ssyncset.done $0x0  }
0x144: {  	s9 =	rddreg [dreg:$0x14];
	[sflag:s7] =	ssyncadd.s32 $0xFFFFD800  }
0x145: {  	[hbm4b:s9+s3] =	stream.linear.scatter [tilespmem:s8], [sflag:$0xF], $0x2800, $0x38;
	[tilespmem:$0x1C400] =	vst v63  }
0x146: {  	_ =	swait.ge [sflag:s28], $0x2800  }
0x147: {  	[sflag:s28] =	ssyncset.done $0x0  }
0x148: {  	s11 =	simm.s32 $0x6;
	[sflag:s28] =	ssyncadd.s32 $0xFFFFD800  }
0x149: {  	_ =	swait.ge [sflag:s11], $0x2800  }
0x14a: {  	[sflag:s11] =	ssyncset.done $0x0  }
0x14b: {  	s12 =	rddreg [dreg:$0x15];
	[sflag:s11] =	ssyncadd.s32 $0xFFFFD800  }
0x14c: {  	[hbm4b:s12+s3] =	stream.linear.scatter [tilespmem:s10], [sflag:$0x10], $0x2800, $0x38;
	[tilespmem:$0x1C400] =	vst v63  }
0x14d: {  	_ =	swait.ge [sflag:s29], $0x2800  }
0x14e: {  	[sflag:s29] =	ssyncset.done $0x0  }
0x14f: {  	[sflag:s29] =	ssyncadd.s32 $0xFFFFD800  }
0x150: {  	_ =	swait.ge [sflag:s14], $0x2800  }
0x151: {  	[sflag:s14] =	ssyncset.done $0x0  }
0x152: {  	[sflag:s14] =	ssyncadd.s32 $0xFFFFD800  }
0x153: {  	_ =	swait.ge [sflag:s16], $0x2800  }
0x154: {  	[sflag:s16] =	ssyncset.done $0x0  }
0x155: {  	[sflag:s16] =	ssyncadd.s32 $0xFFFFD800  }
0x156: {  	_ =	swait.ge [sflag:s18], $0x2800  }
0x157: {  	[sflag:s18] =	ssyncset.done $0x0  }
0x158: {  	[sflag:s18] =	ssyncadd.s32 $0xFFFFD800  }
0x159: {  	_ =	swait.ge [sflag:s20], $0x2800  }
0x15a: {  	[sflag:s20] =	ssyncset.done $0x0  }
0x15b: {  	[sflag:s20] =	ssyncadd.s32 $0xFFFFD800  }
0x15c: {  	_ =	swait.ge [sflag:s23], $0x2800  }
0x15d: {  	s30 =	rddreg [dreg:$0x1a]  }
0x15e: {  	s31 =	rddreg [dreg:$0x16];
	s1 =	sadd.s32 $0x1, s30  }
0x15f: {  	p1 =	sne.s32 s1, s31  }
.Ltmp1:
0x160: {  	_ = 	snop;
	(pc) =	sbr.rel @p1 .LBB2_1-.Ltmp1, $3  }
0x161: {  	_ =	sdelay $0x1  }
0x162: {  	[sflag:s23] =	ssyncset.done $0x0  }
0x163: {  	[sflag:s23] =	ssyncadd.s32 $0xFFFFD800  }
0x164: {  	_ =	sfence.sel $0x180000  }
0x165: {  	[bflag:$0x0] =	sbarrier.arrive $0xFFFF  }
0x166: {  	_ =	strace $0x90000047  }
0x167: {  	s0 =	stileid.u32;
	[bflag:$0x2] =	sbarrier.arrive $0xFFFF  }
0x168: {  	p0 =	sne.s32 s0, $0x0;
	s0 =	rddreg [dreg:$0x4]  }
0x169: {  	s0 =	sadd.s32 @!p0 $0x100000, s0  }
0x16a: {  	[sflag:s0] =	ssyncadd.tile.s32 @!p0 $0x1;
	_ =	shalt  }
.Lfunc_end2:
_tile_overlayer_lowered:
.L_overlay_start_2:
0x16b: {  	(tag) =	ssettag $0x2  }
0x16c: {  	s0 =	rddreg [dreg:$0x0];
	s2 =	stileid.u32  }
0x16d: {  	s1 =	rddreg [dreg:$0x1];
	p0 =	sne.s32 s2, $0x0  }
0x16e: {  	s3 =	rddreg [dreg:$0x2];
	[bflag:$0x3] =	sbarrier.arrive $0xFFFF;
	s2 =	simm.s32 @!p0 $0x1C16  }
0x16f: {  	[timem:s3], [sflag:s2] =	dma.local @!p0 [hbm:s0], s1  }
0x170: {  	s0 =	simm.s32 @!p0 $0x16  }
0x171: {  	_ =	swait.ge @!p0 [sflag:s0], s1  }
0x172: {  	s1 =	ssub.s32 @!p0 $0x0, s1;
	[sflag:s0] =	ssyncset.done @!p0 $0x0  }
0x173: {  	[sflag:s0] =	ssyncadd.s32 @!p0 s1  }
0x174: {  	[bflag:$0x3] =	sbarrier.arrive $0xFFFF  }
0x175: {  	_ =	shalt  }

</sc_bundles>
